<compile_context>
chip_gen: v7x
topology: tpu7x:2x2x1
jax: 0.10.2.dev20260603
libtpu: 0.0.44.dev20260713+nightly
codegen_flags: <defaults>
</compile_context>

<pallas_src>
import functools

import jax
import jax.numpy as jnp
from jax import lax
from jax.experimental import pallas as pl
from jax.experimental.pallas import tpu as pltpu
from jax.experimental.pallas import tpu_sc as plsc

B, S = 4096, 50
E = 128
NW = 32
BPW = B // NW
CH = 64
NCH = S * (BPW // CH)
NBUF = 10
NSTEPS = NCH // NBUF


def _make_kernel():
    mesh = plsc.VectorSubcoreMesh(core_axis_name="c", subcore_axis_name="s")

    @functools.partial(
        pl.kernel,
        mesh=mesh,
        out_type=jax.ShapeDtypeStruct((S, B, E), jnp.float32),
        scratch_types=(
            [pltpu.VMEM((S, BPW), jnp.int32)]
            + [pltpu.VMEM((CH, E), jnp.float32) for _ in range(NBUF)]
            + [pltpu.SemaphoreType.DMA for _ in range(2 * NBUF)]
        ),
    )
    def k(idx_hbm, table_hbm, out_hbm, idx_v, *rest):
        bufs = rest[:NBUF]
        gsem = rest[NBUF:2 * NBUF]
        osem = rest[2 * NBUF:]
        wid = lax.axis_index("s") * 2 + lax.axis_index("c")
        b0 = wid * BPW
        pltpu.sync_copy(idx_hbm.at[wid], idx_v)

        def src(c):
            return table_hbm.at[idx_v.at[c // 2].at[pl.ds((c % 2) * CH, CH)]]

        def dst(c):
            return out_hbm.at[c // 2].at[pl.ds(b0 + (c % 2) * CH, CH)]

        for r in range(NBUF):
            pltpu.async_copy(src(r), bufs[r], gsem[r])

        def body(i, carry):
            c0 = i * NBUF
            for r in range(NBUF):
                c = c0 + r
                pltpu.make_async_copy(src(c), bufs[r], gsem[r]).wait()
                pltpu.async_copy(bufs[r], dst(c), osem[r])
            for r in range(NBUF):
                c = c0 + r
                pltpu.make_async_copy(bufs[r], dst(c), osem[r]).wait()
                pltpu.async_copy(src(c + NBUF), bufs[r], gsem[r])
            return carry

        lax.fori_loop(0, NSTEPS - 1, body, 0)

        c0 = (NSTEPS - 1) * NBUF
        for r in range(NBUF):
            c = c0 + r
            pltpu.make_async_copy(src(c), bufs[r], gsem[r]).wait()
            pltpu.async_copy(bufs[r], dst(c), osem[r])
        for r in range(NBUF):
            c = c0 + r
            pltpu.make_async_copy(bufs[r], dst(c), osem[r]).wait()

    return k


_kernel = _make_kernel()


@jax.jit
def kernel(x, table):
    idx = x.T.reshape(S, NW, BPW).swapaxes(0, 1)
    out_t = _kernel(idx, table)
    return out_t.transpose(1, 0, 2)

# --- scband reference (transcript-rebuilt; emitter-appended) ---
"""Pipeline reference for scband-embedding-1760936591614 (READ-ONLY COPY).

The authoritative reference and input builder live on the scoring server;
editing this copy changes nothing except your own understanding.
"""

import jax, jax.numpy as jnp
import numpy as np

def _align(n_vocab, align=64):
    return (n_vocab + align - 1) // align * align

VOCAB = 100000
E = 128
ALIGNED = _align(VOCAB)

def setup_inputs(seed: int = 0) -> dict:
    key = jax.random.key(seed)
    k1, k2 = jax.random.split(key)
    x = jax.random.randint(k1, (4096, 50), 0, VOCAB, dtype=jnp.int64 if jax.config.jax_enable_x64 else jnp.int32)
    table = jax.random.normal(k2, (ALIGNED, E), dtype=jnp.float32)
    return {"x": x, "table": table}

def reference(x, table):
    # nn.Embedding forward: gather rows of the table by index
    return jnp.take(table, x, axis=0)

if __name__ == "__main__":
    import jax
    _d = setup_inputs()
    print(jax.jit(kernel)(*tuple(_d.values())))

</pallas_src>

<mosaic_0001>
#map = affine_map<(d0, d1) -> (0, 0, 0)>
#map1 = affine_map<(d0, d1) -> (0, 0)>
module attributes {stable_mosaic.version = 14 : i64} {
  func.func @k(%arg0: i32, %arg1: i32, %arg2: memref<32x50x128xi32, #tpu.memory_space<hbm>>, %arg3: memref<100032x128xf32, #tpu.memory_space<hbm>>, %arg4: memref<50x4096x128xf32, #tpu.memory_space<hbm>>, %arg5: memref<50x128xi32, #tpu.memory_space<vmem>>, %arg6: memref<64x128xf32, #tpu.memory_space<vmem>>, %arg7: memref<64x128xf32, #tpu.memory_space<vmem>>, %arg8: memref<64x128xf32, #tpu.memory_space<vmem>>, %arg9: memref<64x128xf32, #tpu.memory_space<vmem>>, %arg10: memref<64x128xf32, #tpu.memory_space<vmem>>, %arg11: memref<64x128xf32, #tpu.memory_space<vmem>>, %arg12: memref<64x128xf32, #tpu.memory_space<vmem>>, %arg13: memref<64x128xf32, #tpu.memory_space<vmem>>, %arg14: memref<64x128xf32, #tpu.memory_space<vmem>>, %arg15: memref<64x128xf32, #tpu.memory_space<vmem>>, %arg16: memref<!tpu.dma_semaphore, #tpu.memory_space<semaphore_mem>>, %arg17: memref<!tpu.dma_semaphore, #tpu.memory_space<semaphore_mem>>, %arg18: memref<!tpu.dma_semaphore, #tpu.memory_space<semaphore_mem>>, %arg19: memref<!tpu.dma_semaphore, #tpu.memory_space<semaphore_mem>>, %arg20: memref<!tpu.dma_semaphore, #tpu.memory_space<semaphore_mem>>, %arg21: memref<!tpu.dma_semaphore, #tpu.memory_space<semaphore_mem>>, %arg22: memref<!tpu.dma_semaphore, #tpu.memory_space<semaphore_mem>>, %arg23: memref<!tpu.dma_semaphore, #tpu.memory_space<semaphore_mem>>, %arg24: memref<!tpu.dma_semaphore, #tpu.memory_space<semaphore_mem>>, %arg25: memref<!tpu.dma_semaphore, #tpu.memory_space<semaphore_mem>>, %arg26: memref<!tpu.dma_semaphore, #tpu.memory_space<semaphore_mem>>, %arg27: memref<!tpu.dma_semaphore, #tpu.memory_space<semaphore_mem>>, %arg28: memref<!tpu.dma_semaphore, #tpu.memory_space<semaphore_mem>>, %arg29: memref<!tpu.dma_semaphore, #tpu.memory_space<semaphore_mem>>, %arg30: memref<!tpu.dma_semaphore, #tpu.memory_space<semaphore_mem>>, %arg31: memref<!tpu.dma_semaphore, #tpu.memory_space<semaphore_mem>>, %arg32: memref<!tpu.dma_semaphore, #tpu.memory_space<semaphore_mem>>, %arg33: memref<!tpu.dma_semaphore, #tpu.memory_space<semaphore_mem>>, %arg34: memref<!tpu.dma_semaphore, #tpu.memory_space<semaphore_mem>>, %arg35: memref<!tpu.dma_semaphore, #tpu.memory_space<semaphore_mem>>) attributes {dimension_semantics = [#tpu.dimension_semantics<core_parallel>, #tpu.dimension_semantics<subcore_parallel>], iteration_bounds = array<i64: 2, 16>, scalar_prefetch = 0 : i64, scratch_operands = 31 : i64, tpu.core_type = #tpu.core_type<sc_vector_subcore>, window_params = [{transform_indices = #map}, {transform_indices = #map1}, {transform_indices = #map}]} {
    %mul3A = arith.constant 2 : i32
    %mul3A_0 = arith.muli %arg1, %mul3A : i32
    %add3A = arith.addi %mul3A_0, %arg0 : i32
    %mul3A_1 = arith.constant 128 : i32
    %mul3A_2 = arith.muli %add3A, %mul3A_1 : i32
    "tpu.region"() ({
      %run_scoped3A = tpu.sem_alloc : memref<!tpu.dma_semaphore, #tpu.memory_space<semaphore_mem>>
      %dma_start3A_486 = arith.constant 0 : i32
      %dma_start3A_487 = arith.constant 0 : i32
      %dma_start3A_488 = tpu.memref_slice %arg2[%add3A, %dma_start3A_486, %dma_start3A_487] : memref<32x50x128xi32, #tpu.memory_space<hbm>> -> memref<1x50x128xi32, #tpu.memory_space<hbm>>
      %dma_start3A_489 = tpu.memref_squeeze %dma_start3A_488 : memref<1x50x128xi32, #tpu.memory_space<hbm>> -> memref<50x128xi32, #tpu.memory_space<hbm>>
      %dma_start3A_490 = arith.constant 0 : i32
      %dma_start3A_491 = arith.constant 0 : i32
      %dma_start3A_492 = tpu.memref_slice %arg2[%add3A, %dma_start3A_490, %dma_start3A_491] : memref<32x50x128xi32, #tpu.memory_space<hbm>> -> memref<1x50x128xi32, #tpu.memory_space<hbm>>
      %dma_start3A_493 = tpu.memref_squeeze %dma_start3A_492 : memref<1x50x128xi32, #tpu.memory_space<hbm>> -> memref<50x128xi32, #tpu.memory_space<hbm>>
      tpu.enqueue_dma source(%dma_start3A_493 : memref<50x128xi32, #tpu.memory_space<hbm>>) target(%arg5 : memref<50x128xi32, #tpu.memory_space<vmem>>) target_semaphore(%run_scoped3A : memref<!tpu.dma_semaphore, #tpu.memory_space<semaphore_mem>>)
      %dma_wait3A_494 = arith.constant 0 : i32
      %dma_wait3A_495 = arith.constant 0 : i32
      %dma_wait3A_496 = tpu.memref_slice %arg2[%add3A, %dma_wait3A_494, %dma_wait3A_495] : memref<32x50x128xi32, #tpu.memory_space<hbm>> -> memref<1x50x128xi32, #tpu.memory_space<hbm>>
      %dma_wait3A_497 = tpu.memref_squeeze %dma_wait3A_496 : memref<1x50x128xi32, #tpu.memory_space<hbm>> -> memref<50x128xi32, #tpu.memory_space<hbm>>
      %dma_wait3A_498 = arith.constant 0 : i32
      %dma_wait3A_499 = arith.constant 0 : i32
      %dma_wait3A_500 = tpu.memref_slice %arg2[%add3A, %dma_wait3A_498, %dma_wait3A_499] : memref<32x50x128xi32, #tpu.memory_space<hbm>> -> memref<1x50x128xi32, #tpu.memory_space<hbm>>
      %dma_wait3A_501 = tpu.memref_squeeze %dma_wait3A_500 : memref<1x50x128xi32, #tpu.memory_space<hbm>> -> memref<50x128xi32, #tpu.memory_space<hbm>>
      tpu.wait_dma2 semaphore(%run_scoped3A : memref<!tpu.dma_semaphore, #tpu.memory_space<semaphore_mem>>) src(%dma_wait3A_501 : memref<50x128xi32, #tpu.memory_space<hbm>>) dst(%arg5 : memref<50x128xi32, #tpu.memory_space<vmem>>)
      tpu.yield
    }) : () -> ()
    %dma_start3A = arith.constant 0 : i32
    %dma_start3A_3 = arith.constant 0 : i32
    %dma_start3A_4 = tpu.memref_slice %arg5[%dma_start3A, %dma_start3A_3] : memref<50x128xi32, #tpu.memory_space<vmem>> -> memref<1x128xi32, #tpu.memory_space<vmem>>
    %dma_start3A_5 = tpu.memref_squeeze %dma_start3A_4 : memref<1x128xi32, #tpu.memory_space<vmem>> -> memref<128xi32, #tpu.memory_space<vmem>>
    %dma_start3A_6 = arith.constant 0 : i32
    %dma_start3A_7 = tpu.memref_slice %dma_start3A_5[%dma_start3A_6] : memref<128xi32, #tpu.memory_space<vmem>> -> memref<64xi32, #tpu.memory_space<vmem>>
    %dma_start3A_8 = arith.constant 0 : i32
    %dma_start3A_9 = arith.constant 0 : i32
    %dma_start3A_10 = tpu.memref_slice %arg3[%dma_start3A_8, %dma_start3A_9] : memref<100032x128xf32, #tpu.memory_space<hbm>> -> memref<100032x128xf32, #tpu.memory_space<hbm>>
    tpu.enqueue_indirect_dma source(%dma_start3A_10 : memref<100032x128xf32, #tpu.memory_space<hbm>>) target(%arg6 : memref<64x128xf32, #tpu.memory_space<vmem>>) offsets(%dma_start3A_7 : memref<64xi32, #tpu.memory_space<vmem>>) semaphore(%arg16 : memref<!tpu.dma_semaphore, #tpu.memory_space<semaphore_mem>>)
    %dma_start3A_11 = arith.constant 0 : i32
    %dma_start3A_12 = arith.constant 0 : i32
    %dma_start3A_13 = tpu.memref_slice %arg5[%dma_start3A_11, %dma_start3A_12] : memref<50x128xi32, #tpu.memory_space<vmem>> -> memref<1x128xi32, #tpu.memory_space<vmem>>
    %dma_start3A_14 = tpu.memref_squeeze %dma_start3A_13 : memref<1x128xi32, #tpu.memory_space<vmem>> -> memref<128xi32, #tpu.memory_space<vmem>>
    %dma_start3A_15 = arith.constant 64 : i32
    %dma_start3A_16 = tpu.memref_slice %dma_start3A_14[%dma_start3A_15] : memref<128xi32, #tpu.memory_space<vmem>> -> memref<64xi32, #tpu.memory_space<vmem>>
    %dma_start3A_17 = arith.constant 0 : i32
    %dma_start3A_18 = arith.constant 0 : i32
    %dma_start3A_19 = tpu.memref_slice %arg3[%dma_start3A_17, %dma_start3A_18] : memref<100032x128xf32, #tpu.memory_space<hbm>> -> memref<100032x128xf32, #tpu.memory_space<hbm>>
    tpu.enqueue_indirect_dma source(%dma_start3A_19 : memref<100032x128xf32, #tpu.memory_space<hbm>>) target(%arg7 : memref<64x128xf32, #tpu.memory_space<vmem>>) offsets(%dma_start3A_16 : memref<64xi32, #tpu.memory_space<vmem>>) semaphore(%arg17 : memref<!tpu.dma_semaphore, #tpu.memory_space<semaphore_mem>>)
    %dma_start3A_20 = arith.constant 1 : i32
    %dma_start3A_21 = arith.constant 0 : i32
    %dma_start3A_22 = tpu.memref_slice %arg5[%dma_start3A_20, %dma_start3A_21] : memref<50x128xi32, #tpu.memory_space<vmem>> -> memref<1x128xi32, #tpu.memory_space<vmem>>
    %dma_start3A_23 = tpu.memref_squeeze %dma_start3A_22 : memref<1x128xi32, #tpu.memory_space<vmem>> -> memref<128xi32, #tpu.memory_space<vmem>>
    %dma_start3A_24 = arith.constant 0 : i32
    %dma_start3A_25 = tpu.memref_slice %dma_start3A_23[%dma_start3A_24] : memref<128xi32, #tpu.memory_space<vmem>> -> memref<64xi32, #tpu.memory_space<vmem>>
    %dma_start3A_26 = arith.constant 0 : i32
    %dma_start3A_27 = arith.constant 0 : i32
    %dma_start3A_28 = tpu.memref_slice %arg3[%dma_start3A_26, %dma_start3A_27] : memref<100032x128xf32, #tpu.memory_space<hbm>> -> memref<100032x128xf32, #tpu.memory_space<hbm>>
    tpu.enqueue_indirect_dma source(%dma_start3A_28 : memref<100032x128xf32, #tpu.memory_space<hbm>>) target(%arg8 : memref<64x128xf32, #tpu.memory_space<vmem>>) offsets(%dma_start3A_25 : memref<64xi32, #tpu.memory_space<vmem>>) semaphore(%arg18 : memref<!tpu.dma_semaphore, #tpu.memory_space<semaphore_mem>>)
    %dma_start3A_29 = arith.constant 1 : i32
    %dma_start3A_30 = arith.constant 0 : i32
    %dma_start3A_31 = tpu.memref_slice %arg5[%dma_start3A_29, %dma_start3A_30] : memref<50x128xi32, #tpu.memory_space<vmem>> -> memref<1x128xi32, #tpu.memory_space<vmem>>
    %dma_start3A_32 = tpu.memref_squeeze %dma_start3A_31 : memref<1x128xi32, #tpu.memory_space<vmem>> -> memref<128xi32, #tpu.memory_space<vmem>>
    %dma_start3A_33 = arith.constant 64 : i32
    %dma_start3A_34 = tpu.memref_slice %dma_start3A_32[%dma_start3A_33] : memref<128xi32, #tpu.memory_space<vmem>> -> memref<64xi32, #tpu.memory_space<vmem>>
    %dma_start3A_35 = arith.constant 0 : i32
    %dma_start3A_36 = arith.constant 0 : i32
    %dma_start3A_37 = tpu.memref_slice %arg3[%dma_start3A_35, %dma_start3A_36] : memref<100032x128xf32, #tpu.memory_space<hbm>> -> memref<100032x128xf32, #tpu.memory_space<hbm>>
    tpu.enqueue_indirect_dma source(%dma_start3A_37 : memref<100032x128xf32, #tpu.memory_space<hbm>>) target(%arg9 : memref<64x128xf32, #tpu.memory_space<vmem>>) offsets(%dma_start3A_34 : memref<64xi32, #tpu.memory_space<vmem>>) semaphore(%arg19 : memref<!tpu.dma_semaphore, #tpu.memory_space<semaphore_mem>>)
    %dma_start3A_38 = arith.constant 2 : i32
    %dma_start3A_39 = arith.constant 0 : i32
    %dma_start3A_40 = tpu.memref_slice %arg5[%dma_start3A_38, %dma_start3A_39] : memref<50x128xi32, #tpu.memory_space<vmem>> -> memref<1x128xi32, #tpu.memory_space<vmem>>
    %dma_start3A_41 = tpu.memref_squeeze %dma_start3A_40 : memref<1x128xi32, #tpu.memory_space<vmem>> -> memref<128xi32, #tpu.memory_space<vmem>>
    %dma_start3A_42 = arith.constant 0 : i32
    %dma_start3A_43 = tpu.memref_slice %dma_start3A_41[%dma_start3A_42] : memref<128xi32, #tpu.memory_space<vmem>> -> memref<64xi32, #tpu.memory_space<vmem>>
    %dma_start3A_44 = arith.constant 0 : i32
    %dma_start3A_45 = arith.constant 0 : i32
    %dma_start3A_46 = tpu.memref_slice %arg3[%dma_start3A_44, %dma_start3A_45] : memref<100032x128xf32, #tpu.memory_space<hbm>> -> memref<100032x128xf32, #tpu.memory_space<hbm>>
    tpu.enqueue_indirect_dma source(%dma_start3A_46 : memref<100032x128xf32, #tpu.memory_space<hbm>>) target(%arg10 : memref<64x128xf32, #tpu.memory_space<vmem>>) offsets(%dma_start3A_43 : memref<64xi32, #tpu.memory_space<vmem>>) semaphore(%arg20 : memref<!tpu.dma_semaphore, #tpu.memory_space<semaphore_mem>>)
    %dma_start3A_47 = arith.constant 2 : i32
    %dma_start3A_48 = arith.constant 0 : i32
    %dma_start3A_49 = tpu.memref_slice %arg5[%dma_start3A_47, %dma_start3A_48] : memref<50x128xi32, #tpu.memory_space<vmem>> -> memref<1x128xi32, #tpu.memory_space<vmem>>
    %dma_start3A_50 = tpu.memref_squeeze %dma_start3A_49 : memref<1x128xi32, #tpu.memory_space<vmem>> -> memref<128xi32, #tpu.memory_space<vmem>>
    %dma_start3A_51 = arith.constant 64 : i32
    %dma_start3A_52 = tpu.memref_slice %dma_start3A_50[%dma_start3A_51] : memref<128xi32, #tpu.memory_space<vmem>> -> memref<64xi32, #tpu.memory_space<vmem>>
    %dma_start3A_53 = arith.constant 0 : i32
    %dma_start3A_54 = arith.constant 0 : i32
    %dma_start3A_55 = tpu.memref_slice %arg3[%dma_start3A_53, %dma_start3A_54] : memref<100032x128xf32, #tpu.memory_space<hbm>> -> memref<100032x128xf32, #tpu.memory_space<hbm>>
    tpu.enqueue_indirect_dma source(%dma_start3A_55 : memref<100032x128xf32, #tpu.memory_space<hbm>>) target(%arg11 : memref<64x128xf32, #tpu.memory_space<vmem>>) offsets(%dma_start3A_52 : memref<64xi32, #tpu.memory_space<vmem>>) semaphore(%arg21 : memref<!tpu.dma_semaphore, #tpu.memory_space<semaphore_mem>>)
    %dma_start3A_56 = arith.constant 3 : i32
    %dma_start3A_57 = arith.constant 0 : i32
    %dma_start3A_58 = tpu.memref_slice %arg5[%dma_start3A_56, %dma_start3A_57] : memref<50x128xi32, #tpu.memory_space<vmem>> -> memref<1x128xi32, #tpu.memory_space<vmem>>
    %dma_start3A_59 = tpu.memref_squeeze %dma_start3A_58 : memref<1x128xi32, #tpu.memory_space<vmem>> -> memref<128xi32, #tpu.memory_space<vmem>>
    %dma_start3A_60 = arith.constant 0 : i32
    %dma_start3A_61 = tpu.memref_slice %dma_start3A_59[%dma_start3A_60] : memref<128xi32, #tpu.memory_space<vmem>> -> memref<64xi32, #tpu.memory_space<vmem>>
    %dma_start3A_62 = arith.constant 0 : i32
    %dma_start3A_63 = arith.constant 0 : i32
    %dma_start3A_64 = tpu.memref_slice %arg3[%dma_start3A_62, %dma_start3A_63] : memref<100032x128xf32, #tpu.memory_space<hbm>> -> memref<100032x128xf32, #tpu.memory_space<hbm>>
    tpu.enqueue_indirect_dma source(%dma_start3A_64 : memref<100032x128xf32, #tpu.memory_space<hbm>>) target(%arg12 : memref<64x128xf32, #tpu.memory_space<vmem>>) offsets(%dma_start3A_61 : memref<64xi32, #tpu.memory_space<vmem>>) semaphore(%arg22 : memref<!tpu.dma_semaphore, #tpu.memory_space<semaphore_mem>>)
    %dma_start3A_65 = arith.constant 3 : i32
    %dma_start3A_66 = arith.constant 0 : i32
    %dma_start3A_67 = tpu.memref_slice %arg5[%dma_start3A_65, %dma_start3A_66] : memref<50x128xi32, #tpu.memory_space<vmem>> -> memref<1x128xi32, #tpu.memory_space<vmem>>
    %dma_start3A_68 = tpu.memref_squeeze %dma_start3A_67 : memref<1x128xi32, #tpu.memory_space<vmem>> -> memref<128xi32, #tpu.memory_space<vmem>>
    %dma_start3A_69 = arith.constant 64 : i32
    %dma_start3A_70 = tpu.memref_slice %dma_start3A_68[%dma_start3A_69] : memref<128xi32, #tpu.memory_space<vmem>> -> memref<64xi32, #tpu.memory_space<vmem>>
    %dma_start3A_71 = arith.constant 0 : i32
    %dma_start3A_72 = arith.constant 0 : i32
    %dma_start3A_73 = tpu.memref_slice %arg3[%dma_start3A_71, %dma_start3A_72] : memref<100032x128xf32, #tpu.memory_space<hbm>> -> memref<100032x128xf32, #tpu.memory_space<hbm>>
    tpu.enqueue_indirect_dma source(%dma_start3A_73 : memref<100032x128xf32, #tpu.memory_space<hbm>>) target(%arg13 : memref<64x128xf32, #tpu.memory_space<vmem>>) offsets(%dma_start3A_70 : memref<64xi32, #tpu.memory_space<vmem>>) semaphore(%arg23 : memref<!tpu.dma_semaphore, #tpu.memory_space<semaphore_mem>>)
    %dma_start3A_74 = arith.constant 4 : i32
    %dma_start3A_75 = arith.constant 0 : i32
    %dma_start3A_76 = tpu.memref_slice %arg5[%dma_start3A_74, %dma_start3A_75] : memref<50x128xi32, #tpu.memory_space<vmem>> -> memref<1x128xi32, #tpu.memory_space<vmem>>
    %dma_start3A_77 = tpu.memref_squeeze %dma_start3A_76 : memref<1x128xi32, #tpu.memory_space<vmem>> -> memref<128xi32, #tpu.memory_space<vmem>>
    %dma_start3A_78 = arith.constant 0 : i32
    %dma_start3A_79 = tpu.memref_slice %dma_start3A_77[%dma_start3A_78] : memref<128xi32, #tpu.memory_space<vmem>> -> memref<64xi32, #tpu.memory_space<vmem>>
    %dma_start3A_80 = arith.constant 0 : i32
    %dma_start3A_81 = arith.constant 0 : i32
    %dma_start3A_82 = tpu.memref_slice %arg3[%dma_start3A_80, %dma_start3A_81] : memref<100032x128xf32, #tpu.memory_space<hbm>> -> memref<100032x128xf32, #tpu.memory_space<hbm>>
    tpu.enqueue_indirect_dma source(%dma_start3A_82 : memref<100032x128xf32, #tpu.memory_space<hbm>>) target(%arg14 : memref<64x128xf32, #tpu.memory_space<vmem>>) offsets(%dma_start3A_79 : memref<64xi32, #tpu.memory_space<vmem>>) semaphore(%arg24 : memref<!tpu.dma_semaphore, #tpu.memory_space<semaphore_mem>>)
    %dma_start3A_83 = arith.constant 4 : i32
    %dma_start3A_84 = arith.constant 0 : i32
    %dma_start3A_85 = tpu.memref_slice %arg5[%dma_start3A_83, %dma_start3A_84] : memref<50x128xi32, #tpu.memory_space<vmem>> -> memref<1x128xi32, #tpu.memory_space<vmem>>
    %dma_start3A_86 = tpu.memref_squeeze %dma_start3A_85 : memref<1x128xi32, #tpu.memory_space<vmem>> -> memref<128xi32, #tpu.memory_space<vmem>>
    %dma_start3A_87 = arith.constant 64 : i32
    %dma_start3A_88 = tpu.memref_slice %dma_start3A_86[%dma_start3A_87] : memref<128xi32, #tpu.memory_space<vmem>> -> memref<64xi32, #tpu.memory_space<vmem>>
    %dma_start3A_89 = arith.constant 0 : i32
    %dma_start3A_90 = arith.constant 0 : i32
    %dma_start3A_91 = tpu.memref_slice %arg3[%dma_start3A_89, %dma_start3A_90] : memref<100032x128xf32, #tpu.memory_space<hbm>> -> memref<100032x128xf32, #tpu.memory_space<hbm>>
    tpu.enqueue_indirect_dma source(%dma_start3A_91 : memref<100032x128xf32, #tpu.memory_space<hbm>>) target(%arg15 : memref<64x128xf32, #tpu.memory_space<vmem>>) offsets(%dma_start3A_88 : memref<64xi32, #tpu.memory_space<vmem>>) semaphore(%arg25 : memref<!tpu.dma_semaphore, #tpu.memory_space<semaphore_mem>>)
    %scan3A = arith.constant 0 : i32
    %scan3A_92 = arith.constant 0 : i32
    %scan3A_93 = arith.constant 9 : i32
    %scan3A_94 = arith.addi %scan3A_92, %scan3A_93 : i32
    %scan3A_95 = arith.constant 1 : i32
    scf.for %scan3A_486 = %scan3A_92 to %scan3A_94 step %scan3A_95  : i32 {
      %mul3A_487 = arith.constant 10 : i32
      %mul3A_488 = arith.muli %scan3A_486, %mul3A_487 : i32
      %add3A_489 = arith.constant 0 : i32
      %add3A_490 = arith.addi %mul3A_488, %add3A_489 : i32
      %jit3A = arith.constant 2 : i32
      %div3A = arith.divsi %add3A_490, %jit3A : i32
      %sign3A = arith.constant 0 : i32
      %sign3A_491 = arith.cmpi sgt, %add3A_490, %sign3A : i32
      %sign3A_492 = arith.extui %sign3A_491 : i1 to i32
      %sign3A_493 = arith.constant 0 : i32
      %sign3A_494 = arith.cmpi slt, %add3A_490, %sign3A_493 : i32
      %sign3A_495 = arith.extui %sign3A_494 : i1 to i32
      %sign3A_496 = arith.subi %sign3A_492, %sign3A_495 : i32
      %sign3A_497 = arith.constant 0 : i32
      %sign3A_498 = arith.cmpi sgt, %jit3A, %sign3A_497 : i32
      %sign3A_499 = arith.extui %sign3A_498 : i1 to i32
      %sign3A_500 = arith.constant 0 : i32
      %sign3A_501 = arith.cmpi slt, %jit3A, %sign3A_500 : i32
      %sign3A_502 = arith.extui %sign3A_501 : i1 to i32
      %sign3A_503 = arith.subi %sign3A_499, %sign3A_502 : i32
      %ne3A = arith.cmpi ne, %sign3A_496, %sign3A_503 : i32
      %rem3A = arith.remsi %add3A_490, %jit3A : i32
      %ne3A_504 = arith.constant 0 : i32
      %ne3A_505 = arith.cmpi ne, %rem3A, %ne3A_504 : i32
      %and3A = arith.andi %ne3A, %ne3A_505 : i1
      %sub3A = arith.constant 1 : i32
      %sub3A_506 = arith.subi %div3A, %sub3A : i32
      %select_n3A = arith.select %and3A, %sub3A_506, %div3A : i32
      %jit3A_507 = arith.constant 2 : i32
      %eq3A = arith.constant 0 : i32
      %eq3A_508 = arith.cmpi eq, %jit3A_507, %eq3A : i32
      %jit3A_509 = arith.constant 1 : i32
      %select_n3A_510 = arith.select %eq3A_508, %jit3A_509, %jit3A_507 : i32
      %rem3A_511 = arith.remsi %add3A_490, %select_n3A_510 : i32
      %ne3A_512 = arith.constant 0 : i32
      %ne3A_513 = arith.cmpi ne, %rem3A_511, %ne3A_512 : i32
      %lt3A = arith.constant 0 : i32
      %lt3A_514 = arith.cmpi slt, %rem3A_511, %lt3A : i32
      %lt3A_515 = arith.constant 0 : i32
      %lt3A_516 = arith.cmpi slt, %select_n3A_510, %lt3A_515 : i32
      %ne3A_517 = arith.xori %lt3A_514, %lt3A_516 : i1
      %and3A_518 = arith.andi %ne3A_517, %ne3A_513 : i1
      %add3A_519 = arith.addi %rem3A_511, %select_n3A_510 : i32
      %select_n3A_520 = arith.select %and3A_518, %add3A_519, %rem3A_511 : i32
      %mul3A_521 = arith.constant 64 : i32
      %mul3A_522 = arith.muli %select_n3A_520, %mul3A_521 : i32
      %dma_wait3A_523 = arith.constant 0 : i32
      %dma_wait3A_524 = tpu.memref_slice %arg5[%select_n3A, %dma_wait3A_523] : memref<50x128xi32, #tpu.memory_space<vmem>> -> memref<1x128xi32, #tpu.memory_space<vmem>>
      %dma_wait3A_525 = tpu.memref_squeeze %dma_wait3A_524 : memref<1x128xi32, #tpu.memory_space<vmem>> -> memref<128xi32, #tpu.memory_space<vmem>>
      %dma_wait3A_526 = tpu.memref_slice %dma_wait3A_525[%mul3A_522] : memref<128xi32, #tpu.memory_space<vmem>> -> memref<64xi32, #tpu.memory_space<vmem>>
      %dma_wait3A_527 = arith.constant 0 : i32
      %dma_wait3A_528 = arith.constant 0 : i32
      %dma_wait3A_529 = tpu.memref_slice %arg3[%dma_wait3A_527, %dma_wait3A_528] : memref<100032x128xf32, #tpu.memory_space<hbm>> -> memref<100032x128xf32, #tpu.memory_space<hbm>>
      tpu.wait_indirect_dma semaphore(%arg16 : memref<!tpu.dma_semaphore, #tpu.memory_space<semaphore_mem>>) src(%dma_wait3A_529 : memref<100032x128xf32, #tpu.memory_space<hbm>>) dst(%arg6 : memref<64x128xf32, #tpu.memory_space<vmem>>)
      %jit3A_530 = arith.constant 2 : i32
      %div3A_531 = arith.divsi %add3A_490, %jit3A_530 : i32
      %sign3A_532 = arith.constant 0 : i32
      %sign3A_533 = arith.cmpi sgt, %add3A_490, %sign3A_532 : i32
      %sign3A_534 = arith.extui %sign3A_533 : i1 to i32
      %sign3A_535 = arith.constant 0 : i32
      %sign3A_536 = arith.cmpi slt, %add3A_490, %sign3A_535 : i32
      %sign3A_537 = arith.extui %sign3A_536 : i1 to i32
      %sign3A_538 = arith.subi %sign3A_534, %sign3A_537 : i32
      %sign3A_539 = arith.constant 0 : i32
      %sign3A_540 = arith.cmpi sgt, %jit3A_530, %sign3A_539 : i32
      %sign3A_541 = arith.extui %sign3A_540 : i1 to i32
      %sign3A_542 = arith.constant 0 : i32
      %sign3A_543 = arith.cmpi slt, %jit3A_530, %sign3A_542 : i32
      %sign3A_544 = arith.extui %sign3A_543 : i1 to i32
      %sign3A_545 = arith.subi %sign3A_541, %sign3A_544 : i32
      %ne3A_546 = arith.cmpi ne, %sign3A_538, %sign3A_545 : i32
      %rem3A_547 = arith.remsi %add3A_490, %jit3A_530 : i32
      %ne3A_548 = arith.constant 0 : i32
      %ne3A_549 = arith.cmpi ne, %rem3A_547, %ne3A_548 : i32
      %and3A_550 = arith.andi %ne3A_546, %ne3A_549 : i1
      %sub3A_551 = arith.constant 1 : i32
      %sub3A_552 = arith.subi %div3A_531, %sub3A_551 : i32
      %select_n3A_553 = arith.select %and3A_550, %sub3A_552, %div3A_531 : i32
      %jit3A_554 = arith.constant 2 : i32
      %eq3A_555 = arith.constant 0 : i32
      %eq3A_556 = arith.cmpi eq, %jit3A_554, %eq3A_555 : i32
      %jit3A_557 = arith.constant 1 : i32
      %select_n3A_558 = arith.select %eq3A_556, %jit3A_557, %jit3A_554 : i32
      %rem3A_559 = arith.remsi %add3A_490, %select_n3A_558 : i32
      %ne3A_560 = arith.constant 0 : i32
      %ne3A_561 = arith.cmpi ne, %rem3A_559, %ne3A_560 : i32
      %lt3A_562 = arith.constant 0 : i32
      %lt3A_563 = arith.cmpi slt, %rem3A_559, %lt3A_562 : i32
      %lt3A_564 = arith.constant 0 : i32
      %lt3A_565 = arith.cmpi slt, %select_n3A_558, %lt3A_564 : i32
      %ne3A_566 = arith.xori %lt3A_563, %lt3A_565 : i1
      %and3A_567 = arith.andi %ne3A_566, %ne3A_561 : i1
      %add3A_568 = arith.addi %rem3A_559, %select_n3A_558 : i32
      %select_n3A_569 = arith.select %and3A_567, %add3A_568, %rem3A_559 : i32
      %mul3A_570 = arith.constant 64 : i32
      %mul3A_571 = arith.muli %select_n3A_569, %mul3A_570 : i32
      %add3A_572 = arith.addi %mul3A_2, %mul3A_571 : i32
      %dma_start3A_573 = arith.constant 0 : i32
      %dma_start3A_574 = arith.constant 0 : i32
      %dma_start3A_575 = tpu.memref_slice %arg4[%select_n3A_553, %dma_start3A_573, %dma_start3A_574] : memref<50x4096x128xf32, #tpu.memory_space<hbm>> -> memref<1x4096x128xf32, #tpu.memory_space<hbm>>
      %dma_start3A_576 = tpu.memref_squeeze %dma_start3A_575 : memref<1x4096x128xf32, #tpu.memory_space<hbm>> -> memref<4096x128xf32, #tpu.memory_space<hbm>>
      %dma_start3A_577 = arith.constant 0 : i32
      %dma_start3A_578 = tpu.memref_slice %dma_start3A_576[%add3A_572, %dma_start3A_577] : memref<4096x128xf32, #tpu.memory_space<hbm>> -> memref<64x128xf32, #tpu.memory_space<hbm>>
      %dma_start3A_579 = arith.constant 0 : i32
      %dma_start3A_580 = arith.constant 0 : i32
      %dma_start3A_581 = tpu.memref_slice %arg4[%select_n3A_553, %dma_start3A_579, %dma_start3A_580] : memref<50x4096x128xf32, #tpu.memory_space<hbm>> -> memref<1x4096x128xf32, #tpu.memory_space<hbm>>
      %dma_start3A_582 = tpu.memref_squeeze %dma_start3A_581 : memref<1x4096x128xf32, #tpu.memory_space<hbm>> -> memref<4096x128xf32, #tpu.memory_space<hbm>>
      %dma_start3A_583 = arith.constant 0 : i32
      %dma_start3A_584 = tpu.memref_slice %dma_start3A_582[%add3A_572, %dma_start3A_583] : memref<4096x128xf32, #tpu.memory_space<hbm>> -> memref<64x128xf32, #tpu.memory_space<hbm>>
      tpu.enqueue_dma source(%arg6 : memref<64x128xf32, #tpu.memory_space<vmem>>) target(%dma_start3A_584 : memref<64x128xf32, #tpu.memory_space<hbm>>) target_semaphore(%arg26 : memref<!tpu.dma_semaphore, #tpu.memory_space<semaphore_mem>>)
      %add3A_585 = arith.constant 1 : i32
      %add3A_586 = arith.addi %mul3A_488, %add3A_585 : i32
      %jit3A_587 = arith.constant 2 : i32
      %div3A_588 = arith.divsi %add3A_586, %jit3A_587 : i32
      %sign3A_589 = arith.constant 0 : i32
      %sign3A_590 = arith.cmpi sgt, %add3A_586, %sign3A_589 : i32
      %sign3A_591 = arith.extui %sign3A_590 : i1 to i32
      %sign3A_592 = arith.constant 0 : i32
      %sign3A_593 = arith.cmpi slt, %add3A_586, %sign3A_592 : i32
      %sign3A_594 = arith.extui %sign3A_593 : i1 to i32
      %sign3A_595 = arith.subi %sign3A_591, %sign3A_594 : i32
      %sign3A_596 = arith.constant 0 : i32
      %sign3A_597 = arith.cmpi sgt, %jit3A_587, %sign3A_596 : i32
      %sign3A_598 = arith.extui %sign3A_597 : i1 to i32
      %sign3A_599 = arith.constant 0 : i32
      %sign3A_600 = arith.cmpi slt, %jit3A_587, %sign3A_599 : i32
      %sign3A_601 = arith.extui %sign3A_600 : i1 to i32
      %sign3A_602 = arith.subi %sign3A_598, %sign3A_601 : i32
      %ne3A_603 = arith.cmpi ne, %sign3A_595, %sign3A_602 : i32
      %rem3A_604 = arith.remsi %add3A_586, %jit3A_587 : i32
      %ne3A_605 = arith.constant 0 : i32
      %ne3A_606 = arith.cmpi ne, %rem3A_604, %ne3A_605 : i32
      %and3A_607 = arith.andi %ne3A_603, %ne3A_606 : i1
      %sub3A_608 = arith.constant 1 : i32
      %sub3A_609 = arith.subi %div3A_588, %sub3A_608 : i32
      %select_n3A_610 = arith.select %and3A_607, %sub3A_609, %div3A_588 : i32
      %jit3A_611 = arith.constant 2 : i32
      %eq3A_612 = arith.constant 0 : i32
      %eq3A_613 = arith.cmpi eq, %jit3A_611, %eq3A_612 : i32
      %jit3A_614 = arith.constant 1 : i32
      %select_n3A_615 = arith.select %eq3A_613, %jit3A_614, %jit3A_611 : i32
      %rem3A_616 = arith.remsi %add3A_586, %select_n3A_615 : i32
      %ne3A_617 = arith.constant 0 : i32
      %ne3A_618 = arith.cmpi ne, %rem3A_616, %ne3A_617 : i32
      %lt3A_619 = arith.constant 0 : i32
      %lt3A_620 = arith.cmpi slt, %rem3A_616, %lt3A_619 : i32
      %lt3A_621 = arith.constant 0 : i32
      %lt3A_622 = arith.cmpi slt, %select_n3A_615, %lt3A_621 : i32
      %ne3A_623 = arith.xori %lt3A_620, %lt3A_622 : i1
      %and3A_624 = arith.andi %ne3A_623, %ne3A_618 : i1
      %add3A_625 = arith.addi %rem3A_616, %select_n3A_615 : i32
      %select_n3A_626 = arith.select %and3A_624, %add3A_625, %rem3A_616 : i32
      %mul3A_627 = arith.constant 64 : i32
      %mul3A_628 = arith.muli %select_n3A_626, %mul3A_627 : i32
      %dma_wait3A_629 = arith.constant 0 : i32
      %dma_wait3A_630 = tpu.memref_slice %arg5[%select_n3A_610, %dma_wait3A_629] : memref<50x128xi32, #tpu.memory_space<vmem>> -> memref<1x128xi32, #tpu.memory_space<vmem>>
      %dma_wait3A_631 = tpu.memref_squeeze %dma_wait3A_630 : memref<1x128xi32, #tpu.memory_space<vmem>> -> memref<128xi32, #tpu.memory_space<vmem>>
      %dma_wait3A_632 = tpu.memref_slice %dma_wait3A_631[%mul3A_628] : memref<128xi32, #tpu.memory_space<vmem>> -> memref<64xi32, #tpu.memory_space<vmem>>
      %dma_wait3A_633 = arith.constant 0 : i32
      %dma_wait3A_634 = arith.constant 0 : i32
      %dma_wait3A_635 = tpu.memref_slice %arg3[%dma_wait3A_633, %dma_wait3A_634] : memref<100032x128xf32, #tpu.memory_space<hbm>> -> memref<100032x128xf32, #tpu.memory_space<hbm>>
      tpu.wait_indirect_dma semaphore(%arg17 : memref<!tpu.dma_semaphore, #tpu.memory_space<semaphore_mem>>) src(%dma_wait3A_635 : memref<100032x128xf32, #tpu.memory_space<hbm>>) dst(%arg7 : memref<64x128xf32, #tpu.memory_space<vmem>>)
      %jit3A_636 = arith.constant 2 : i32
      %div3A_637 = arith.divsi %add3A_586, %jit3A_636 : i32
      %sign3A_638 = arith.constant 0 : i32
      %sign3A_639 = arith.cmpi sgt, %add3A_586, %sign3A_638 : i32
      %sign3A_640 = arith.extui %sign3A_639 : i1 to i32
      %sign3A_641 = arith.constant 0 : i32
      %sign3A_642 = arith.cmpi slt, %add3A_586, %sign3A_641 : i32
      %sign3A_643 = arith.extui %sign3A_642 : i1 to i32
      %sign3A_644 = arith.subi %sign3A_640, %sign3A_643 : i32
      %sign3A_645 = arith.constant 0 : i32
      %sign3A_646 = arith.cmpi sgt, %jit3A_636, %sign3A_645 : i32
      %sign3A_647 = arith.extui %sign3A_646 : i1 to i32
      %sign3A_648 = arith.constant 0 : i32
      %sign3A_649 = arith.cmpi slt, %jit3A_636, %sign3A_648 : i32
      %sign3A_650 = arith.extui %sign3A_649 : i1 to i32
      %sign3A_651 = arith.subi %sign3A_647, %sign3A_650 : i32
      %ne3A_652 = arith.cmpi ne, %sign3A_644, %sign3A_651 : i32
      %rem3A_653 = arith.remsi %add3A_586, %jit3A_636 : i32
      %ne3A_654 = arith.constant 0 : i32
      %ne3A_655 = arith.cmpi ne, %rem3A_653, %ne3A_654 : i32
      %and3A_656 = arith.andi %ne3A_652, %ne3A_655 : i1
      %sub3A_657 = arith.constant 1 : i32
      %sub3A_658 = arith.subi %div3A_637, %sub3A_657 : i32
      %select_n3A_659 = arith.select %and3A_656, %sub3A_658, %div3A_637 : i32
      %jit3A_660 = arith.constant 2 : i32
      %eq3A_661 = arith.constant 0 : i32
      %eq3A_662 = arith.cmpi eq, %jit3A_660, %eq3A_661 : i32
      %jit3A_663 = arith.constant 1 : i32
      %select_n3A_664 = arith.select %eq3A_662, %jit3A_663, %jit3A_660 : i32
      %rem3A_665 = arith.remsi %add3A_586, %select_n3A_664 : i32
      %ne3A_666 = arith.constant 0 : i32
      %ne3A_667 = arith.cmpi ne, %rem3A_665, %ne3A_666 : i32
      %lt3A_668 = arith.constant 0 : i32
      %lt3A_669 = arith.cmpi slt, %rem3A_665, %lt3A_668 : i32
      %lt3A_670 = arith.constant 0 : i32
      %lt3A_671 = arith.cmpi slt, %select_n3A_664, %lt3A_670 : i32
      %ne3A_672 = arith.xori %lt3A_669, %lt3A_671 : i1
      %and3A_673 = arith.andi %ne3A_672, %ne3A_667 : i1
      %add3A_674 = arith.addi %rem3A_665, %select_n3A_664 : i32
      %select_n3A_675 = arith.select %and3A_673, %add3A_674, %rem3A_665 : i32
      %mul3A_676 = arith.constant 64 : i32
      %mul3A_677 = arith.muli %select_n3A_675, %mul3A_676 : i32
      %add3A_678 = arith.addi %mul3A_2, %mul3A_677 : i32
      %dma_start3A_679 = arith.constant 0 : i32
      %dma_start3A_680 = arith.constant 0 : i32
      %dma_start3A_681 = tpu.memref_slice %arg4[%select_n3A_659, %dma_start3A_679, %dma_start3A_680] : memref<50x4096x128xf32, #tpu.memory_space<hbm>> -> memref<1x4096x128xf32, #tpu.memory_space<hbm>>
      %dma_start3A_682 = tpu.memref_squeeze %dma_start3A_681 : memref<1x4096x128xf32, #tpu.memory_space<hbm>> -> memref<4096x128xf32, #tpu.memory_space<hbm>>
      %dma_start3A_683 = arith.constant 0 : i32
      %dma_start3A_684 = tpu.memref_slice %dma_start3A_682[%add3A_678, %dma_start3A_683] : memref<4096x128xf32, #tpu.memory_space<hbm>> -> memref<64x128xf32, #tpu.memory_space<hbm>>
      %dma_start3A_685 = arith.constant 0 : i32
      %dma_start3A_686 = arith.constant 0 : i32
      %dma_start3A_687 = tpu.memref_slice %arg4[%select_n3A_659, %dma_start3A_685, %dma_start3A_686] : memref<50x4096x128xf32, #tpu.memory_space<hbm>> -> memref<1x4096x128xf32, #tpu.memory_space<hbm>>
      %dma_start3A_688 = tpu.memref_squeeze %dma_start3A_687 : memref<1x4096x128xf32, #tpu.memory_space<hbm>> -> memref<4096x128xf32, #tpu.memory_space<hbm>>
      %dma_start3A_689 = arith.constant 0 : i32
      %dma_start3A_690 = tpu.memref_slice %dma_start3A_688[%add3A_678, %dma_start3A_689] : memref<4096x128xf32, #tpu.memory_space<hbm>> -> memref<64x128xf32, #tpu.memory_space<hbm>>
      tpu.enqueue_dma source(%arg7 : memref<64x128xf32, #tpu.memory_space<vmem>>) target(%dma_start3A_690 : memref<64x128xf32, #tpu.memory_space<hbm>>) target_semaphore(%arg27 : memref<!tpu.dma_semaphore, #tpu.memory_space<semaphore_mem>>)
      %add3A_691 = arith.constant 2 : i32
      %add3A_692 = arith.addi %mul3A_488, %add3A_691 : i32
      %jit3A_693 = arith.constant 2 : i32
      %div3A_694 = arith.divsi %add3A_692, %jit3A_693 : i32
      %sign3A_695 = arith.constant 0 : i32
      %sign3A_696 = arith.cmpi sgt, %add3A_692, %sign3A_695 : i32
      %sign3A_697 = arith.extui %sign3A_696 : i1 to i32
      %sign3A_698 = arith.constant 0 : i32
      %sign3A_699 = arith.cmpi slt, %add3A_692, %sign3A_698 : i32
      %sign3A_700 = arith.extui %sign3A_699 : i1 to i32
      %sign3A_701 = arith.subi %sign3A_697, %sign3A_700 : i32
      %sign3A_702 = arith.constant 0 : i32
      %sign3A_703 = arith.cmpi sgt, %jit3A_693, %sign3A_702 : i32
      %sign3A_704 = arith.extui %sign3A_703 : i1 to i32
      %sign3A_705 = arith.constant 0 : i32
      %sign3A_706 = arith.cmpi slt, %jit3A_693, %sign3A_705 : i32
      %sign3A_707 = arith.extui %sign3A_706 : i1 to i32
      %sign3A_708 = arith.subi %sign3A_704, %sign3A_707 : i32
      %ne3A_709 = arith.cmpi ne, %sign3A_701, %sign3A_708 : i32
      %rem3A_710 = arith.remsi %add3A_692, %jit3A_693 : i32
      %ne3A_711 = arith.constant 0 : i32
      %ne3A_712 = arith.cmpi ne, %rem3A_710, %ne3A_711 : i32
      %and3A_713 = arith.andi %ne3A_709, %ne3A_712 : i1
      %sub3A_714 = arith.constant 1 : i32
      %sub3A_715 = arith.subi %div3A_694, %sub3A_714 : i32
      %select_n3A_716 = arith.select %and3A_713, %sub3A_715, %div3A_694 : i32
      %jit3A_717 = arith.constant 2 : i32
      %eq3A_718 = arith.constant 0 : i32
      %eq3A_719 = arith.cmpi eq, %jit3A_717, %eq3A_718 : i32
      %jit3A_720 = arith.constant 1 : i32
      %select_n3A_721 = arith.select %eq3A_719, %jit3A_720, %jit3A_717 : i32
      %rem3A_722 = arith.remsi %add3A_692, %select_n3A_721 : i32
      %ne3A_723 = arith.constant 0 : i32
      %ne3A_724 = arith.cmpi ne, %rem3A_722, %ne3A_723 : i32
      %lt3A_725 = arith.constant 0 : i32
      %lt3A_726 = arith.cmpi slt, %rem3A_722, %lt3A_725 : i32
      %lt3A_727 = arith.constant 0 : i32
      %lt3A_728 = arith.cmpi slt, %select_n3A_721, %lt3A_727 : i32
      %ne3A_729 = arith.xori %lt3A_726, %lt3A_728 : i1
      %and3A_730 = arith.andi %ne3A_729, %ne3A_724 : i1
      %add3A_731 = arith.addi %rem3A_722, %select_n3A_721 : i32
      %select_n3A_732 = arith.select %and3A_730, %add3A_731, %rem3A_722 : i32
      %mul3A_733 = arith.constant 64 : i32
      %mul3A_734 = arith.muli %select_n3A_732, %mul3A_733 : i32
      %dma_wait3A_735 = arith.constant 0 : i32
      %dma_wait3A_736 = tpu.memref_slice %arg5[%select_n3A_716, %dma_wait3A_735] : memref<50x128xi32, #tpu.memory_space<vmem>> -> memref<1x128xi32, #tpu.memory_space<vmem>>
      %dma_wait3A_737 = tpu.memref_squeeze %dma_wait3A_736 : memref<1x128xi32, #tpu.memory_space<vmem>> -> memref<128xi32, #tpu.memory_space<vmem>>
      %dma_wait3A_738 = tpu.memref_slice %dma_wait3A_737[%mul3A_734] : memref<128xi32, #tpu.memory_space<vmem>> -> memref<64xi32, #tpu.memory_space<vmem>>
      %dma_wait3A_739 = arith.constant 0 : i32
      %dma_wait3A_740 = arith.constant 0 : i32
      %dma_wait3A_741 = tpu.memref_slice %arg3[%dma_wait3A_739, %dma_wait3A_740] : memref<100032x128xf32, #tpu.memory_space<hbm>> -> memref<100032x128xf32, #tpu.memory_space<hbm>>
      tpu.wait_indirect_dma semaphore(%arg18 : memref<!tpu.dma_semaphore, #tpu.memory_space<semaphore_mem>>) src(%dma_wait3A_741 : memref<100032x128xf32, #tpu.memory_space<hbm>>) dst(%arg8 : memref<64x128xf32, #tpu.memory_space<vmem>>)
      %jit3A_742 = arith.constant 2 : i32
      %div3A_743 = arith.divsi %add3A_692, %jit3A_742 : i32
      %sign3A_744 = arith.constant 0 : i32
      %sign3A_745 = arith.cmpi sgt, %add3A_692, %sign3A_744 : i32
      %sign3A_746 = arith.extui %sign3A_745 : i1 to i32
      %sign3A_747 = arith.constant 0 : i32
      %sign3A_748 = arith.cmpi slt, %add3A_692, %sign3A_747 : i32
      %sign3A_749 = arith.extui %sign3A_748 : i1 to i32
      %sign3A_750 = arith.subi %sign3A_746, %sign3A_749 : i32
      %sign3A_751 = arith.constant 0 : i32
      %sign3A_752 = arith.cmpi sgt, %jit3A_742, %sign3A_751 : i32
      %sign3A_753 = arith.extui %sign3A_752 : i1 to i32
      %sign3A_754 = arith.constant 0 : i32
      %sign3A_755 = arith.cmpi slt, %jit3A_742, %sign3A_754 : i32
      %sign3A_756 = arith.extui %sign3A_755 : i1 to i32
      %sign3A_757 = arith.subi %sign3A_753, %sign3A_756 : i32
      %ne3A_758 = arith.cmpi ne, %sign3A_750, %sign3A_757 : i32
      %rem3A_759 = arith.remsi %add3A_692, %jit3A_742 : i32
      %ne3A_760 = arith.constant 0 : i32
      %ne3A_761 = arith.cmpi ne, %rem3A_759, %ne3A_760 : i32
      %and3A_762 = arith.andi %ne3A_758, %ne3A_761 : i1
      %sub3A_763 = arith.constant 1 : i32
      %sub3A_764 = arith.subi %div3A_743, %sub3A_763 : i32
      %select_n3A_765 = arith.select %and3A_762, %sub3A_764, %div3A_743 : i32
      %jit3A_766 = arith.constant 2 : i32
      %eq3A_767 = arith.constant 0 : i32
      %eq3A_768 = arith.cmpi eq, %jit3A_766, %eq3A_767 : i32
      %jit3A_769 = arith.constant 1 : i32
      %select_n3A_770 = arith.select %eq3A_768, %jit3A_769, %jit3A_766 : i32
      %rem3A_771 = arith.remsi %add3A_692, %select_n3A_770 : i32
      %ne3A_772 = arith.constant 0 : i32
      %ne3A_773 = arith.cmpi ne, %rem3A_771, %ne3A_772 : i32
      %lt3A_774 = arith.constant 0 : i32
      %lt3A_775 = arith.cmpi slt, %rem3A_771, %lt3A_774 : i32
      %lt3A_776 = arith.constant 0 : i32
      %lt3A_777 = arith.cmpi slt, %select_n3A_770, %lt3A_776 : i32
      %ne3A_778 = arith.xori %lt3A_775, %lt3A_777 : i1
      %and3A_779 = arith.andi %ne3A_778, %ne3A_773 : i1
      %add3A_780 = arith.addi %rem3A_771, %select_n3A_770 : i32
      %select_n3A_781 = arith.select %and3A_779, %add3A_780, %rem3A_771 : i32
      %mul3A_782 = arith.constant 64 : i32
      %mul3A_783 = arith.muli %select_n3A_781, %mul3A_782 : i32
      %add3A_784 = arith.addi %mul3A_2, %mul3A_783 : i32
      %dma_start3A_785 = arith.constant 0 : i32
      %dma_start3A_786 = arith.constant 0 : i32
      %dma_start3A_787 = tpu.memref_slice %arg4[%select_n3A_765, %dma_start3A_785, %dma_start3A_786] : memref<50x4096x128xf32, #tpu.memory_space<hbm>> -> memref<1x4096x128xf32, #tpu.memory_space<hbm>>
      %dma_start3A_788 = tpu.memref_squeeze %dma_start3A_787 : memref<1x4096x128xf32, #tpu.memory_space<hbm>> -> memref<4096x128xf32, #tpu.memory_space<hbm>>
      %dma_start3A_789 = arith.constant 0 : i32
      %dma_start3A_790 = tpu.memref_slice %dma_start3A_788[%add3A_784, %dma_start3A_789] : memref<4096x128xf32, #tpu.memory_space<hbm>> -> memref<64x128xf32, #tpu.memory_space<hbm>>
      %dma_start3A_791 = arith.constant 0 : i32
      %dma_start3A_792 = arith.constant 0 : i32
      %dma_start3A_793 = tpu.memref_slice %arg4[%select_n3A_765, %dma_start3A_791, %dma_start3A_792] : memref<50x4096x128xf32, #tpu.memory_space<hbm>> -> memref<1x4096x128xf32, #tpu.memory_space<hbm>>
      %dma_start3A_794 = tpu.memref_squeeze %dma_start3A_793 : memref<1x4096x128xf32, #tpu.memory_space<hbm>> -> memref<4096x128xf32, #tpu.memory_space<hbm>>
      %dma_start3A_795 = arith.constant 0 : i32
      %dma_start3A_796 = tpu.memref_slice %dma_start3A_794[%add3A_784, %dma_start3A_795] : memref<4096x128xf32, #tpu.memory_space<hbm>> -> memref<64x128xf32, #tpu.memory_space<hbm>>
      tpu.enqueue_dma source(%arg8 : memref<64x128xf32, #tpu.memory_space<vmem>>) target(%dma_start3A_796 : memref<64x128xf32, #tpu.memory_space<hbm>>) target_semaphore(%arg28 : memref<!tpu.dma_semaphore, #tpu.memory_space<semaphore_mem>>)
      %add3A_797 = arith.constant 3 : i32
      %add3A_798 = arith.addi %mul3A_488, %add3A_797 : i32
      %jit3A_799 = arith.constant 2 : i32
      %div3A_800 = arith.divsi %add3A_798, %jit3A_799 : i32
      %sign3A_801 = arith.constant 0 : i32
      %sign3A_802 = arith.cmpi sgt, %add3A_798, %sign3A_801 : i32
      %sign3A_803 = arith.extui %sign3A_802 : i1 to i32
      %sign3A_804 = arith.constant 0 : i32
      %sign3A_805 = arith.cmpi slt, %add3A_798, %sign3A_804 : i32
      %sign3A_806 = arith.extui %sign3A_805 : i1 to i32
      %sign3A_807 = arith.subi %sign3A_803, %sign3A_806 : i32
      %sign3A_808 = arith.constant 0 : i32
      %sign3A_809 = arith.cmpi sgt, %jit3A_799, %sign3A_808 : i32
      %sign3A_810 = arith.extui %sign3A_809 : i1 to i32
      %sign3A_811 = arith.constant 0 : i32
      %sign3A_812 = arith.cmpi slt, %jit3A_799, %sign3A_811 : i32
      %sign3A_813 = arith.extui %sign3A_812 : i1 to i32
      %sign3A_814 = arith.subi %sign3A_810, %sign3A_813 : i32
      %ne3A_815 = arith.cmpi ne, %sign3A_807, %sign3A_814 : i32
      %rem3A_816 = arith.remsi %add3A_798, %jit3A_799 : i32
      %ne3A_817 = arith.constant 0 : i32
      %ne3A_818 = arith.cmpi ne, %rem3A_816, %ne3A_817 : i32
      %and3A_819 = arith.andi %ne3A_815, %ne3A_818 : i1
      %sub3A_820 = arith.constant 1 : i32
      %sub3A_821 = arith.subi %div3A_800, %sub3A_820 : i32
      %select_n3A_822 = arith.select %and3A_819, %sub3A_821, %div3A_800 : i32
      %jit3A_823 = arith.constant 2 : i32
      %eq3A_824 = arith.constant 0 : i32
      %eq3A_825 = arith.cmpi eq, %jit3A_823, %eq3A_824 : i32
      %jit3A_826 = arith.constant 1 : i32
      %select_n3A_827 = arith.select %eq3A_825, %jit3A_826, %jit3A_823 : i32
      %rem3A_828 = arith.remsi %add3A_798, %select_n3A_827 : i32
      %ne3A_829 = arith.constant 0 : i32
      %ne3A_830 = arith.cmpi ne, %rem3A_828, %ne3A_829 : i32
      %lt3A_831 = arith.constant 0 : i32
      %lt3A_832 = arith.cmpi slt, %rem3A_828, %lt3A_831 : i32
      %lt3A_833 = arith.constant 0 : i32
      %lt3A_834 = arith.cmpi slt, %select_n3A_827, %lt3A_833 : i32
      %ne3A_835 = arith.xori %lt3A_832, %lt3A_834 : i1
      %and3A_836 = arith.andi %ne3A_835, %ne3A_830 : i1
      %add3A_837 = arith.addi %rem3A_828, %select_n3A_827 : i32
      %select_n3A_838 = arith.select %and3A_836, %add3A_837, %rem3A_828 : i32
      %mul3A_839 = arith.constant 64 : i32
      %mul3A_840 = arith.muli %select_n3A_838, %mul3A_839 : i32
      %dma_wait3A_841 = arith.constant 0 : i32
      %dma_wait3A_842 = tpu.memref_slice %arg5[%select_n3A_822, %dma_wait3A_841] : memref<50x128xi32, #tpu.memory_space<vmem>> -> memref<1x128xi32, #tpu.memory_space<vmem>>
      %dma_wait3A_843 = tpu.memref_squeeze %dma_wait3A_842 : memref<1x128xi32, #tpu.memory_space<vmem>> -> memref<128xi32, #tpu.memory_space<vmem>>
      %dma_wait3A_844 = tpu.memref_slice %dma_wait3A_843[%mul3A_840] : memref<128xi32, #tpu.memory_space<vmem>> -> memref<64xi32, #tpu.memory_space<vmem>>
      %dma_wait3A_845 = arith.constant 0 : i32
      %dma_wait3A_846 = arith.constant 0 : i32
      %dma_wait3A_847 = tpu.memref_slice %arg3[%dma_wait3A_845, %dma_wait3A_846] : memref<100032x128xf32, #tpu.memory_space<hbm>> -> memref<100032x128xf32, #tpu.memory_space<hbm>>
      tpu.wait_indirect_dma semaphore(%arg19 : memref<!tpu.dma_semaphore, #tpu.memory_space<semaphore_mem>>) src(%dma_wait3A_847 : memref<100032x128xf32, #tpu.memory_space<hbm>>) dst(%arg9 : memref<64x128xf32, #tpu.memory_space<vmem>>)
      %jit3A_848 = arith.constant 2 : i32
      %div3A_849 = arith.divsi %add3A_798, %jit3A_848 : i32
      %sign3A_850 = arith.constant 0 : i32
      %sign3A_851 = arith.cmpi sgt, %add3A_798, %sign3A_850 : i32
      %sign3A_852 = arith.extui %sign3A_851 : i1 to i32
      %sign3A_853 = arith.constant 0 : i32
      %sign3A_854 = arith.cmpi slt, %add3A_798, %sign3A_853 : i32
      %sign3A_855 = arith.extui %sign3A_854 : i1 to i32
      %sign3A_856 = arith.subi %sign3A_852, %sign3A_855 : i32
      %sign3A_857 = arith.constant 0 : i32
      %sign3A_858 = arith.cmpi sgt, %jit3A_848, %sign3A_857 : i32
      %sign3A_859 = arith.extui %sign3A_858 : i1 to i32
      %sign3A_860 = arith.constant 0 : i32
      %sign3A_861 = arith.cmpi slt, %jit3A_848, %sign3A_860 : i32
      %sign3A_862 = arith.extui %sign3A_861 : i1 to i32
      %sign3A_863 = arith.subi %sign3A_859, %sign3A_862 : i32
      %ne3A_864 = arith.cmpi ne, %sign3A_856, %sign3A_863 : i32
      %rem3A_865 = arith.remsi %add3A_798, %jit3A_848 : i32
      %ne3A_866 = arith.constant 0 : i32
      %ne3A_867 = arith.cmpi ne, %rem3A_865, %ne3A_866 : i32
      %and3A_868 = arith.andi %ne3A_864, %ne3A_867 : i1
      %sub3A_869 = arith.constant 1 : i32
      %sub3A_870 = arith.subi %div3A_849, %sub3A_869 : i32
      %select_n3A_871 = arith.select %and3A_868, %sub3A_870, %div3A_849 : i32
      %jit3A_872 = arith.constant 2 : i32
      %eq3A_873 = arith.constant 0 : i32
      %eq3A_874 = arith.cmpi eq, %jit3A_872, %eq3A_873 : i32
      %jit3A_875 = arith.constant 1 : i32
      %select_n3A_876 = arith.select %eq3A_874, %jit3A_875, %jit3A_872 : i32
      %rem3A_877 = arith.remsi %add3A_798, %select_n3A_876 : i32
      %ne3A_878 = arith.constant 0 : i32
      %ne3A_879 = arith.cmpi ne, %rem3A_877, %ne3A_878 : i32
      %lt3A_880 = arith.constant 0 : i32
      %lt3A_881 = arith.cmpi slt, %rem3A_877, %lt3A_880 : i32
      %lt3A_882 = arith.constant 0 : i32
      %lt3A_883 = arith.cmpi slt, %select_n3A_876, %lt3A_882 : i32
      %ne3A_884 = arith.xori %lt3A_881, %lt3A_883 : i1
      %and3A_885 = arith.andi %ne3A_884, %ne3A_879 : i1
      %add3A_886 = arith.addi %rem3A_877, %select_n3A_876 : i32
      %select_n3A_887 = arith.select %and3A_885, %add3A_886, %rem3A_877 : i32
      %mul3A_888 = arith.constant 64 : i32
      %mul3A_889 = arith.muli %select_n3A_887, %mul3A_888 : i32
      %add3A_890 = arith.addi %mul3A_2, %mul3A_889 : i32
      %dma_start3A_891 = arith.constant 0 : i32
      %dma_start3A_892 = arith.constant 0 : i32
      %dma_start3A_893 = tpu.memref_slice %arg4[%select_n3A_871, %dma_start3A_891, %dma_start3A_892] : memref<50x4096x128xf32, #tpu.memory_space<hbm>> -> memref<1x4096x128xf32, #tpu.memory_space<hbm>>
      %dma_start3A_894 = tpu.memref_squeeze %dma_start3A_893 : memref<1x4096x128xf32, #tpu.memory_space<hbm>> -> memref<4096x128xf32, #tpu.memory_space<hbm>>
      %dma_start3A_895 = arith.constant 0 : i32
      %dma_start3A_896 = tpu.memref_slice %dma_start3A_894[%add3A_890, %dma_start3A_895] : memref<4096x128xf32, #tpu.memory_space<hbm>> -> memref<64x128xf32, #tpu.memory_space<hbm>>
      %dma_start3A_897 = arith.constant 0 : i32
      %dma_start3A_898 = arith.constant 0 : i32
      %dma_start3A_899 = tpu.memref_slice %arg4[%select_n3A_871, %dma_start3A_897, %dma_start3A_898] : memref<50x4096x128xf32, #tpu.memory_space<hbm>> -> memref<1x4096x128xf32, #tpu.memory_space<hbm>>
      %dma_start3A_900 = tpu.memref_squeeze %dma_start3A_899 : memref<1x4096x128xf32, #tpu.memory_space<hbm>> -> memref<4096x128xf32, #tpu.memory_space<hbm>>
      %dma_start3A_901 = arith.constant 0 : i32
      %dma_start3A_902 = tpu.memref_slice %dma_start3A_900[%add3A_890, %dma_start3A_901] : memref<4096x128xf32, #tpu.memory_space<hbm>> -> memref<64x128xf32, #tpu.memory_space<hbm>>
      tpu.enqueue_dma source(%arg9 : memref<64x128xf32, #tpu.memory_space<vmem>>) target(%dma_start3A_902 : memref<64x128xf32, #tpu.memory_space<hbm>>) target_semaphore(%arg29 : memref<!tpu.dma_semaphore, #tpu.memory_space<semaphore_mem>>)
      %add3A_903 = arith.constant 4 : i32
      %add3A_904 = arith.addi %mul3A_488, %add3A_903 : i32
      %jit3A_905 = arith.constant 2 : i32
      %div3A_906 = arith.divsi %add3A_904, %jit3A_905 : i32
      %sign3A_907 = arith.constant 0 : i32
      %sign3A_908 = arith.cmpi sgt, %add3A_904, %sign3A_907 : i32
      %sign3A_909 = arith.extui %sign3A_908 : i1 to i32
      %sign3A_910 = arith.constant 0 : i32
      %sign3A_911 = arith.cmpi slt, %add3A_904, %sign3A_910 : i32
      %sign3A_912 = arith.extui %sign3A_911 : i1 to i32
      %sign3A_913 = arith.subi %sign3A_909, %sign3A_912 : i32
      %sign3A_914 = arith.constant 0 : i32
      %sign3A_915 = arith.cmpi sgt, %jit3A_905, %sign3A_914 : i32
      %sign3A_916 = arith.extui %sign3A_915 : i1 to i32
      %sign3A_917 = arith.constant 0 : i32
      %sign3A_918 = arith.cmpi slt, %jit3A_905, %sign3A_917 : i32
      %sign3A_919 = arith.extui %sign3A_918 : i1 to i32
      %sign3A_920 = arith.subi %sign3A_916, %sign3A_919 : i32
      %ne3A_921 = arith.cmpi ne, %sign3A_913, %sign3A_920 : i32
      %rem3A_922 = arith.remsi %add3A_904, %jit3A_905 : i32
      %ne3A_923 = arith.constant 0 : i32
      %ne3A_924 = arith.cmpi ne, %rem3A_922, %ne3A_923 : i32
      %and3A_925 = arith.andi %ne3A_921, %ne3A_924 : i1
      %sub3A_926 = arith.constant 1 : i32
      %sub3A_927 = arith.subi %div3A_906, %sub3A_926 : i32
      %select_n3A_928 = arith.select %and3A_925, %sub3A_927, %div3A_906 : i32
      %jit3A_929 = arith.constant 2 : i32
      %eq3A_930 = arith.constant 0 : i32
      %eq3A_931 = arith.cmpi eq, %jit3A_929, %eq3A_930 : i32
      %jit3A_932 = arith.constant 1 : i32
      %select_n3A_933 = arith.select %eq3A_931, %jit3A_932, %jit3A_929 : i32
      %rem3A_934 = arith.remsi %add3A_904, %select_n3A_933 : i32
      %ne3A_935 = arith.constant 0 : i32
      %ne3A_936 = arith.cmpi ne, %rem3A_934, %ne3A_935 : i32
      %lt3A_937 = arith.constant 0 : i32
      %lt3A_938 = arith.cmpi slt, %rem3A_934, %lt3A_937 : i32
      %lt3A_939 = arith.constant 0 : i32
      %lt3A_940 = arith.cmpi slt, %select_n3A_933, %lt3A_939 : i32
      %ne3A_941 = arith.xori %lt3A_938, %lt3A_940 : i1
      %and3A_942 = arith.andi %ne3A_941, %ne3A_936 : i1
      %add3A_943 = arith.addi %rem3A_934, %select_n3A_933 : i32
      %select_n3A_944 = arith.select %and3A_942, %add3A_943, %rem3A_934 : i32
      %mul3A_945 = arith.constant 64 : i32
      %mul3A_946 = arith.muli %select_n3A_944, %mul3A_945 : i32
      %dma_wait3A_947 = arith.constant 0 : i32
      %dma_wait3A_948 = tpu.memref_slice %arg5[%select_n3A_928, %dma_wait3A_947] : memref<50x128xi32, #tpu.memory_space<vmem>> -> memref<1x128xi32, #tpu.memory_space<vmem>>
      %dma_wait3A_949 = tpu.memref_squeeze %dma_wait3A_948 : memref<1x128xi32, #tpu.memory_space<vmem>> -> memref<128xi32, #tpu.memory_space<vmem>>
      %dma_wait3A_950 = tpu.memref_slice %dma_wait3A_949[%mul3A_946] : memref<128xi32, #tpu.memory_space<vmem>> -> memref<64xi32, #tpu.memory_space<vmem>>
      %dma_wait3A_951 = arith.constant 0 : i32
      %dma_wait3A_952 = arith.constant 0 : i32
      %dma_wait3A_953 = tpu.memref_slice %arg3[%dma_wait3A_951, %dma_wait3A_952] : memref<100032x128xf32, #tpu.memory_space<hbm>> -> memref<100032x128xf32, #tpu.memory_space<hbm>>
      tpu.wait_indirect_dma semaphore(%arg20 : memref<!tpu.dma_semaphore, #tpu.memory_space<semaphore_mem>>) src(%dma_wait3A_953 : memref<100032x128xf32, #tpu.memory_space<hbm>>) dst(%arg10 : memref<64x128xf32, #tpu.memory_space<vmem>>)
      %jit3A_954 = arith.constant 2 : i32
      %div3A_955 = arith.divsi %add3A_904, %jit3A_954 : i32
      %sign3A_956 = arith.constant 0 : i32
      %sign3A_957 = arith.cmpi sgt, %add3A_904, %sign3A_956 : i32
      %sign3A_958 = arith.extui %sign3A_957 : i1 to i32
      %sign3A_959 = arith.constant 0 : i32
      %sign3A_960 = arith.cmpi slt, %add3A_904, %sign3A_959 : i32
      %sign3A_961 = arith.extui %sign3A_960 : i1 to i32
      %sign3A_962 = arith.subi %sign3A_958, %sign3A_961 : i32
      %sign3A_963 = arith.constant 0 : i32
      %sign3A_964 = arith.cmpi sgt, %jit3A_954, %sign3A_963 : i32
      %sign3A_965 = arith.extui %sign3A_964 : i1 to i32
      %sign3A_966 = arith.constant 0 : i32
      %sign3A_967 = arith.cmpi slt, %jit3A_954, %sign3A_966 : i32
      %sign3A_968 = arith.extui %sign3A_967 : i1 to i32
      %sign3A_969 = arith.subi %sign3A_965, %sign3A_968 : i32
      %ne3A_970 = arith.cmpi ne, %sign3A_962, %sign3A_969 : i32
      %rem3A_971 = arith.remsi %add3A_904, %jit3A_954 : i32
      %ne3A_972 = arith.constant 0 : i32
      %ne3A_973 = arith.cmpi ne, %rem3A_971, %ne3A_972 : i32
      %and3A_974 = arith.andi %ne3A_970, %ne3A_973 : i1
      %sub3A_975 = arith.constant 1 : i32
      %sub3A_976 = arith.subi %div3A_955, %sub3A_975 : i32
      %select_n3A_977 = arith.select %and3A_974, %sub3A_976, %div3A_955 : i32
      %jit3A_978 = arith.constant 2 : i32
      %eq3A_979 = arith.constant 0 : i32
      %eq3A_980 = arith.cmpi eq, %jit3A_978, %eq3A_979 : i32
      %jit3A_981 = arith.constant 1 : i32
      %select_n3A_982 = arith.select %eq3A_980, %jit3A_981, %jit3A_978 : i32
      %rem3A_983 = arith.remsi %add3A_904, %select_n3A_982 : i32
      %ne3A_984 = arith.constant 0 : i32
      %ne3A_985 = arith.cmpi ne, %rem3A_983, %ne3A_984 : i32
      %lt3A_986 = arith.constant 0 : i32
      %lt3A_987 = arith.cmpi slt, %rem3A_983, %lt3A_986 : i32
      %lt3A_988 = arith.constant 0 : i32
      %lt3A_989 = arith.cmpi slt, %select_n3A_982, %lt3A_988 : i32
      %ne3A_990 = arith.xori %lt3A_987, %lt3A_989 : i1
      %and3A_991 = arith.andi %ne3A_990, %ne3A_985 : i1
      %add3A_992 = arith.addi %rem3A_983, %select_n3A_982 : i32
      %select_n3A_993 = arith.select %and3A_991, %add3A_992, %rem3A_983 : i32
      %mul3A_994 = arith.constant 64 : i32
      %mul3A_995 = arith.muli %select_n3A_993, %mul3A_994 : i32
      %add3A_996 = arith.addi %mul3A_2, %mul3A_995 : i32
      %dma_start3A_997 = arith.constant 0 : i32
      %dma_start3A_998 = arith.constant 0 : i32
      %dma_start3A_999 = tpu.memref_slice %arg4[%select_n3A_977, %dma_start3A_997, %dma_start3A_998] : memref<50x4096x128xf32, #tpu.memory_space<hbm>> -> memref<1x4096x128xf32, #tpu.memory_space<hbm>>
      %dma_start3A_1000 = tpu.memref_squeeze %dma_start3A_999 : memref<1x4096x128xf32, #tpu.memory_space<hbm>> -> memref<4096x128xf32, #tpu.memory_space<hbm>>
      %dma_start3A_1001 = arith.constant 0 : i32
      %dma_start3A_1002 = tpu.memref_slice %dma_start3A_1000[%add3A_996, %dma_start3A_1001] : memref<4096x128xf32, #tpu.memory_space<hbm>> -> memref<64x128xf32, #tpu.memory_space<hbm>>
      %dma_start3A_1003 = arith.constant 0 : i32
      %dma_start3A_1004 = arith.constant 0 : i32
      %dma_start3A_1005 = tpu.memref_slice %arg4[%select_n3A_977, %dma_start3A_1003, %dma_start3A_1004] : memref<50x4096x128xf32, #tpu.memory_space<hbm>> -> memref<1x4096x128xf32, #tpu.memory_space<hbm>>
      %dma_start3A_1006 = tpu.memref_squeeze %dma_start3A_1005 : memref<1x4096x128xf32, #tpu.memory_space<hbm>> -> memref<4096x128xf32, #tpu.memory_space<hbm>>
      %dma_start3A_1007 = arith.constant 0 : i32
      %dma_start3A_1008 = tpu.memref_slice %dma_start3A_1006[%add3A_996, %dma_start3A_1007] : memref<4096x128xf32, #tpu.memory_space<hbm>> -> memref<64x128xf32, #tpu.memory_space<hbm>>
      tpu.enqueue_dma source(%arg10 : memref<64x128xf32, #tpu.memory_space<vmem>>) target(%dma_start3A_1008 : memref<64x128xf32, #tpu.memory_space<hbm>>) target_semaphore(%arg30 : memref<!tpu.dma_semaphore, #tpu.memory_space<semaphore_mem>>)
      %add3A_1009 = arith.constant 5 : i32
      %add3A_1010 = arith.addi %mul3A_488, %add3A_1009 : i32
      %jit3A_1011 = arith.constant 2 : i32
      %div3A_1012 = arith.divsi %add3A_1010, %jit3A_1011 : i32
      %sign3A_1013 = arith.constant 0 : i32
      %sign3A_1014 = arith.cmpi sgt, %add3A_1010, %sign3A_1013 : i32
      %sign3A_1015 = arith.extui %sign3A_1014 : i1 to i32
      %sign3A_1016 = arith.constant 0 : i32
      %sign3A_1017 = arith.cmpi slt, %add3A_1010, %sign3A_1016 : i32
      %sign3A_1018 = arith.extui %sign3A_1017 : i1 to i32
      %sign3A_1019 = arith.subi %sign3A_1015, %sign3A_1018 : i32
      %sign3A_1020 = arith.constant 0 : i32
      %sign3A_1021 = arith.cmpi sgt, %jit3A_1011, %sign3A_1020 : i32
      %sign3A_1022 = arith.extui %sign3A_1021 : i1 to i32
      %sign3A_1023 = arith.constant 0 : i32
      %sign3A_1024 = arith.cmpi slt, %jit3A_1011, %sign3A_1023 : i32
      %sign3A_1025 = arith.extui %sign3A_1024 : i1 to i32
      %sign3A_1026 = arith.subi %sign3A_1022, %sign3A_1025 : i32
      %ne3A_1027 = arith.cmpi ne, %sign3A_1019, %sign3A_1026 : i32
      %rem3A_1028 = arith.remsi %add3A_1010, %jit3A_1011 : i32
      %ne3A_1029 = arith.constant 0 : i32
      %ne3A_1030 = arith.cmpi ne, %rem3A_1028, %ne3A_1029 : i32
      %and3A_1031 = arith.andi %ne3A_1027, %ne3A_1030 : i1
      %sub3A_1032 = arith.constant 1 : i32
      %sub3A_1033 = arith.subi %div3A_1012, %sub3A_1032 : i32
      %select_n3A_1034 = arith.select %and3A_1031, %sub3A_1033, %div3A_1012 : i32
      %jit3A_1035 = arith.constant 2 : i32
      %eq3A_1036 = arith.constant 0 : i32
      %eq3A_1037 = arith.cmpi eq, %jit3A_1035, %eq3A_1036 : i32
      %jit3A_1038 = arith.constant 1 : i32
      %select_n3A_1039 = arith.select %eq3A_1037, %jit3A_1038, %jit3A_1035 : i32
      %rem3A_1040 = arith.remsi %add3A_1010, %select_n3A_1039 : i32
      %ne3A_1041 = arith.constant 0 : i32
      %ne3A_1042 = arith.cmpi ne, %rem3A_1040, %ne3A_1041 : i32
      %lt3A_1043 = arith.constant 0 : i32
      %lt3A_1044 = arith.cmpi slt, %rem3A_1040, %lt3A_1043 : i32
      %lt3A_1045 = arith.constant 0 : i32
      %lt3A_1046 = arith.cmpi slt, %select_n3A_1039, %lt3A_1045 : i32
      %ne3A_1047 = arith.xori %lt3A_1044, %lt3A_1046 : i1
      %and3A_1048 = arith.andi %ne3A_1047, %ne3A_1042 : i1
      %add3A_1049 = arith.addi %rem3A_1040, %select_n3A_1039 : i32
      %select_n3A_1050 = arith.select %and3A_1048, %add3A_1049, %rem3A_1040 : i32
      %mul3A_1051 = arith.constant 64 : i32
      %mul3A_1052 = arith.muli %select_n3A_1050, %mul3A_1051 : i32
      %dma_wait3A_1053 = arith.constant 0 : i32
      %dma_wait3A_1054 = tpu.memref_slice %arg5[%select_n3A_1034, %dma_wait3A_1053] : memref<50x128xi32, #tpu.memory_space<vmem>> -> memref<1x128xi32, #tpu.memory_space<vmem>>
      %dma_wait3A_1055 = tpu.memref_squeeze %dma_wait3A_1054 : memref<1x128xi32, #tpu.memory_space<vmem>> -> memref<128xi32, #tpu.memory_space<vmem>>
      %dma_wait3A_1056 = tpu.memref_slice %dma_wait3A_1055[%mul3A_1052] : memref<128xi32, #tpu.memory_space<vmem>> -> memref<64xi32, #tpu.memory_space<vmem>>
      %dma_wait3A_1057 = arith.constant 0 : i32
      %dma_wait3A_1058 = arith.constant 0 : i32
      %dma_wait3A_1059 = tpu.memref_slice %arg3[%dma_wait3A_1057, %dma_wait3A_1058] : memref<100032x128xf32, #tpu.memory_space<hbm>> -> memref<100032x128xf32, #tpu.memory_space<hbm>>
      tpu.wait_indirect_dma semaphore(%arg21 : memref<!tpu.dma_semaphore, #tpu.memory_space<semaphore_mem>>) src(%dma_wait3A_1059 : memref<100032x128xf32, #tpu.memory_space<hbm>>) dst(%arg11 : memref<64x128xf32, #tpu.memory_space<vmem>>)
      %jit3A_1060 = arith.constant 2 : i32
      %div3A_1061 = arith.divsi %add3A_1010, %jit3A_1060 : i32
      %sign3A_1062 = arith.constant 0 : i32
      %sign3A_1063 = arith.cmpi sgt, %add3A_1010, %sign3A_1062 : i32
      %sign3A_1064 = arith.extui %sign3A_1063 : i1 to i32
      %sign3A_1065 = arith.constant 0 : i32
      %sign3A_1066 = arith.cmpi slt, %add3A_1010, %sign3A_1065 : i32
      %sign3A_1067 = arith.extui %sign3A_1066 : i1 to i32
      %sign3A_1068 = arith.subi %sign3A_1064, %sign3A_1067 : i32
      %sign3A_1069 = arith.constant 0 : i32
      %sign3A_1070 = arith.cmpi sgt, %jit3A_1060, %sign3A_1069 : i32
      %sign3A_1071 = arith.extui %sign3A_1070 : i1 to i32
      %sign3A_1072 = arith.constant 0 : i32
      %sign3A_1073 = arith.cmpi slt, %jit3A_1060, %sign3A_1072 : i32
      %sign3A_1074 = arith.extui %sign3A_1073 : i1 to i32
      %sign3A_1075 = arith.subi %sign3A_1071, %sign3A_1074 : i32
      %ne3A_1076 = arith.cmpi ne, %sign3A_1068, %sign3A_1075 : i32
      %rem3A_1077 = arith.remsi %add3A_1010, %jit3A_1060 : i32
      %ne3A_1078 = arith.constant 0 : i32
      %ne3A_1079 = arith.cmpi ne, %rem3A_1077, %ne3A_1078 : i32
      %and3A_1080 = arith.andi %ne3A_1076, %ne3A_1079 : i1
      %sub3A_1081 = arith.constant 1 : i32
      %sub3A_1082 = arith.subi %div3A_1061, %sub3A_1081 : i32
      %select_n3A_1083 = arith.select %and3A_1080, %sub3A_1082, %div3A_1061 : i32
      %jit3A_1084 = arith.constant 2 : i32
      %eq3A_1085 = arith.constant 0 : i32
      %eq3A_1086 = arith.cmpi eq, %jit3A_1084, %eq3A_1085 : i32
      %jit3A_1087 = arith.constant 1 : i32
      %select_n3A_1088 = arith.select %eq3A_1086, %jit3A_1087, %jit3A_1084 : i32
      %rem3A_1089 = arith.remsi %add3A_1010, %select_n3A_1088 : i32
      %ne3A_1090 = arith.constant 0 : i32
      %ne3A_1091 = arith.cmpi ne, %rem3A_1089, %ne3A_1090 : i32
      %lt3A_1092 = arith.constant 0 : i32
      %lt3A_1093 = arith.cmpi slt, %rem3A_1089, %lt3A_1092 : i32
      %lt3A_1094 = arith.constant 0 : i32
      %lt3A_1095 = arith.cmpi slt, %select_n3A_1088, %lt3A_1094 : i32
      %ne3A_1096 = arith.xori %lt3A_1093, %lt3A_1095 : i1
      %and3A_1097 = arith.andi %ne3A_1096, %ne3A_1091 : i1
      %add3A_1098 = arith.addi %rem3A_1089, %select_n3A_1088 : i32
      %select_n3A_1099 = arith.select %and3A_1097, %add3A_1098, %rem3A_1089 : i32
      %mul3A_1100 = arith.constant 64 : i32
      %mul3A_1101 = arith.muli %select_n3A_1099, %mul3A_1100 : i32
      %add3A_1102 = arith.addi %mul3A_2, %mul3A_1101 : i32
      %dma_start3A_1103 = arith.constant 0 : i32
      %dma_start3A_1104 = arith.constant 0 : i32
      %dma_start3A_1105 = tpu.memref_slice %arg4[%select_n3A_1083, %dma_start3A_1103, %dma_start3A_1104] : memref<50x4096x128xf32, #tpu.memory_space<hbm>> -> memref<1x4096x128xf32, #tpu.memory_space<hbm>>
      %dma_start3A_1106 = tpu.memref_squeeze %dma_start3A_1105 : memref<1x4096x128xf32, #tpu.memory_space<hbm>> -> memref<4096x128xf32, #tpu.memory_space<hbm>>
      %dma_start3A_1107 = arith.constant 0 : i32
      %dma_start3A_1108 = tpu.memref_slice %dma_start3A_1106[%add3A_1102, %dma_start3A_1107] : memref<4096x128xf32, #tpu.memory_space<hbm>> -> memref<64x128xf32, #tpu.memory_space<hbm>>
      %dma_start3A_1109 = arith.constant 0 : i32
      %dma_start3A_1110 = arith.constant 0 : i32
      %dma_start3A_1111 = tpu.memref_slice %arg4[%select_n3A_1083, %dma_start3A_1109, %dma_start3A_1110] : memref<50x4096x128xf32, #tpu.memory_space<hbm>> -> memref<1x4096x128xf32, #tpu.memory_space<hbm>>
      %dma_start3A_1112 = tpu.memref_squeeze %dma_start3A_1111 : memref<1x4096x128xf32, #tpu.memory_space<hbm>> -> memref<4096x128xf32, #tpu.memory_space<hbm>>
      %dma_start3A_1113 = arith.constant 0 : i32
      %dma_start3A_1114 = tpu.memref_slice %dma_start3A_1112[%add3A_1102, %dma_start3A_1113] : memref<4096x128xf32, #tpu.memory_space<hbm>> -> memref<64x128xf32, #tpu.memory_space<hbm>>
      tpu.enqueue_dma source(%arg11 : memref<64x128xf32, #tpu.memory_space<vmem>>) target(%dma_start3A_1114 : memref<64x128xf32, #tpu.memory_space<hbm>>) target_semaphore(%arg31 : memref<!tpu.dma_semaphore, #tpu.memory_space<semaphore_mem>>)
      %add3A_1115 = arith.constant 6 : i32
      %add3A_1116 = arith.addi %mul3A_488, %add3A_1115 : i32
      %jit3A_1117 = arith.constant 2 : i32
      %div3A_1118 = arith.divsi %add3A_1116, %jit3A_1117 : i32
      %sign3A_1119 = arith.constant 0 : i32
      %sign3A_1120 = arith.cmpi sgt, %add3A_1116, %sign3A_1119 : i32
      %sign3A_1121 = arith.extui %sign3A_1120 : i1 to i32
      %sign3A_1122 = arith.constant 0 : i32
      %sign3A_1123 = arith.cmpi slt, %add3A_1116, %sign3A_1122 : i32
      %sign3A_1124 = arith.extui %sign3A_1123 : i1 to i32
      %sign3A_1125 = arith.subi %sign3A_1121, %sign3A_1124 : i32
      %sign3A_1126 = arith.constant 0 : i32
      %sign3A_1127 = arith.cmpi sgt, %jit3A_1117, %sign3A_1126 : i32
      %sign3A_1128 = arith.extui %sign3A_1127 : i1 to i32
      %sign3A_1129 = arith.constant 0 : i32
      %sign3A_1130 = arith.cmpi slt, %jit3A_1117, %sign3A_1129 : i32
      %sign3A_1131 = arith.extui %sign3A_1130 : i1 to i32
      %sign3A_1132 = arith.subi %sign3A_1128, %sign3A_1131 : i32
      %ne3A_1133 = arith.cmpi ne, %sign3A_1125, %sign3A_1132 : i32
      %rem3A_1134 = arith.remsi %add3A_1116, %jit3A_1117 : i32
      %ne3A_1135 = arith.constant 0 : i32
      %ne3A_1136 = arith.cmpi ne, %rem3A_1134, %ne3A_1135 : i32
      %and3A_1137 = arith.andi %ne3A_1133, %ne3A_1136 : i1
      %sub3A_1138 = arith.constant 1 : i32
      %sub3A_1139 = arith.subi %div3A_1118, %sub3A_1138 : i32
      %select_n3A_1140 = arith.select %and3A_1137, %sub3A_1139, %div3A_1118 : i32
      %jit3A_1141 = arith.constant 2 : i32
      %eq3A_1142 = arith.constant 0 : i32
      %eq3A_1143 = arith.cmpi eq, %jit3A_1141, %eq3A_1142 : i32
      %jit3A_1144 = arith.constant 1 : i32
      %select_n3A_1145 = arith.select %eq3A_1143, %jit3A_1144, %jit3A_1141 : i32
      %rem3A_1146 = arith.remsi %add3A_1116, %select_n3A_1145 : i32
      %ne3A_1147 = arith.constant 0 : i32
      %ne3A_1148 = arith.cmpi ne, %rem3A_1146, %ne3A_1147 : i32
      %lt3A_1149 = arith.constant 0 : i32
      %lt3A_1150 = arith.cmpi slt, %rem3A_1146, %lt3A_1149 : i32
      %lt3A_1151 = arith.constant 0 : i32
      %lt3A_1152 = arith.cmpi slt, %select_n3A_1145, %lt3A_1151 : i32
      %ne3A_1153 = arith.xori %lt3A_1150, %lt3A_1152 : i1
      %and3A_1154 = arith.andi %ne3A_1153, %ne3A_1148 : i1
      %add3A_1155 = arith.addi %rem3A_1146, %select_n3A_1145 : i32
      %select_n3A_1156 = arith.select %and3A_1154, %add3A_1155, %rem3A_1146 : i32
      %mul3A_1157 = arith.constant 64 : i32
      %mul3A_1158 = arith.muli %select_n3A_1156, %mul3A_1157 : i32
      %dma_wait3A_1159 = arith.constant 0 : i32
      %dma_wait3A_1160 = tpu.memref_slice %arg5[%select_n3A_1140, %dma_wait3A_1159] : memref<50x128xi32, #tpu.memory_space<vmem>> -> memref<1x128xi32, #tpu.memory_space<vmem>>
      %dma_wait3A_1161 = tpu.memref_squeeze %dma_wait3A_1160 : memref<1x128xi32, #tpu.memory_space<vmem>> -> memref<128xi32, #tpu.memory_space<vmem>>
      %dma_wait3A_1162 = tpu.memref_slice %dma_wait3A_1161[%mul3A_1158] : memref<128xi32, #tpu.memory_space<vmem>> -> memref<64xi32, #tpu.memory_space<vmem>>
      %dma_wait3A_1163 = arith.constant 0 : i32
      %dma_wait3A_1164 = arith.constant 0 : i32
      %dma_wait3A_1165 = tpu.memref_slice %arg3[%dma_wait3A_1163, %dma_wait3A_1164] : memref<100032x128xf32, #tpu.memory_space<hbm>> -> memref<100032x128xf32, #tpu.memory_space<hbm>>
      tpu.wait_indirect_dma semaphore(%arg22 : memref<!tpu.dma_semaphore, #tpu.memory_space<semaphore_mem>>) src(%dma_wait3A_1165 : memref<100032x128xf32, #tpu.memory_space<hbm>>) dst(%arg12 : memref<64x128xf32, #tpu.memory_space<vmem>>)
      %jit3A_1166 = arith.constant 2 : i32
      %div3A_1167 = arith.divsi %add3A_1116, %jit3A_1166 : i32
      %sign3A_1168 = arith.constant 0 : i32
      %sign3A_1169 = arith.cmpi sgt, %add3A_1116, %sign3A_1168 : i32
      %sign3A_1170 = arith.extui %sign3A_1169 : i1 to i32
      %sign3A_1171 = arith.constant 0 : i32
      %sign3A_1172 = arith.cmpi slt, %add3A_1116, %sign3A_1171 : i32
      %sign3A_1173 = arith.extui %sign3A_1172 : i1 to i32
      %sign3A_1174 = arith.subi %sign3A_1170, %sign3A_1173 : i32
      %sign3A_1175 = arith.constant 0 : i32
      %sign3A_1176 = arith.cmpi sgt, %jit3A_1166, %sign3A_1175 : i32
      %sign3A_1177 = arith.extui %sign3A_1176 : i1 to i32
      %sign3A_1178 = arith.constant 0 : i32
      %sign3A_1179 = arith.cmpi slt, %jit3A_1166, %sign3A_1178 : i32
      %sign3A_1180 = arith.extui %sign3A_1179 : i1 to i32
      %sign3A_1181 = arith.subi %sign3A_1177, %sign3A_1180 : i32
      %ne3A_1182 = arith.cmpi ne, %sign3A_1174, %sign3A_1181 : i32
      %rem3A_1183 = arith.remsi %add3A_1116, %jit3A_1166 : i32
      %ne3A_1184 = arith.constant 0 : i32
      %ne3A_1185 = arith.cmpi ne, %rem3A_1183, %ne3A_1184 : i32
      %and3A_1186 = arith.andi %ne3A_1182, %ne3A_1185 : i1
      %sub3A_1187 = arith.constant 1 : i32
      %sub3A_1188 = arith.subi %div3A_1167, %sub3A_1187 : i32
      %select_n3A_1189 = arith.select %and3A_1186, %sub3A_1188, %div3A_1167 : i32
      %jit3A_1190 = arith.constant 2 : i32
      %eq3A_1191 = arith.constant 0 : i32
      %eq3A_1192 = arith.cmpi eq, %jit3A_1190, %eq3A_1191 : i32
      %jit3A_1193 = arith.constant 1 : i32
      %select_n3A_1194 = arith.select %eq3A_1192, %jit3A_1193, %jit3A_1190 : i32
      %rem3A_1195 = arith.remsi %add3A_1116, %select_n3A_1194 : i32
      %ne3A_1196 = arith.constant 0 : i32
      %ne3A_1197 = arith.cmpi ne, %rem3A_1195, %ne3A_1196 : i32
      %lt3A_1198 = arith.constant 0 : i32
      %lt3A_1199 = arith.cmpi slt, %rem3A_1195, %lt3A_1198 : i32
      %lt3A_1200 = arith.constant 0 : i32
      %lt3A_1201 = arith.cmpi slt, %select_n3A_1194, %lt3A_1200 : i32
      %ne3A_1202 = arith.xori %lt3A_1199, %lt3A_1201 : i1
      %and3A_1203 = arith.andi %ne3A_1202, %ne3A_1197 : i1
      %add3A_1204 = arith.addi %rem3A_1195, %select_n3A_1194 : i32
      %select_n3A_1205 = arith.select %and3A_1203, %add3A_1204, %rem3A_1195 : i32
      %mul3A_1206 = arith.constant 64 : i32
      %mul3A_1207 = arith.muli %select_n3A_1205, %mul3A_1206 : i32
      %add3A_1208 = arith.addi %mul3A_2, %mul3A_1207 : i32
      %dma_start3A_1209 = arith.constant 0 : i32
      %dma_start3A_1210 = arith.constant 0 : i32
      %dma_start3A_1211 = tpu.memref_slice %arg4[%select_n3A_1189, %dma_start3A_1209, %dma_start3A_1210] : memref<50x4096x128xf32, #tpu.memory_space<hbm>> -> memref<1x4096x128xf32, #tpu.memory_space<hbm>>
      %dma_start3A_1212 = tpu.memref_squeeze %dma_start3A_1211 : memref<1x4096x128xf32, #tpu.memory_space<hbm>> -> memref<4096x128xf32, #tpu.memory_space<hbm>>
      %dma_start3A_1213 = arith.constant 0 : i32
      %dma_start3A_1214 = tpu.memref_slice %dma_start3A_1212[%add3A_1208, %dma_start3A_1213] : memref<4096x128xf32, #tpu.memory_space<hbm>> -> memref<64x128xf32, #tpu.memory_space<hbm>>
      %dma_start3A_1215 = arith.constant 0 : i32
      %dma_start3A_1216 = arith.constant 0 : i32
      %dma_start3A_1217 = tpu.memref_slice %arg4[%select_n3A_1189, %dma_start3A_1215, %dma_start3A_1216] : memref<50x4096x128xf32, #tpu.memory_space<hbm>> -> memref<1x4096x128xf32, #tpu.memory_space<hbm>>
      %dma_start3A_1218 = tpu.memref_squeeze %dma_start3A_1217 : memref<1x4096x128xf32, #tpu.memory_space<hbm>> -> memref<4096x128xf32, #tpu.memory_space<hbm>>
      %dma_start3A_1219 = arith.constant 0 : i32
      %dma_start3A_1220 = tpu.memref_slice %dma_start3A_1218[%add3A_1208, %dma_start3A_1219] : memref<4096x128xf32, #tpu.memory_space<hbm>> -> memref<64x128xf32, #tpu.memory_space<hbm>>
      tpu.enqueue_dma source(%arg12 : memref<64x128xf32, #tpu.memory_space<vmem>>) target(%dma_start3A_1220 : memref<64x128xf32, #tpu.memory_space<hbm>>) target_semaphore(%arg32 : memref<!tpu.dma_semaphore, #tpu.memory_space<semaphore_mem>>)
      %add3A_1221 = arith.constant 7 : i32
      %add3A_1222 = arith.addi %mul3A_488, %add3A_1221 : i32
      %jit3A_1223 = arith.constant 2 : i32
      %div3A_1224 = arith.divsi %add3A_1222, %jit3A_1223 : i32
      %sign3A_1225 = arith.constant 0 : i32
      %sign3A_1226 = arith.cmpi sgt, %add3A_1222, %sign3A_1225 : i32
      %sign3A_1227 = arith.extui %sign3A_1226 : i1 to i32
      %sign3A_1228 = arith.constant 0 : i32
      %sign3A_1229 = arith.cmpi slt, %add3A_1222, %sign3A_1228 : i32
      %sign3A_1230 = arith.extui %sign3A_1229 : i1 to i32
      %sign3A_1231 = arith.subi %sign3A_1227, %sign3A_1230 : i32
      %sign3A_1232 = arith.constant 0 : i32
      %sign3A_1233 = arith.cmpi sgt, %jit3A_1223, %sign3A_1232 : i32
      %sign3A_1234 = arith.extui %sign3A_1233 : i1 to i32
      %sign3A_1235 = arith.constant 0 : i32
      %sign3A_1236 = arith.cmpi slt, %jit3A_1223, %sign3A_1235 : i32
      %sign3A_1237 = arith.extui %sign3A_1236 : i1 to i32
      %sign3A_1238 = arith.subi %sign3A_1234, %sign3A_1237 : i32
      %ne3A_1239 = arith.cmpi ne, %sign3A_1231, %sign3A_1238 : i32
      %rem3A_1240 = arith.remsi %add3A_1222, %jit3A_1223 : i32
      %ne3A_1241 = arith.constant 0 : i32
      %ne3A_1242 = arith.cmpi ne, %rem3A_1240, %ne3A_1241 : i32
      %and3A_1243 = arith.andi %ne3A_1239, %ne3A_1242 : i1
      %sub3A_1244 = arith.constant 1 : i32
      %sub3A_1245 = arith.subi %div3A_1224, %sub3A_1244 : i32
      %select_n3A_1246 = arith.select %and3A_1243, %sub3A_1245, %div3A_1224 : i32
      %jit3A_1247 = arith.constant 2 : i32
      %eq3A_1248 = arith.constant 0 : i32
      %eq3A_1249 = arith.cmpi eq, %jit3A_1247, %eq3A_1248 : i32
      %jit3A_1250 = arith.constant 1 : i32
      %select_n3A_1251 = arith.select %eq3A_1249, %jit3A_1250, %jit3A_1247 : i32
      %rem3A_1252 = arith.remsi %add3A_1222, %select_n3A_1251 : i32
      %ne3A_1253 = arith.constant 0 : i32
      %ne3A_1254 = arith.cmpi ne, %rem3A_1252, %ne3A_1253 : i32
      %lt3A_1255 = arith.constant 0 : i32
      %lt3A_1256 = arith.cmpi slt, %rem3A_1252, %lt3A_1255 : i32
      %lt3A_1257 = arith.constant 0 : i32
      %lt3A_1258 = arith.cmpi slt, %select_n3A_1251, %lt3A_1257 : i32
      %ne3A_1259 = arith.xori %lt3A_1256, %lt3A_1258 : i1
      %and3A_1260 = arith.andi %ne3A_1259, %ne3A_1254 : i1
      %add3A_1261 = arith.addi %rem3A_1252, %select_n3A_1251 : i32
      %select_n3A_1262 = arith.select %and3A_1260, %add3A_1261, %rem3A_1252 : i32
      %mul3A_1263 = arith.constant 64 : i32
      %mul3A_1264 = arith.muli %select_n3A_1262, %mul3A_1263 : i32
      %dma_wait3A_1265 = arith.constant 0 : i32
      %dma_wait3A_1266 = tpu.memref_slice %arg5[%select_n3A_1246, %dma_wait3A_1265] : memref<50x128xi32, #tpu.memory_space<vmem>> -> memref<1x128xi32, #tpu.memory_space<vmem>>
      %dma_wait3A_1267 = tpu.memref_squeeze %dma_wait3A_1266 : memref<1x128xi32, #tpu.memory_space<vmem>> -> memref<128xi32, #tpu.memory_space<vmem>>
      %dma_wait3A_1268 = tpu.memref_slice %dma_wait3A_1267[%mul3A_1264] : memref<128xi32, #tpu.memory_space<vmem>> -> memref<64xi32, #tpu.memory_space<vmem>>
      %dma_wait3A_1269 = arith.constant 0 : i32
      %dma_wait3A_1270 = arith.constant 0 : i32
      %dma_wait3A_1271 = tpu.memref_slice %arg3[%dma_wait3A_1269, %dma_wait3A_1270] : memref<100032x128xf32, #tpu.memory_space<hbm>> -> memref<100032x128xf32, #tpu.memory_space<hbm>>
      tpu.wait_indirect_dma semaphore(%arg23 : memref<!tpu.dma_semaphore, #tpu.memory_space<semaphore_mem>>) src(%dma_wait3A_1271 : memref<100032x128xf32, #tpu.memory_space<hbm>>) dst(%arg13 : memref<64x128xf32, #tpu.memory_space<vmem>>)
      %jit3A_1272 = arith.constant 2 : i32
      %div3A_1273 = arith.divsi %add3A_1222, %jit3A_1272 : i32
      %sign3A_1274 = arith.constant 0 : i32
      %sign3A_1275 = arith.cmpi sgt, %add3A_1222, %sign3A_1274 : i32
      %sign3A_1276 = arith.extui %sign3A_1275 : i1 to i32
      %sign3A_1277 = arith.constant 0 : i32
      %sign3A_1278 = arith.cmpi slt, %add3A_1222, %sign3A_1277 : i32
      %sign3A_1279 = arith.extui %sign3A_1278 : i1 to i32
      %sign3A_1280 = arith.subi %sign3A_1276, %sign3A_1279 : i32
      %sign3A_1281 = arith.constant 0 : i32
      %sign3A_1282 = arith.cmpi sgt, %jit3A_1272, %sign3A_1281 : i32
      %sign3A_1283 = arith.extui %sign3A_1282 : i1 to i32
      %sign3A_1284 = arith.constant 0 : i32
      %sign3A_1285 = arith.cmpi slt, %jit3A_1272, %sign3A_1284 : i32
      %sign3A_1286 = arith.extui %sign3A_1285 : i1 to i32
      %sign3A_1287 = arith.subi %sign3A_1283, %sign3A_1286 : i32
      %ne3A_1288 = arith.cmpi ne, %sign3A_1280, %sign3A_1287 : i32
      %rem3A_1289 = arith.remsi %add3A_1222, %jit3A_1272 : i32
      %ne3A_1290 = arith.constant 0 : i32
      %ne3A_1291 = arith.cmpi ne, %rem3A_1289, %ne3A_1290 : i32
      %and3A_1292 = arith.andi %ne3A_1288, %ne3A_1291 : i1
      %sub3A_1293 = arith.constant 1 : i32
      %sub3A_1294 = arith.subi %div3A_1273, %sub3A_1293 : i32
      %select_n3A_1295 = arith.select %and3A_1292, %sub3A_1294, %div3A_1273 : i32
      %jit3A_1296 = arith.constant 2 : i32
      %eq3A_1297 = arith.constant 0 : i32
      %eq3A_1298 = arith.cmpi eq, %jit3A_1296, %eq3A_1297 : i32
      %jit3A_1299 = arith.constant 1 : i32
      %select_n3A_1300 = arith.select %eq3A_1298, %jit3A_1299, %jit3A_1296 : i32
      %rem3A_1301 = arith.remsi %add3A_1222, %select_n3A_1300 : i32
      %ne3A_1302 = arith.constant 0 : i32
      %ne3A_1303 = arith.cmpi ne, %rem3A_1301, %ne3A_1302 : i32
      %lt3A_1304 = arith.constant 0 : i32
      %lt3A_1305 = arith.cmpi slt, %rem3A_1301, %lt3A_1304 : i32
      %lt3A_1306 = arith.constant 0 : i32
      %lt3A_1307 = arith.cmpi slt, %select_n3A_1300, %lt3A_1306 : i32
      %ne3A_1308 = arith.xori %lt3A_1305, %lt3A_1307 : i1
      %and3A_1309 = arith.andi %ne3A_1308, %ne3A_1303 : i1
      %add3A_1310 = arith.addi %rem3A_1301, %select_n3A_1300 : i32
      %select_n3A_1311 = arith.select %and3A_1309, %add3A_1310, %rem3A_1301 : i32
      %mul3A_1312 = arith.constant 64 : i32
      %mul3A_1313 = arith.muli %select_n3A_1311, %mul3A_1312 : i32
      %add3A_1314 = arith.addi %mul3A_2, %mul3A_1313 : i32
      %dma_start3A_1315 = arith.constant 0 : i32
      %dma_start3A_1316 = arith.constant 0 : i32
      %dma_start3A_1317 = tpu.memref_slice %arg4[%select_n3A_1295, %dma_start3A_1315, %dma_start3A_1316] : memref<50x4096x128xf32, #tpu.memory_space<hbm>> -> memref<1x4096x128xf32, #tpu.memory_space<hbm>>
      %dma_start3A_1318 = tpu.memref_squeeze %dma_start3A_1317 : memref<1x4096x128xf32, #tpu.memory_space<hbm>> -> memref<4096x128xf32, #tpu.memory_space<hbm>>
      %dma_start3A_1319 = arith.constant 0 : i32
      %dma_start3A_1320 = tpu.memref_slice %dma_start3A_1318[%add3A_1314, %dma_start3A_1319] : memref<4096x128xf32, #tpu.memory_space<hbm>> -> memref<64x128xf32, #tpu.memory_space<hbm>>
      %dma_start3A_1321 = arith.constant 0 : i32
      %dma_start3A_1322 = arith.constant 0 : i32
      %dma_start3A_1323 = tpu.memref_slice %arg4[%select_n3A_1295, %dma_start3A_1321, %dma_start3A_1322] : memref<50x4096x128xf32, #tpu.memory_space<hbm>> -> memref<1x4096x128xf32, #tpu.memory_space<hbm>>
      %dma_start3A_1324 = tpu.memref_squeeze %dma_start3A_1323 : memref<1x4096x128xf32, #tpu.memory_space<hbm>> -> memref<4096x128xf32, #tpu.memory_space<hbm>>
      %dma_start3A_1325 = arith.constant 0 : i32
      %dma_start3A_1326 = tpu.memref_slice %dma_start3A_1324[%add3A_1314, %dma_start3A_1325] : memref<4096x128xf32, #tpu.memory_space<hbm>> -> memref<64x128xf32, #tpu.memory_space<hbm>>
      tpu.enqueue_dma source(%arg13 : memref<64x128xf32, #tpu.memory_space<vmem>>) target(%dma_start3A_1326 : memref<64x128xf32, #tpu.memory_space<hbm>>) target_semaphore(%arg33 : memref<!tpu.dma_semaphore, #tpu.memory_space<semaphore_mem>>)
      %add3A_1327 = arith.constant 8 : i32
      %add3A_1328 = arith.addi %mul3A_488, %add3A_1327 : i32
      %jit3A_1329 = arith.constant 2 : i32
      %div3A_1330 = arith.divsi %add3A_1328, %jit3A_1329 : i32
      %sign3A_1331 = arith.constant 0 : i32
      %sign3A_1332 = arith.cmpi sgt, %add3A_1328, %sign3A_1331 : i32
      %sign3A_1333 = arith.extui %sign3A_1332 : i1 to i32
      %sign3A_1334 = arith.constant 0 : i32
      %sign3A_1335 = arith.cmpi slt, %add3A_1328, %sign3A_1334 : i32
      %sign3A_1336 = arith.extui %sign3A_1335 : i1 to i32
      %sign3A_1337 = arith.subi %sign3A_1333, %sign3A_1336 : i32
      %sign3A_1338 = arith.constant 0 : i32
      %sign3A_1339 = arith.cmpi sgt, %jit3A_1329, %sign3A_1338 : i32
      %sign3A_1340 = arith.extui %sign3A_1339 : i1 to i32
      %sign3A_1341 = arith.constant 0 : i32
      %sign3A_1342 = arith.cmpi slt, %jit3A_1329, %sign3A_1341 : i32
      %sign3A_1343 = arith.extui %sign3A_1342 : i1 to i32
      %sign3A_1344 = arith.subi %sign3A_1340, %sign3A_1343 : i32
      %ne3A_1345 = arith.cmpi ne, %sign3A_1337, %sign3A_1344 : i32
      %rem3A_1346 = arith.remsi %add3A_1328, %jit3A_1329 : i32
      %ne3A_1347 = arith.constant 0 : i32
      %ne3A_1348 = arith.cmpi ne, %rem3A_1346, %ne3A_1347 : i32
      %and3A_1349 = arith.andi %ne3A_1345, %ne3A_1348 : i1
      %sub3A_1350 = arith.constant 1 : i32
      %sub3A_1351 = arith.subi %div3A_1330, %sub3A_1350 : i32
      %select_n3A_1352 = arith.select %and3A_1349, %sub3A_1351, %div3A_1330 : i32
      %jit3A_1353 = arith.constant 2 : i32
      %eq3A_1354 = arith.constant 0 : i32
      %eq3A_1355 = arith.cmpi eq, %jit3A_1353, %eq3A_1354 : i32
      %jit3A_1356 = arith.constant 1 : i32
      %select_n3A_1357 = arith.select %eq3A_1355, %jit3A_1356, %jit3A_1353 : i32
      %rem3A_1358 = arith.remsi %add3A_1328, %select_n3A_1357 : i32
      %ne3A_1359 = arith.constant 0 : i32
      %ne3A_1360 = arith.cmpi ne, %rem3A_1358, %ne3A_1359 : i32
      %lt3A_1361 = arith.constant 0 : i32
      %lt3A_1362 = arith.cmpi slt, %rem3A_1358, %lt3A_1361 : i32
      %lt3A_1363 = arith.constant 0 : i32
      %lt3A_1364 = arith.cmpi slt, %select_n3A_1357, %lt3A_1363 : i32
      %ne3A_1365 = arith.xori %lt3A_1362, %lt3A_1364 : i1
      %and3A_1366 = arith.andi %ne3A_1365, %ne3A_1360 : i1
      %add3A_1367 = arith.addi %rem3A_1358, %select_n3A_1357 : i32
      %select_n3A_1368 = arith.select %and3A_1366, %add3A_1367, %rem3A_1358 : i32
      %mul3A_1369 = arith.constant 64 : i32
      %mul3A_1370 = arith.muli %select_n3A_1368, %mul3A_1369 : i32
      %dma_wait3A_1371 = arith.constant 0 : i32
      %dma_wait3A_1372 = tpu.memref_slice %arg5[%select_n3A_1352, %dma_wait3A_1371] : memref<50x128xi32, #tpu.memory_space<vmem>> -> memref<1x128xi32, #tpu.memory_space<vmem>>
      %dma_wait3A_1373 = tpu.memref_squeeze %dma_wait3A_1372 : memref<1x128xi32, #tpu.memory_space<vmem>> -> memref<128xi32, #tpu.memory_space<vmem>>
      %dma_wait3A_1374 = tpu.memref_slice %dma_wait3A_1373[%mul3A_1370] : memref<128xi32, #tpu.memory_space<vmem>> -> memref<64xi32, #tpu.memory_space<vmem>>
      %dma_wait3A_1375 = arith.constant 0 : i32
      %dma_wait3A_1376 = arith.constant 0 : i32
      %dma_wait3A_1377 = tpu.memref_slice %arg3[%dma_wait3A_1375, %dma_wait3A_1376] : memref<100032x128xf32, #tpu.memory_space<hbm>> -> memref<100032x128xf32, #tpu.memory_space<hbm>>
      tpu.wait_indirect_dma semaphore(%arg24 : memref<!tpu.dma_semaphore, #tpu.memory_space<semaphore_mem>>) src(%dma_wait3A_1377 : memref<100032x128xf32, #tpu.memory_space<hbm>>) dst(%arg14 : memref<64x128xf32, #tpu.memory_space<vmem>>)
      %jit3A_1378 = arith.constant 2 : i32
      %div3A_1379 = arith.divsi %add3A_1328, %jit3A_1378 : i32
      %sign3A_1380 = arith.constant 0 : i32
      %sign3A_1381 = arith.cmpi sgt, %add3A_1328, %sign3A_1380 : i32
      %sign3A_1382 = arith.extui %sign3A_1381 : i1 to i32
      %sign3A_1383 = arith.constant 0 : i32
      %sign3A_1384 = arith.cmpi slt, %add3A_1328, %sign3A_1383 : i32
      %sign3A_1385 = arith.extui %sign3A_1384 : i1 to i32
      %sign3A_1386 = arith.subi %sign3A_1382, %sign3A_1385 : i32
      %sign3A_1387 = arith.constant 0 : i32
      %sign3A_1388 = arith.cmpi sgt, %jit3A_1378, %sign3A_1387 : i32
      %sign3A_1389 = arith.extui %sign3A_1388 : i1 to i32
      %sign3A_1390 = arith.constant 0 : i32
      %sign3A_1391 = arith.cmpi slt, %jit3A_1378, %sign3A_1390 : i32
      %sign3A_1392 = arith.extui %sign3A_1391 : i1 to i32
      %sign3A_1393 = arith.subi %sign3A_1389, %sign3A_1392 : i32
      %ne3A_1394 = arith.cmpi ne, %sign3A_1386, %sign3A_1393 : i32
      %rem3A_1395 = arith.remsi %add3A_1328, %jit3A_1378 : i32
      %ne3A_1396 = arith.constant 0 : i32
      %ne3A_1397 = arith.cmpi ne, %rem3A_1395, %ne3A_1396 : i32
      %and3A_1398 = arith.andi %ne3A_1394, %ne3A_1397 : i1
      %sub3A_1399 = arith.constant 1 : i32
      %sub3A_1400 = arith.subi %div3A_1379, %sub3A_1399 : i32
      %select_n3A_1401 = arith.select %and3A_1398, %sub3A_1400, %div3A_1379 : i32
      %jit3A_1402 = arith.constant 2 : i32
      %eq3A_1403 = arith.constant 0 : i32
      %eq3A_1404 = arith.cmpi eq, %jit3A_1402, %eq3A_1403 : i32
      %jit3A_1405 = arith.constant 1 : i32
      %select_n3A_1406 = arith.select %eq3A_1404, %jit3A_1405, %jit3A_1402 : i32
      %rem3A_1407 = arith.remsi %add3A_1328, %select_n3A_1406 : i32
      %ne3A_1408 = arith.constant 0 : i32
      %ne3A_1409 = arith.cmpi ne, %rem3A_1407, %ne3A_1408 : i32
      %lt3A_1410 = arith.constant 0 : i32
      %lt3A_1411 = arith.cmpi slt, %rem3A_1407, %lt3A_1410 : i32
      %lt3A_1412 = arith.constant 0 : i32
      %lt3A_1413 = arith.cmpi slt, %select_n3A_1406, %lt3A_1412 : i32
      %ne3A_1414 = arith.xori %lt3A_1411, %lt3A_1413 : i1
      %and3A_1415 = arith.andi %ne3A_1414, %ne3A_1409 : i1
      %add3A_1416 = arith.addi %rem3A_1407, %select_n3A_1406 : i32
      %select_n3A_1417 = arith.select %and3A_1415, %add3A_1416, %rem3A_1407 : i32
      %mul3A_1418 = arith.constant 64 : i32
      %mul3A_1419 = arith.muli %select_n3A_1417, %mul3A_1418 : i32
      %add3A_1420 = arith.addi %mul3A_2, %mul3A_1419 : i32
      %dma_start3A_1421 = arith.constant 0 : i32
      %dma_start3A_1422 = arith.constant 0 : i32
      %dma_start3A_1423 = tpu.memref_slice %arg4[%select_n3A_1401, %dma_start3A_1421, %dma_start3A_1422] : memref<50x4096x128xf32, #tpu.memory_space<hbm>> -> memref<1x4096x128xf32, #tpu.memory_space<hbm>>
      %dma_start3A_1424 = tpu.memref_squeeze %dma_start3A_1423 : memref<1x4096x128xf32, #tpu.memory_space<hbm>> -> memref<4096x128xf32, #tpu.memory_space<hbm>>
      %dma_start3A_1425 = arith.constant 0 : i32
      %dma_start3A_1426 = tpu.memref_slice %dma_start3A_1424[%add3A_1420, %dma_start3A_1425] : memref<4096x128xf32, #tpu.memory_space<hbm>> -> memref<64x128xf32, #tpu.memory_space<hbm>>
      %dma_start3A_1427 = arith.constant 0 : i32
      %dma_start3A_1428 = arith.constant 0 : i32
      %dma_start3A_1429 = tpu.memref_slice %arg4[%select_n3A_1401, %dma_start3A_1427, %dma_start3A_1428] : memref<50x4096x128xf32, #tpu.memory_space<hbm>> -> memref<1x4096x128xf32, #tpu.memory_space<hbm>>
      %dma_start3A_1430 = tpu.memref_squeeze %dma_start3A_1429 : memref<1x4096x128xf32, #tpu.memory_space<hbm>> -> memref<4096x128xf32, #tpu.memory_space<hbm>>
      %dma_start3A_1431 = arith.constant 0 : i32
      %dma_start3A_1432 = tpu.memref_slice %dma_start3A_1430[%add3A_1420, %dma_start3A_1431] : memref<4096x128xf32, #tpu.memory_space<hbm>> -> memref<64x128xf32, #tpu.memory_space<hbm>>
      tpu.enqueue_dma source(%arg14 : memref<64x128xf32, #tpu.memory_space<vmem>>) target(%dma_start3A_1432 : memref<64x128xf32, #tpu.memory_space<hbm>>) target_semaphore(%arg34 : memref<!tpu.dma_semaphore, #tpu.memory_space<semaphore_mem>>)
      %add3A_1433 = arith.constant 9 : i32
      %add3A_1434 = arith.addi %mul3A_488, %add3A_1433 : i32
      %jit3A_1435 = arith.constant 2 : i32
      %div3A_1436 = arith.divsi %add3A_1434, %jit3A_1435 : i32
      %sign3A_1437 = arith.constant 0 : i32
      %sign3A_1438 = arith.cmpi sgt, %add3A_1434, %sign3A_1437 : i32
      %sign3A_1439 = arith.extui %sign3A_1438 : i1 to i32
      %sign3A_1440 = arith.constant 0 : i32
      %sign3A_1441 = arith.cmpi slt, %add3A_1434, %sign3A_1440 : i32
      %sign3A_1442 = arith.extui %sign3A_1441 : i1 to i32
      %sign3A_1443 = arith.subi %sign3A_1439, %sign3A_1442 : i32
      %sign3A_1444 = arith.constant 0 : i32
      %sign3A_1445 = arith.cmpi sgt, %jit3A_1435, %sign3A_1444 : i32
      %sign3A_1446 = arith.extui %sign3A_1445 : i1 to i32
      %sign3A_1447 = arith.constant 0 : i32
      %sign3A_1448 = arith.cmpi slt, %jit3A_1435, %sign3A_1447 : i32
      %sign3A_1449 = arith.extui %sign3A_1448 : i1 to i32
      %sign3A_1450 = arith.subi %sign3A_1446, %sign3A_1449 : i32
      %ne3A_1451 = arith.cmpi ne, %sign3A_1443, %sign3A_1450 : i32
      %rem3A_1452 = arith.remsi %add3A_1434, %jit3A_1435 : i32
      %ne3A_1453 = arith.constant 0 : i32
      %ne3A_1454 = arith.cmpi ne, %rem3A_1452, %ne3A_1453 : i32
      %and3A_1455 = arith.andi %ne3A_1451, %ne3A_1454 : i1
      %sub3A_1456 = arith.constant 1 : i32
      %sub3A_1457 = arith.subi %div3A_1436, %sub3A_1456 : i32
      %select_n3A_1458 = arith.select %and3A_1455, %sub3A_1457, %div3A_1436 : i32
      %jit3A_1459 = arith.constant 2 : i32
      %eq3A_1460 = arith.constant 0 : i32
      %eq3A_1461 = arith.cmpi eq, %jit3A_1459, %eq3A_1460 : i32
      %jit3A_1462 = arith.constant 1 : i32
      %select_n3A_1463 = arith.select %eq3A_1461, %jit3A_1462, %jit3A_1459 : i32
      %rem3A_1464 = arith.remsi %add3A_1434, %select_n3A_1463 : i32
      %ne3A_1465 = arith.constant 0 : i32
      %ne3A_1466 = arith.cmpi ne, %rem3A_1464, %ne3A_1465 : i32
      %lt3A_1467 = arith.constant 0 : i32
      %lt3A_1468 = arith.cmpi slt, %rem3A_1464, %lt3A_1467 : i32
      %lt3A_1469 = arith.constant 0 : i32
      %lt3A_1470 = arith.cmpi slt, %select_n3A_1463, %lt3A_1469 : i32
      %ne3A_1471 = arith.xori %lt3A_1468, %lt3A_1470 : i1
      %and3A_1472 = arith.andi %ne3A_1471, %ne3A_1466 : i1
      %add3A_1473 = arith.addi %rem3A_1464, %select_n3A_1463 : i32
      %select_n3A_1474 = arith.select %and3A_1472, %add3A_1473, %rem3A_1464 : i32
      %mul3A_1475 = arith.constant 64 : i32
      %mul3A_1476 = arith.muli %select_n3A_1474, %mul3A_1475 : i32
      %dma_wait3A_1477 = arith.constant 0 : i32
      %dma_wait3A_1478 = tpu.memref_slice %arg5[%select_n3A_1458, %dma_wait3A_1477] : memref<50x128xi32, #tpu.memory_space<vmem>> -> memref<1x128xi32, #tpu.memory_space<vmem>>
      %dma_wait3A_1479 = tpu.memref_squeeze %dma_wait3A_1478 : memref<1x128xi32, #tpu.memory_space<vmem>> -> memref<128xi32, #tpu.memory_space<vmem>>
      %dma_wait3A_1480 = tpu.memref_slice %dma_wait3A_1479[%mul3A_1476] : memref<128xi32, #tpu.memory_space<vmem>> -> memref<64xi32, #tpu.memory_space<vmem>>
      %dma_wait3A_1481 = arith.constant 0 : i32
      %dma_wait3A_1482 = arith.constant 0 : i32
      %dma_wait3A_1483 = tpu.memref_slice %arg3[%dma_wait3A_1481, %dma_wait3A_1482] : memref<100032x128xf32, #tpu.memory_space<hbm>> -> memref<100032x128xf32, #tpu.memory_space<hbm>>
      tpu.wait_indirect_dma semaphore(%arg25 : memref<!tpu.dma_semaphore, #tpu.memory_space<semaphore_mem>>) src(%dma_wait3A_1483 : memref<100032x128xf32, #tpu.memory_space<hbm>>) dst(%arg15 : memref<64x128xf32, #tpu.memory_space<vmem>>)
      %jit3A_1484 = arith.constant 2 : i32
      %div3A_1485 = arith.divsi %add3A_1434, %jit3A_1484 : i32
      %sign3A_1486 = arith.constant 0 : i32
      %sign3A_1487 = arith.cmpi sgt, %add3A_1434, %sign3A_1486 : i32
      %sign3A_1488 = arith.extui %sign3A_1487 : i1 to i32
      %sign3A_1489 = arith.constant 0 : i32
      %sign3A_1490 = arith.cmpi slt, %add3A_1434, %sign3A_1489 : i32
      %sign3A_1491 = arith.extui %sign3A_1490 : i1 to i32
      %sign3A_1492 = arith.subi %sign3A_1488, %sign3A_1491 : i32
      %sign3A_1493 = arith.constant 0 : i32
      %sign3A_1494 = arith.cmpi sgt, %jit3A_1484, %sign3A_1493 : i32
      %sign3A_1495 = arith.extui %sign3A_1494 : i1 to i32
      %sign3A_1496 = arith.constant 0 : i32
      %sign3A_1497 = arith.cmpi slt, %jit3A_1484, %sign3A_1496 : i32
      %sign3A_1498 = arith.extui %sign3A_1497 : i1 to i32
      %sign3A_1499 = arith.subi %sign3A_1495, %sign3A_1498 : i32
      %ne3A_1500 = arith.cmpi ne, %sign3A_1492, %sign3A_1499 : i32
      %rem3A_1501 = arith.remsi %add3A_1434, %jit3A_1484 : i32
      %ne3A_1502 = arith.constant 0 : i32
      %ne3A_1503 = arith.cmpi ne, %rem3A_1501, %ne3A_1502 : i32
      %and3A_1504 = arith.andi %ne3A_1500, %ne3A_1503 : i1
      %sub3A_1505 = arith.constant 1 : i32
      %sub3A_1506 = arith.subi %div3A_1485, %sub3A_1505 : i32
      %select_n3A_1507 = arith.select %and3A_1504, %sub3A_1506, %div3A_1485 : i32
      %jit3A_1508 = arith.constant 2 : i32
      %eq3A_1509 = arith.constant 0 : i32
      %eq3A_1510 = arith.cmpi eq, %jit3A_1508, %eq3A_1509 : i32
      %jit3A_1511 = arith.constant 1 : i32
      %select_n3A_1512 = arith.select %eq3A_1510, %jit3A_1511, %jit3A_1508 : i32
      %rem3A_1513 = arith.remsi %add3A_1434, %select_n3A_1512 : i32
      %ne3A_1514 = arith.constant 0 : i32
      %ne3A_1515 = arith.cmpi ne, %rem3A_1513, %ne3A_1514 : i32
      %lt3A_1516 = arith.constant 0 : i32
      %lt3A_1517 = arith.cmpi slt, %rem3A_1513, %lt3A_1516 : i32
      %lt3A_1518 = arith.constant 0 : i32
      %lt3A_1519 = arith.cmpi slt, %select_n3A_1512, %lt3A_1518 : i32
      %ne3A_1520 = arith.xori %lt3A_1517, %lt3A_1519 : i1
      %and3A_1521 = arith.andi %ne3A_1520, %ne3A_1515 : i1
      %add3A_1522 = arith.addi %rem3A_1513, %select_n3A_1512 : i32
      %select_n3A_1523 = arith.select %and3A_1521, %add3A_1522, %rem3A_1513 : i32
      %mul3A_1524 = arith.constant 64 : i32
      %mul3A_1525 = arith.muli %select_n3A_1523, %mul3A_1524 : i32
      %add3A_1526 = arith.addi %mul3A_2, %mul3A_1525 : i32
      %dma_start3A_1527 = arith.constant 0 : i32
      %dma_start3A_1528 = arith.constant 0 : i32
      %dma_start3A_1529 = tpu.memref_slice %arg4[%select_n3A_1507, %dma_start3A_1527, %dma_start3A_1528] : memref<50x4096x128xf32, #tpu.memory_space<hbm>> -> memref<1x4096x128xf32, #tpu.memory_space<hbm>>
      %dma_start3A_1530 = tpu.memref_squeeze %dma_start3A_1529 : memref<1x4096x128xf32, #tpu.memory_space<hbm>> -> memref<4096x128xf32, #tpu.memory_space<hbm>>
      %dma_start3A_1531 = arith.constant 0 : i32
      %dma_start3A_1532 = tpu.memref_slice %dma_start3A_1530[%add3A_1526, %dma_start3A_1531] : memref<4096x128xf32, #tpu.memory_space<hbm>> -> memref<64x128xf32, #tpu.memory_space<hbm>>
      %dma_start3A_1533 = arith.constant 0 : i32
      %dma_start3A_1534 = arith.constant 0 : i32
      %dma_start3A_1535 = tpu.memref_slice %arg4[%select_n3A_1507, %dma_start3A_1533, %dma_start3A_1534] : memref<50x4096x128xf32, #tpu.memory_space<hbm>> -> memref<1x4096x128xf32, #tpu.memory_space<hbm>>
      %dma_start3A_1536 = tpu.memref_squeeze %dma_start3A_1535 : memref<1x4096x128xf32, #tpu.memory_space<hbm>> -> memref<4096x128xf32, #tpu.memory_space<hbm>>
      %dma_start3A_1537 = arith.constant 0 : i32
      %dma_start3A_1538 = tpu.memref_slice %dma_start3A_1536[%add3A_1526, %dma_start3A_1537] : memref<4096x128xf32, #tpu.memory_space<hbm>> -> memref<64x128xf32, #tpu.memory_space<hbm>>
      tpu.enqueue_dma source(%arg15 : memref<64x128xf32, #tpu.memory_space<vmem>>) target(%dma_start3A_1538 : memref<64x128xf32, #tpu.memory_space<hbm>>) target_semaphore(%arg35 : memref<!tpu.dma_semaphore, #tpu.memory_space<semaphore_mem>>)
      %add3A_1539 = arith.constant 0 : i32
      %add3A_1540 = arith.addi %mul3A_488, %add3A_1539 : i32
      %jit3A_1541 = arith.constant 2 : i32
      %div3A_1542 = arith.divsi %add3A_1540, %jit3A_1541 : i32
      %sign3A_1543 = arith.constant 0 : i32
      %sign3A_1544 = arith.cmpi sgt, %add3A_1540, %sign3A_1543 : i32
      %sign3A_1545 = arith.extui %sign3A_1544 : i1 to i32
      %sign3A_1546 = arith.constant 0 : i32
      %sign3A_1547 = arith.cmpi slt, %add3A_1540, %sign3A_1546 : i32
      %sign3A_1548 = arith.extui %sign3A_1547 : i1 to i32
      %sign3A_1549 = arith.subi %sign3A_1545, %sign3A_1548 : i32
      %sign3A_1550 = arith.constant 0 : i32
      %sign3A_1551 = arith.cmpi sgt, %jit3A_1541, %sign3A_1550 : i32
      %sign3A_1552 = arith.extui %sign3A_1551 : i1 to i32
      %sign3A_1553 = arith.constant 0 : i32
      %sign3A_1554 = arith.cmpi slt, %jit3A_1541, %sign3A_1553 : i32
      %sign3A_1555 = arith.extui %sign3A_1554 : i1 to i32
      %sign3A_1556 = arith.subi %sign3A_1552, %sign3A_1555 : i32
      %ne3A_1557 = arith.cmpi ne, %sign3A_1549, %sign3A_1556 : i32
      %rem3A_1558 = arith.remsi %add3A_1540, %jit3A_1541 : i32
      %ne3A_1559 = arith.constant 0 : i32
      %ne3A_1560 = arith.cmpi ne, %rem3A_1558, %ne3A_1559 : i32
      %and3A_1561 = arith.andi %ne3A_1557, %ne3A_1560 : i1
      %sub3A_1562 = arith.constant 1 : i32
      %sub3A_1563 = arith.subi %div3A_1542, %sub3A_1562 : i32
      %select_n3A_1564 = arith.select %and3A_1561, %sub3A_1563, %div3A_1542 : i32
      %jit3A_1565 = arith.constant 2 : i32
      %eq3A_1566 = arith.constant 0 : i32
      %eq3A_1567 = arith.cmpi eq, %jit3A_1565, %eq3A_1566 : i32
      %jit3A_1568 = arith.constant 1 : i32
      %select_n3A_1569 = arith.select %eq3A_1567, %jit3A_1568, %jit3A_1565 : i32
      %rem3A_1570 = arith.remsi %add3A_1540, %select_n3A_1569 : i32
      %ne3A_1571 = arith.constant 0 : i32
      %ne3A_1572 = arith.cmpi ne, %rem3A_1570, %ne3A_1571 : i32
      %lt3A_1573 = arith.constant 0 : i32
      %lt3A_1574 = arith.cmpi slt, %rem3A_1570, %lt3A_1573 : i32
      %lt3A_1575 = arith.constant 0 : i32
      %lt3A_1576 = arith.cmpi slt, %select_n3A_1569, %lt3A_1575 : i32
      %ne3A_1577 = arith.xori %lt3A_1574, %lt3A_1576 : i1
      %and3A_1578 = arith.andi %ne3A_1577, %ne3A_1572 : i1
      %add3A_1579 = arith.addi %rem3A_1570, %select_n3A_1569 : i32
      %select_n3A_1580 = arith.select %and3A_1578, %add3A_1579, %rem3A_1570 : i32
      %mul3A_1581 = arith.constant 64 : i32
      %mul3A_1582 = arith.muli %select_n3A_1580, %mul3A_1581 : i32
      %add3A_1583 = arith.addi %mul3A_2, %mul3A_1582 : i32
      %dma_wait3A_1584 = arith.constant 0 : i32
      %dma_wait3A_1585 = arith.constant 0 : i32
      %dma_wait3A_1586 = tpu.memref_slice %arg4[%select_n3A_1564, %dma_wait3A_1584, %dma_wait3A_1585] : memref<50x4096x128xf32, #tpu.memory_space<hbm>> -> memref<1x4096x128xf32, #tpu.memory_space<hbm>>
      %dma_wait3A_1587 = tpu.memref_squeeze %dma_wait3A_1586 : memref<1x4096x128xf32, #tpu.memory_space<hbm>> -> memref<4096x128xf32, #tpu.memory_space<hbm>>
      %dma_wait3A_1588 = arith.constant 0 : i32
      %dma_wait3A_1589 = tpu.memref_slice %dma_wait3A_1587[%add3A_1583, %dma_wait3A_1588] : memref<4096x128xf32, #tpu.memory_space<hbm>> -> memref<64x128xf32, #tpu.memory_space<hbm>>
      %dma_wait3A_1590 = arith.constant 0 : i32
      %dma_wait3A_1591 = arith.constant 0 : i32
      %dma_wait3A_1592 = tpu.memref_slice %arg4[%select_n3A_1564, %dma_wait3A_1590, %dma_wait3A_1591] : memref<50x4096x128xf32, #tpu.memory_space<hbm>> -> memref<1x4096x128xf32, #tpu.memory_space<hbm>>
      %dma_wait3A_1593 = tpu.memref_squeeze %dma_wait3A_1592 : memref<1x4096x128xf32, #tpu.memory_space<hbm>> -> memref<4096x128xf32, #tpu.memory_space<hbm>>
      %dma_wait3A_1594 = arith.constant 0 : i32
      %dma_wait3A_1595 = tpu.memref_slice %dma_wait3A_1593[%add3A_1583, %dma_wait3A_1594] : memref<4096x128xf32, #tpu.memory_space<hbm>> -> memref<64x128xf32, #tpu.memory_space<hbm>>
      tpu.wait_dma2 semaphore(%arg26 : memref<!tpu.dma_semaphore, #tpu.memory_space<semaphore_mem>>) src(%arg6 : memref<64x128xf32, #tpu.memory_space<vmem>>) dst(%dma_wait3A_1595 : memref<64x128xf32, #tpu.memory_space<hbm>>)
      %add3A_1596 = arith.constant 10 : i32
      %add3A_1597 = arith.addi %add3A_1540, %add3A_1596 : i32
      %jit3A_1598 = arith.constant 2 : i32
      %div3A_1599 = arith.divsi %add3A_1597, %jit3A_1598 : i32
      %sign3A_1600 = arith.constant 0 : i32
      %sign3A_1601 = arith.cmpi sgt, %add3A_1597, %sign3A_1600 : i32
      %sign3A_1602 = arith.extui %sign3A_1601 : i1 to i32
      %sign3A_1603 = arith.constant 0 : i32
      %sign3A_1604 = arith.cmpi slt, %add3A_1597, %sign3A_1603 : i32
      %sign3A_1605 = arith.extui %sign3A_1604 : i1 to i32
      %sign3A_1606 = arith.subi %sign3A_1602, %sign3A_1605 : i32
      %sign3A_1607 = arith.constant 0 : i32
      %sign3A_1608 = arith.cmpi sgt, %jit3A_1598, %sign3A_1607 : i32
      %sign3A_1609 = arith.extui %sign3A_1608 : i1 to i32
      %sign3A_1610 = arith.constant 0 : i32
      %sign3A_1611 = arith.cmpi slt, %jit3A_1598, %sign3A_1610 : i32
      %sign3A_1612 = arith.extui %sign3A_1611 : i1 to i32
      %sign3A_1613 = arith.subi %sign3A_1609, %sign3A_1612 : i32
      %ne3A_1614 = arith.cmpi ne, %sign3A_1606, %sign3A_1613 : i32
      %rem3A_1615 = arith.remsi %add3A_1597, %jit3A_1598 : i32
      %ne3A_1616 = arith.constant 0 : i32
      %ne3A_1617 = arith.cmpi ne, %rem3A_1615, %ne3A_1616 : i32
      %and3A_1618 = arith.andi %ne3A_1614, %ne3A_1617 : i1
      %sub3A_1619 = arith.constant 1 : i32
      %sub3A_1620 = arith.subi %div3A_1599, %sub3A_1619 : i32
      %select_n3A_1621 = arith.select %and3A_1618, %sub3A_1620, %div3A_1599 : i32
      %jit3A_1622 = arith.constant 2 : i32
      %eq3A_1623 = arith.constant 0 : i32
      %eq3A_1624 = arith.cmpi eq, %jit3A_1622, %eq3A_1623 : i32
      %jit3A_1625 = arith.constant 1 : i32
      %select_n3A_1626 = arith.select %eq3A_1624, %jit3A_1625, %jit3A_1622 : i32
      %rem3A_1627 = arith.remsi %add3A_1597, %select_n3A_1626 : i32
      %ne3A_1628 = arith.constant 0 : i32
      %ne3A_1629 = arith.cmpi ne, %rem3A_1627, %ne3A_1628 : i32
      %lt3A_1630 = arith.constant 0 : i32
      %lt3A_1631 = arith.cmpi slt, %rem3A_1627, %lt3A_1630 : i32
      %lt3A_1632 = arith.constant 0 : i32
      %lt3A_1633 = arith.cmpi slt, %select_n3A_1626, %lt3A_1632 : i32
      %ne3A_1634 = arith.xori %lt3A_1631, %lt3A_1633 : i1
      %and3A_1635 = arith.andi %ne3A_1634, %ne3A_1629 : i1
      %add3A_1636 = arith.addi %rem3A_1627, %select_n3A_1626 : i32
      %select_n3A_1637 = arith.select %and3A_1635, %add3A_1636, %rem3A_1627 : i32
      %mul3A_1638 = arith.constant 64 : i32
      %mul3A_1639 = arith.muli %select_n3A_1637, %mul3A_1638 : i32
      %dma_start3A_1640 = arith.constant 0 : i32
      %dma_start3A_1641 = tpu.memref_slice %arg5[%select_n3A_1621, %dma_start3A_1640] : memref<50x128xi32, #tpu.memory_space<vmem>> -> memref<1x128xi32, #tpu.memory_space<vmem>>
      %dma_start3A_1642 = tpu.memref_squeeze %dma_start3A_1641 : memref<1x128xi32, #tpu.memory_space<vmem>> -> memref<128xi32, #tpu.memory_space<vmem>>
      %dma_start3A_1643 = tpu.memref_slice %dma_start3A_1642[%mul3A_1639] : memref<128xi32, #tpu.memory_space<vmem>> -> memref<64xi32, #tpu.memory_space<vmem>>
      %dma_start3A_1644 = arith.constant 0 : i32
      %dma_start3A_1645 = arith.constant 0 : i32
      %dma_start3A_1646 = tpu.memref_slice %arg3[%dma_start3A_1644, %dma_start3A_1645] : memref<100032x128xf32, #tpu.memory_space<hbm>> -> memref<100032x128xf32, #tpu.memory_space<hbm>>
      tpu.enqueue_indirect_dma source(%dma_start3A_1646 : memref<100032x128xf32, #tpu.memory_space<hbm>>) target(%arg6 : memref<64x128xf32, #tpu.memory_space<vmem>>) offsets(%dma_start3A_1643 : memref<64xi32, #tpu.memory_space<vmem>>) semaphore(%arg16 : memref<!tpu.dma_semaphore, #tpu.memory_space<semaphore_mem>>)
      %add3A_1647 = arith.constant 1 : i32
      %add3A_1648 = arith.addi %mul3A_488, %add3A_1647 : i32
      %jit3A_1649 = arith.constant 2 : i32
      %div3A_1650 = arith.divsi %add3A_1648, %jit3A_1649 : i32
      %sign3A_1651 = arith.constant 0 : i32
      %sign3A_1652 = arith.cmpi sgt, %add3A_1648, %sign3A_1651 : i32
      %sign3A_1653 = arith.extui %sign3A_1652 : i1 to i32
      %sign3A_1654 = arith.constant 0 : i32
      %sign3A_1655 = arith.cmpi slt, %add3A_1648, %sign3A_1654 : i32
      %sign3A_1656 = arith.extui %sign3A_1655 : i1 to i32
      %sign3A_1657 = arith.subi %sign3A_1653, %sign3A_1656 : i32
      %sign3A_1658 = arith.constant 0 : i32
      %sign3A_1659 = arith.cmpi sgt, %jit3A_1649, %sign3A_1658 : i32
      %sign3A_1660 = arith.extui %sign3A_1659 : i1 to i32
      %sign3A_1661 = arith.constant 0 : i32
      %sign3A_1662 = arith.cmpi slt, %jit3A_1649, %sign3A_1661 : i32
      %sign3A_1663 = arith.extui %sign3A_1662 : i1 to i32
      %sign3A_1664 = arith.subi %sign3A_1660, %sign3A_1663 : i32
      %ne3A_1665 = arith.cmpi ne, %sign3A_1657, %sign3A_1664 : i32
      %rem3A_1666 = arith.remsi %add3A_1648, %jit3A_1649 : i32
      %ne3A_1667 = arith.constant 0 : i32
      %ne3A_1668 = arith.cmpi ne, %rem3A_1666, %ne3A_1667 : i32
      %and3A_1669 = arith.andi %ne3A_1665, %ne3A_1668 : i1
      %sub3A_1670 = arith.constant 1 : i32
      %sub3A_1671 = arith.subi %div3A_1650, %sub3A_1670 : i32
      %select_n3A_1672 = arith.select %and3A_1669, %sub3A_1671, %div3A_1650 : i32
      %jit3A_1673 = arith.constant 2 : i32
      %eq3A_1674 = arith.constant 0 : i32
      %eq3A_1675 = arith.cmpi eq, %jit3A_1673, %eq3A_1674 : i32
      %jit3A_1676 = arith.constant 1 : i32
      %select_n3A_1677 = arith.select %eq3A_1675, %jit3A_1676, %jit3A_1673 : i32
      %rem3A_1678 = arith.remsi %add3A_1648, %select_n3A_1677 : i32
      %ne3A_1679 = arith.constant 0 : i32
      %ne3A_1680 = arith.cmpi ne, %rem3A_1678, %ne3A_1679 : i32
      %lt3A_1681 = arith.constant 0 : i32
      %lt3A_1682 = arith.cmpi slt, %rem3A_1678, %lt3A_1681 : i32
      %lt3A_1683 = arith.constant 0 : i32
      %lt3A_1684 = arith.cmpi slt, %select_n3A_1677, %lt3A_1683 : i32
      %ne3A_1685 = arith.xori %lt3A_1682, %lt3A_1684 : i1
      %and3A_1686 = arith.andi %ne3A_1685, %ne3A_1680 : i1
      %add3A_1687 = arith.addi %rem3A_1678, %select_n3A_1677 : i32
      %select_n3A_1688 = arith.select %and3A_1686, %add3A_1687, %rem3A_1678 : i32
      %mul3A_1689 = arith.constant 64 : i32
      %mul3A_1690 = arith.muli %select_n3A_1688, %mul3A_1689 : i32
      %add3A_1691 = arith.addi %mul3A_2, %mul3A_1690 : i32
      %dma_wait3A_1692 = arith.constant 0 : i32
      %dma_wait3A_1693 = arith.constant 0 : i32
      %dma_wait3A_1694 = tpu.memref_slice %arg4[%select_n3A_1672, %dma_wait3A_1692, %dma_wait3A_1693] : memref<50x4096x128xf32, #tpu.memory_space<hbm>> -> memref<1x4096x128xf32, #tpu.memory_space<hbm>>
      %dma_wait3A_1695 = tpu.memref_squeeze %dma_wait3A_1694 : memref<1x4096x128xf32, #tpu.memory_space<hbm>> -> memref<4096x128xf32, #tpu.memory_space<hbm>>
      %dma_wait3A_1696 = arith.constant 0 : i32
      %dma_wait3A_1697 = tpu.memref_slice %dma_wait3A_1695[%add3A_1691, %dma_wait3A_1696] : memref<4096x128xf32, #tpu.memory_space<hbm>> -> memref<64x128xf32, #tpu.memory_space<hbm>>
      %dma_wait3A_1698 = arith.constant 0 : i32
      %dma_wait3A_1699 = arith.constant 0 : i32
      %dma_wait3A_1700 = tpu.memref_slice %arg4[%select_n3A_1672, %dma_wait3A_1698, %dma_wait3A_1699] : memref<50x4096x128xf32, #tpu.memory_space<hbm>> -> memref<1x4096x128xf32, #tpu.memory_space<hbm>>
      %dma_wait3A_1701 = tpu.memref_squeeze %dma_wait3A_1700 : memref<1x4096x128xf32, #tpu.memory_space<hbm>> -> memref<4096x128xf32, #tpu.memory_space<hbm>>
      %dma_wait3A_1702 = arith.constant 0 : i32
      %dma_wait3A_1703 = tpu.memref_slice %dma_wait3A_1701[%add3A_1691, %dma_wait3A_1702] : memref<4096x128xf32, #tpu.memory_space<hbm>> -> memref<64x128xf32, #tpu.memory_space<hbm>>
      tpu.wait_dma2 semaphore(%arg27 : memref<!tpu.dma_semaphore, #tpu.memory_space<semaphore_mem>>) src(%arg7 : memref<64x128xf32, #tpu.memory_space<vmem>>) dst(%dma_wait3A_1703 : memref<64x128xf32, #tpu.memory_space<hbm>>)
      %add3A_1704 = arith.constant 10 : i32
      %add3A_1705 = arith.addi %add3A_1648, %add3A_1704 : i32
      %jit3A_1706 = arith.constant 2 : i32
      %div3A_1707 = arith.divsi %add3A_1705, %jit3A_1706 : i32
      %sign3A_1708 = arith.constant 0 : i32
      %sign3A_1709 = arith.cmpi sgt, %add3A_1705, %sign3A_1708 : i32
      %sign3A_1710 = arith.extui %sign3A_1709 : i1 to i32
      %sign3A_1711 = arith.constant 0 : i32
      %sign3A_1712 = arith.cmpi slt, %add3A_1705, %sign3A_1711 : i32
      %sign3A_1713 = arith.extui %sign3A_1712 : i1 to i32
      %sign3A_1714 = arith.subi %sign3A_1710, %sign3A_1713 : i32
      %sign3A_1715 = arith.constant 0 : i32
      %sign3A_1716 = arith.cmpi sgt, %jit3A_1706, %sign3A_1715 : i32
      %sign3A_1717 = arith.extui %sign3A_1716 : i1 to i32
      %sign3A_1718 = arith.constant 0 : i32
      %sign3A_1719 = arith.cmpi slt, %jit3A_1706, %sign3A_1718 : i32
      %sign3A_1720 = arith.extui %sign3A_1719 : i1 to i32
      %sign3A_1721 = arith.subi %sign3A_1717, %sign3A_1720 : i32
      %ne3A_1722 = arith.cmpi ne, %sign3A_1714, %sign3A_1721 : i32
      %rem3A_1723 = arith.remsi %add3A_1705, %jit3A_1706 : i32
      %ne3A_1724 = arith.constant 0 : i32
      %ne3A_1725 = arith.cmpi ne, %rem3A_1723, %ne3A_1724 : i32
      %and3A_1726 = arith.andi %ne3A_1722, %ne3A_1725 : i1
      %sub3A_1727 = arith.constant 1 : i32
      %sub3A_1728 = arith.subi %div3A_1707, %sub3A_1727 : i32
      %select_n3A_1729 = arith.select %and3A_1726, %sub3A_1728, %div3A_1707 : i32
      %jit3A_1730 = arith.constant 2 : i32
      %eq3A_1731 = arith.constant 0 : i32
      %eq3A_1732 = arith.cmpi eq, %jit3A_1730, %eq3A_1731 : i32
      %jit3A_1733 = arith.constant 1 : i32
      %select_n3A_1734 = arith.select %eq3A_1732, %jit3A_1733, %jit3A_1730 : i32
      %rem3A_1735 = arith.remsi %add3A_1705, %select_n3A_1734 : i32
      %ne3A_1736 = arith.constant 0 : i32
      %ne3A_1737 = arith.cmpi ne, %rem3A_1735, %ne3A_1736 : i32
      %lt3A_1738 = arith.constant 0 : i32
      %lt3A_1739 = arith.cmpi slt, %rem3A_1735, %lt3A_1738 : i32
      %lt3A_1740 = arith.constant 0 : i32
      %lt3A_1741 = arith.cmpi slt, %select_n3A_1734, %lt3A_1740 : i32
      %ne3A_1742 = arith.xori %lt3A_1739, %lt3A_1741 : i1
      %and3A_1743 = arith.andi %ne3A_1742, %ne3A_1737 : i1
      %add3A_1744 = arith.addi %rem3A_1735, %select_n3A_1734 : i32
      %select_n3A_1745 = arith.select %and3A_1743, %add3A_1744, %rem3A_1735 : i32
      %mul3A_1746 = arith.constant 64 : i32
      %mul3A_1747 = arith.muli %select_n3A_1745, %mul3A_1746 : i32
      %dma_start3A_1748 = arith.constant 0 : i32
      %dma_start3A_1749 = tpu.memref_slice %arg5[%select_n3A_1729, %dma_start3A_1748] : memref<50x128xi32, #tpu.memory_space<vmem>> -> memref<1x128xi32, #tpu.memory_space<vmem>>
      %dma_start3A_1750 = tpu.memref_squeeze %dma_start3A_1749 : memref<1x128xi32, #tpu.memory_space<vmem>> -> memref<128xi32, #tpu.memory_space<vmem>>
      %dma_start3A_1751 = tpu.memref_slice %dma_start3A_1750[%mul3A_1747] : memref<128xi32, #tpu.memory_space<vmem>> -> memref<64xi32, #tpu.memory_space<vmem>>
      %dma_start3A_1752 = arith.constant 0 : i32
      %dma_start3A_1753 = arith.constant 0 : i32
      %dma_start3A_1754 = tpu.memref_slice %arg3[%dma_start3A_1752, %dma_start3A_1753] : memref<100032x128xf32, #tpu.memory_space<hbm>> -> memref<100032x128xf32, #tpu.memory_space<hbm>>
      tpu.enqueue_indirect_dma source(%dma_start3A_1754 : memref<100032x128xf32, #tpu.memory_space<hbm>>) target(%arg7 : memref<64x128xf32, #tpu.memory_space<vmem>>) offsets(%dma_start3A_1751 : memref<64xi32, #tpu.memory_space<vmem>>) semaphore(%arg17 : memref<!tpu.dma_semaphore, #tpu.memory_space<semaphore_mem>>)
      %add3A_1755 = arith.constant 2 : i32
      %add3A_1756 = arith.addi %mul3A_488, %add3A_1755 : i32
      %jit3A_1757 = arith.constant 2 : i32
      %div3A_1758 = arith.divsi %add3A_1756, %jit3A_1757 : i32
      %sign3A_1759 = arith.constant 0 : i32
      %sign3A_1760 = arith.cmpi sgt, %add3A_1756, %sign3A_1759 : i32
      %sign3A_1761 = arith.extui %sign3A_1760 : i1 to i32
      %sign3A_1762 = arith.constant 0 : i32
      %sign3A_1763 = arith.cmpi slt, %add3A_1756, %sign3A_1762 : i32
      %sign3A_1764 = arith.extui %sign3A_1763 : i1 to i32
      %sign3A_1765 = arith.subi %sign3A_1761, %sign3A_1764 : i32
      %sign3A_1766 = arith.constant 0 : i32
      %sign3A_1767 = arith.cmpi sgt, %jit3A_1757, %sign3A_1766 : i32
      %sign3A_1768 = arith.extui %sign3A_1767 : i1 to i32
      %sign3A_1769 = arith.constant 0 : i32
      %sign3A_1770 = arith.cmpi slt, %jit3A_1757, %sign3A_1769 : i32
      %sign3A_1771 = arith.extui %sign3A_1770 : i1 to i32
      %sign3A_1772 = arith.subi %sign3A_1768, %sign3A_1771 : i32
      %ne3A_1773 = arith.cmpi ne, %sign3A_1765, %sign3A_1772 : i32
      %rem3A_1774 = arith.remsi %add3A_1756, %jit3A_1757 : i32
      %ne3A_1775 = arith.constant 0 : i32
      %ne3A_1776 = arith.cmpi ne, %rem3A_1774, %ne3A_1775 : i32
      %and3A_1777 = arith.andi %ne3A_1773, %ne3A_1776 : i1
      %sub3A_1778 = arith.constant 1 : i32
      %sub3A_1779 = arith.subi %div3A_1758, %sub3A_1778 : i32
      %select_n3A_1780 = arith.select %and3A_1777, %sub3A_1779, %div3A_1758 : i32
      %jit3A_1781 = arith.constant 2 : i32
      %eq3A_1782 = arith.constant 0 : i32
      %eq3A_1783 = arith.cmpi eq, %jit3A_1781, %eq3A_1782 : i32
      %jit3A_1784 = arith.constant 1 : i32
      %select_n3A_1785 = arith.select %eq3A_1783, %jit3A_1784, %jit3A_1781 : i32
      %rem3A_1786 = arith.remsi %add3A_1756, %select_n3A_1785 : i32
      %ne3A_1787 = arith.constant 0 : i32
      %ne3A_1788 = arith.cmpi ne, %rem3A_1786, %ne3A_1787 : i32
      %lt3A_1789 = arith.constant 0 : i32
      %lt3A_1790 = arith.cmpi slt, %rem3A_1786, %lt3A_1789 : i32
      %lt3A_1791 = arith.constant 0 : i32
      %lt3A_1792 = arith.cmpi slt, %select_n3A_1785, %lt3A_1791 : i32
      %ne3A_1793 = arith.xori %lt3A_1790, %lt3A_1792 : i1
      %and3A_1794 = arith.andi %ne3A_1793, %ne3A_1788 : i1
      %add3A_1795 = arith.addi %rem3A_1786, %select_n3A_1785 : i32
      %select_n3A_1796 = arith.select %and3A_1794, %add3A_1795, %rem3A_1786 : i32
      %mul3A_1797 = arith.constant 64 : i32
      %mul3A_1798 = arith.muli %select_n3A_1796, %mul3A_1797 : i32
      %add3A_1799 = arith.addi %mul3A_2, %mul3A_1798 : i32
      %dma_wait3A_1800 = arith.constant 0 : i32
      %dma_wait3A_1801 = arith.constant 0 : i32
      %dma_wait3A_1802 = tpu.memref_slice %arg4[%select_n3A_1780, %dma_wait3A_1800, %dma_wait3A_1801] : memref<50x4096x128xf32, #tpu.memory_space<hbm>> -> memref<1x4096x128xf32, #tpu.memory_space<hbm>>
      %dma_wait3A_1803 = tpu.memref_squeeze %dma_wait3A_1802 : memref<1x4096x128xf32, #tpu.memory_space<hbm>> -> memref<4096x128xf32, #tpu.memory_space<hbm>>
      %dma_wait3A_1804 = arith.constant 0 : i32
      %dma_wait3A_1805 = tpu.memref_slice %dma_wait3A_1803[%add3A_1799, %dma_wait3A_1804] : memref<4096x128xf32, #tpu.memory_space<hbm>> -> memref<64x128xf32, #tpu.memory_space<hbm>>
      %dma_wait3A_1806 = arith.constant 0 : i32
      %dma_wait3A_1807 = arith.constant 0 : i32
      %dma_wait3A_1808 = tpu.memref_slice %arg4[%select_n3A_1780, %dma_wait3A_1806, %dma_wait3A_1807] : memref<50x4096x128xf32, #tpu.memory_space<hbm>> -> memref<1x4096x128xf32, #tpu.memory_space<hbm>>
      %dma_wait3A_1809 = tpu.memref_squeeze %dma_wait3A_1808 : memref<1x4096x128xf32, #tpu.memory_space<hbm>> -> memref<4096x128xf32, #tpu.memory_space<hbm>>
      %dma_wait3A_1810 = arith.constant 0 : i32
      %dma_wait3A_1811 = tpu.memref_slice %dma_wait3A_1809[%add3A_1799, %dma_wait3A_1810] : memref<4096x128xf32, #tpu.memory_space<hbm>> -> memref<64x128xf32, #tpu.memory_space<hbm>>
      tpu.wait_dma2 semaphore(%arg28 : memref<!tpu.dma_semaphore, #tpu.memory_space<semaphore_mem>>) src(%arg8 : memref<64x128xf32, #tpu.memory_space<vmem>>) dst(%dma_wait3A_1811 : memref<64x128xf32, #tpu.memory_space<hbm>>)
      %add3A_1812 = arith.constant 10 : i32
      %add3A_1813 = arith.addi %add3A_1756, %add3A_1812 : i32
      %jit3A_1814 = arith.constant 2 : i32
      %div3A_1815 = arith.divsi %add3A_1813, %jit3A_1814 : i32
      %sign3A_1816 = arith.constant 0 : i32
      %sign3A_1817 = arith.cmpi sgt, %add3A_1813, %sign3A_1816 : i32
      %sign3A_1818 = arith.extui %sign3A_1817 : i1 to i32
      %sign3A_1819 = arith.constant 0 : i32
      %sign3A_1820 = arith.cmpi slt, %add3A_1813, %sign3A_1819 : i32
      %sign3A_1821 = arith.extui %sign3A_1820 : i1 to i32
      %sign3A_1822 = arith.subi %sign3A_1818, %sign3A_1821 : i32
      %sign3A_1823 = arith.constant 0 : i32
      %sign3A_1824 = arith.cmpi sgt, %jit3A_1814, %sign3A_1823 : i32
      %sign3A_1825 = arith.extui %sign3A_1824 : i1 to i32
      %sign3A_1826 = arith.constant 0 : i32
      %sign3A_1827 = arith.cmpi slt, %jit3A_1814, %sign3A_1826 : i32
      %sign3A_1828 = arith.extui %sign3A_1827 : i1 to i32
      %sign3A_1829 = arith.subi %sign3A_1825, %sign3A_1828 : i32
      %ne3A_1830 = arith.cmpi ne, %sign3A_1822, %sign3A_1829 : i32
      %rem3A_1831 = arith.remsi %add3A_1813, %jit3A_1814 : i32
      %ne3A_1832 = arith.constant 0 : i32
      %ne3A_1833 = arith.cmpi ne, %rem3A_1831, %ne3A_1832 : i32
      %and3A_1834 = arith.andi %ne3A_1830, %ne3A_1833 : i1
      %sub3A_1835 = arith.constant 1 : i32
      %sub3A_1836 = arith.subi %div3A_1815, %sub3A_1835 : i32
      %select_n3A_1837 = arith.select %and3A_1834, %sub3A_1836, %div3A_1815 : i32
      %jit3A_1838 = arith.constant 2 : i32
      %eq3A_1839 = arith.constant 0 : i32
      %eq3A_1840 = arith.cmpi eq, %jit3A_1838, %eq3A_1839 : i32
      %jit3A_1841 = arith.constant 1 : i32
      %select_n3A_1842 = arith.select %eq3A_1840, %jit3A_1841, %jit3A_1838 : i32
      %rem3A_1843 = arith.remsi %add3A_1813, %select_n3A_1842 : i32
      %ne3A_1844 = arith.constant 0 : i32
      %ne3A_1845 = arith.cmpi ne, %rem3A_1843, %ne3A_1844 : i32
      %lt3A_1846 = arith.constant 0 : i32
      %lt3A_1847 = arith.cmpi slt, %rem3A_1843, %lt3A_1846 : i32
      %lt3A_1848 = arith.constant 0 : i32
      %lt3A_1849 = arith.cmpi slt, %select_n3A_1842, %lt3A_1848 : i32
      %ne3A_1850 = arith.xori %lt3A_1847, %lt3A_1849 : i1
      %and3A_1851 = arith.andi %ne3A_1850, %ne3A_1845 : i1
      %add3A_1852 = arith.addi %rem3A_1843, %select_n3A_1842 : i32
      %select_n3A_1853 = arith.select %and3A_1851, %add3A_1852, %rem3A_1843 : i32
      %mul3A_1854 = arith.constant 64 : i32
      %mul3A_1855 = arith.muli %select_n3A_1853, %mul3A_1854 : i32
      %dma_start3A_1856 = arith.constant 0 : i32
      %dma_start3A_1857 = tpu.memref_slice %arg5[%select_n3A_1837, %dma_start3A_1856] : memref<50x128xi32, #tpu.memory_space<vmem>> -> memref<1x128xi32, #tpu.memory_space<vmem>>
      %dma_start3A_1858 = tpu.memref_squeeze %dma_start3A_1857 : memref<1x128xi32, #tpu.memory_space<vmem>> -> memref<128xi32, #tpu.memory_space<vmem>>
      %dma_start3A_1859 = tpu.memref_slice %dma_start3A_1858[%mul3A_1855] : memref<128xi32, #tpu.memory_space<vmem>> -> memref<64xi32, #tpu.memory_space<vmem>>
      %dma_start3A_1860 = arith.constant 0 : i32
      %dma_start3A_1861 = arith.constant 0 : i32
      %dma_start3A_1862 = tpu.memref_slice %arg3[%dma_start3A_1860, %dma_start3A_1861] : memref<100032x128xf32, #tpu.memory_space<hbm>> -> memref<100032x128xf32, #tpu.memory_space<hbm>>
      tpu.enqueue_indirect_dma source(%dma_start3A_1862 : memref<100032x128xf32, #tpu.memory_space<hbm>>) target(%arg8 : memref<64x128xf32, #tpu.memory_space<vmem>>) offsets(%dma_start3A_1859 : memref<64xi32, #tpu.memory_space<vmem>>) semaphore(%arg18 : memref<!tpu.dma_semaphore, #tpu.memory_space<semaphore_mem>>)
      %add3A_1863 = arith.constant 3 : i32
      %add3A_1864 = arith.addi %mul3A_488, %add3A_1863 : i32
      %jit3A_1865 = arith.constant 2 : i32
      %div3A_1866 = arith.divsi %add3A_1864, %jit3A_1865 : i32
      %sign3A_1867 = arith.constant 0 : i32
      %sign3A_1868 = arith.cmpi sgt, %add3A_1864, %sign3A_1867 : i32
      %sign3A_1869 = arith.extui %sign3A_1868 : i1 to i32
      %sign3A_1870 = arith.constant 0 : i32
      %sign3A_1871 = arith.cmpi slt, %add3A_1864, %sign3A_1870 : i32
      %sign3A_1872 = arith.extui %sign3A_1871 : i1 to i32
      %sign3A_1873 = arith.subi %sign3A_1869, %sign3A_1872 : i32
      %sign3A_1874 = arith.constant 0 : i32
      %sign3A_1875 = arith.cmpi sgt, %jit3A_1865, %sign3A_1874 : i32
      %sign3A_1876 = arith.extui %sign3A_1875 : i1 to i32
      %sign3A_1877 = arith.constant 0 : i32
      %sign3A_1878 = arith.cmpi slt, %jit3A_1865, %sign3A_1877 : i32
      %sign3A_1879 = arith.extui %sign3A_1878 : i1 to i32
      %sign3A_1880 = arith.subi %sign3A_1876, %sign3A_1879 : i32
      %ne3A_1881 = arith.cmpi ne, %sign3A_1873, %sign3A_1880 : i32
      %rem3A_1882 = arith.remsi %add3A_1864, %jit3A_1865 : i32
      %ne3A_1883 = arith.constant 0 : i32
      %ne3A_1884 = arith.cmpi ne, %rem3A_1882, %ne3A_1883 : i32
      %and3A_1885 = arith.andi %ne3A_1881, %ne3A_1884 : i1
      %sub3A_1886 = arith.constant 1 : i32
      %sub3A_1887 = arith.subi %div3A_1866, %sub3A_1886 : i32
      %select_n3A_1888 = arith.select %and3A_1885, %sub3A_1887, %div3A_1866 : i32
      %jit3A_1889 = arith.constant 2 : i32
      %eq3A_1890 = arith.constant 0 : i32
      %eq3A_1891 = arith.cmpi eq, %jit3A_1889, %eq3A_1890 : i32
      %jit3A_1892 = arith.constant 1 : i32
      %select_n3A_1893 = arith.select %eq3A_1891, %jit3A_1892, %jit3A_1889 : i32
      %rem3A_1894 = arith.remsi %add3A_1864, %select_n3A_1893 : i32
      %ne3A_1895 = arith.constant 0 : i32
      %ne3A_1896 = arith.cmpi ne, %rem3A_1894, %ne3A_1895 : i32
      %lt3A_1897 = arith.constant 0 : i32
      %lt3A_1898 = arith.cmpi slt, %rem3A_1894, %lt3A_1897 : i32
      %lt3A_1899 = arith.constant 0 : i32
      %lt3A_1900 = arith.cmpi slt, %select_n3A_1893, %lt3A_1899 : i32
      %ne3A_1901 = arith.xori %lt3A_1898, %lt3A_1900 : i1
      %and3A_1902 = arith.andi %ne3A_1901, %ne3A_1896 : i1
      %add3A_1903 = arith.addi %rem3A_1894, %select_n3A_1893 : i32
      %select_n3A_1904 = arith.select %and3A_1902, %add3A_1903, %rem3A_1894 : i32
      %mul3A_1905 = arith.constant 64 : i32
      %mul3A_1906 = arith.muli %select_n3A_1904, %mul3A_1905 : i32
      %add3A_1907 = arith.addi %mul3A_2, %mul3A_1906 : i32
      %dma_wait3A_1908 = arith.constant 0 : i32
      %dma_wait3A_1909 = arith.constant 0 : i32
      %dma_wait3A_1910 = tpu.memref_slice %arg4[%select_n3A_1888, %dma_wait3A_1908, %dma_wait3A_1909] : memref<50x4096x128xf32, #tpu.memory_space<hbm>> -> memref<1x4096x128xf32, #tpu.memory_space<hbm>>
      %dma_wait3A_1911 = tpu.memref_squeeze %dma_wait3A_1910 : memref<1x4096x128xf32, #tpu.memory_space<hbm>> -> memref<4096x128xf32, #tpu.memory_space<hbm>>
      %dma_wait3A_1912 = arith.constant 0 : i32
      %dma_wait3A_1913 = tpu.memref_slice %dma_wait3A_1911[%add3A_1907, %dma_wait3A_1912] : memref<4096x128xf32, #tpu.memory_space<hbm>> -> memref<64x128xf32, #tpu.memory_space<hbm>>
      %dma_wait3A_1914 = arith.constant 0 : i32
      %dma_wait3A_1915 = arith.constant 0 : i32
      %dma_wait3A_1916 = tpu.memref_slice %arg4[%select_n3A_1888, %dma_wait3A_1914, %dma_wait3A_1915] : memref<50x4096x128xf32, #tpu.memory_space<hbm>> -> memref<1x4096x128xf32, #tpu.memory_space<hbm>>
      %dma_wait3A_1917 = tpu.memref_squeeze %dma_wait3A_1916 : memref<1x4096x128xf32, #tpu.memory_space<hbm>> -> memref<4096x128xf32, #tpu.memory_space<hbm>>
      %dma_wait3A_1918 = arith.constant 0 : i32
      %dma_wait3A_1919 = tpu.memref_slice %dma_wait3A_1917[%add3A_1907, %dma_wait3A_1918] : memref<4096x128xf32, #tpu.memory_space<hbm>> -> memref<64x128xf32, #tpu.memory_space<hbm>>
      tpu.wait_dma2 semaphore(%arg29 : memref<!tpu.dma_semaphore, #tpu.memory_space<semaphore_mem>>) src(%arg9 : memref<64x128xf32, #tpu.memory_space<vmem>>) dst(%dma_wait3A_1919 : memref<64x128xf32, #tpu.memory_space<hbm>>)
      %add3A_1920 = arith.constant 10 : i32
      %add3A_1921 = arith.addi %add3A_1864, %add3A_1920 : i32
      %jit3A_1922 = arith.constant 2 : i32
      %div3A_1923 = arith.divsi %add3A_1921, %jit3A_1922 : i32
      %sign3A_1924 = arith.constant 0 : i32
      %sign3A_1925 = arith.cmpi sgt, %add3A_1921, %sign3A_1924 : i32
      %sign3A_1926 = arith.extui %sign3A_1925 : i1 to i32
      %sign3A_1927 = arith.constant 0 : i32
      %sign3A_1928 = arith.cmpi slt, %add3A_1921, %sign3A_1927 : i32
      %sign3A_1929 = arith.extui %sign3A_1928 : i1 to i32
      %sign3A_1930 = arith.subi %sign3A_1926, %sign3A_1929 : i32
      %sign3A_1931 = arith.constant 0 : i32
      %sign3A_1932 = arith.cmpi sgt, %jit3A_1922, %sign3A_1931 : i32
      %sign3A_1933 = arith.extui %sign3A_1932 : i1 to i32
      %sign3A_1934 = arith.constant 0 : i32
      %sign3A_1935 = arith.cmpi slt, %jit3A_1922, %sign3A_1934 : i32
      %sign3A_1936 = arith.extui %sign3A_1935 : i1 to i32
      %sign3A_1937 = arith.subi %sign3A_1933, %sign3A_1936 : i32
      %ne3A_1938 = arith.cmpi ne, %sign3A_1930, %sign3A_1937 : i32
      %rem3A_1939 = arith.remsi %add3A_1921, %jit3A_1922 : i32
      %ne3A_1940 = arith.constant 0 : i32
      %ne3A_1941 = arith.cmpi ne, %rem3A_1939, %ne3A_1940 : i32
      %and3A_1942 = arith.andi %ne3A_1938, %ne3A_1941 : i1
      %sub3A_1943 = arith.constant 1 : i32
      %sub3A_1944 = arith.subi %div3A_1923, %sub3A_1943 : i32
      %select_n3A_1945 = arith.select %and3A_1942, %sub3A_1944, %div3A_1923 : i32
      %jit3A_1946 = arith.constant 2 : i32
      %eq3A_1947 = arith.constant 0 : i32
      %eq3A_1948 = arith.cmpi eq, %jit3A_1946, %eq3A_1947 : i32
      %jit3A_1949 = arith.constant 1 : i32
      %select_n3A_1950 = arith.select %eq3A_1948, %jit3A_1949, %jit3A_1946 : i32
      %rem3A_1951 = arith.remsi %add3A_1921, %select_n3A_1950 : i32
      %ne3A_1952 = arith.constant 0 : i32
      %ne3A_1953 = arith.cmpi ne, %rem3A_1951, %ne3A_1952 : i32
      %lt3A_1954 = arith.constant 0 : i32
      %lt3A_1955 = arith.cmpi slt, %rem3A_1951, %lt3A_1954 : i32
      %lt3A_1956 = arith.constant 0 : i32
      %lt3A_1957 = arith.cmpi slt, %select_n3A_1950, %lt3A_1956 : i32
      %ne3A_1958 = arith.xori %lt3A_1955, %lt3A_1957 : i1
      %and3A_1959 = arith.andi %ne3A_1958, %ne3A_1953 : i1
      %add3A_1960 = arith.addi %rem3A_1951, %select_n3A_1950 : i32
      %select_n3A_1961 = arith.select %and3A_1959, %add3A_1960, %rem3A_1951 : i32
      %mul3A_1962 = arith.constant 64 : i32
      %mul3A_1963 = arith.muli %select_n3A_1961, %mul3A_1962 : i32
      %dma_start3A_1964 = arith.constant 0 : i32
      %dma_start3A_1965 = tpu.memref_slice %arg5[%select_n3A_1945, %dma_start3A_1964] : memref<50x128xi32, #tpu.memory_space<vmem>> -> memref<1x128xi32, #tpu.memory_space<vmem>>
      %dma_start3A_1966 = tpu.memref_squeeze %dma_start3A_1965 : memref<1x128xi32, #tpu.memory_space<vmem>> -> memref<128xi32, #tpu.memory_space<vmem>>
      %dma_start3A_1967 = tpu.memref_slice %dma_start3A_1966[%mul3A_1963] : memref<128xi32, #tpu.memory_space<vmem>> -> memref<64xi32, #tpu.memory_space<vmem>>
      %dma_start3A_1968 = arith.constant 0 : i32
      %dma_start3A_1969 = arith.constant 0 : i32
      %dma_start3A_1970 = tpu.memref_slice %arg3[%dma_start3A_1968, %dma_start3A_1969] : memref<100032x128xf32, #tpu.memory_space<hbm>> -> memref<100032x128xf32, #tpu.memory_space<hbm>>
      tpu.enqueue_indirect_dma source(%dma_start3A_1970 : memref<100032x128xf32, #tpu.memory_space<hbm>>) target(%arg9 : memref<64x128xf32, #tpu.memory_space<vmem>>) offsets(%dma_start3A_1967 : memref<64xi32, #tpu.memory_space<vmem>>) semaphore(%arg19 : memref<!tpu.dma_semaphore, #tpu.memory_space<semaphore_mem>>)
      %add3A_1971 = arith.constant 4 : i32
      %add3A_1972 = arith.addi %mul3A_488, %add3A_1971 : i32
      %jit3A_1973 = arith.constant 2 : i32
      %div3A_1974 = arith.divsi %add3A_1972, %jit3A_1973 : i32
      %sign3A_1975 = arith.constant 0 : i32
      %sign3A_1976 = arith.cmpi sgt, %add3A_1972, %sign3A_1975 : i32
      %sign3A_1977 = arith.extui %sign3A_1976 : i1 to i32
      %sign3A_1978 = arith.constant 0 : i32
      %sign3A_1979 = arith.cmpi slt, %add3A_1972, %sign3A_1978 : i32
      %sign3A_1980 = arith.extui %sign3A_1979 : i1 to i32
      %sign3A_1981 = arith.subi %sign3A_1977, %sign3A_1980 : i32
      %sign3A_1982 = arith.constant 0 : i32
      %sign3A_1983 = arith.cmpi sgt, %jit3A_1973, %sign3A_1982 : i32
      %sign3A_1984 = arith.extui %sign3A_1983 : i1 to i32
      %sign3A_1985 = arith.constant 0 : i32
      %sign3A_1986 = arith.cmpi slt, %jit3A_1973, %sign3A_1985 : i32
      %sign3A_1987 = arith.extui %sign3A_1986 : i1 to i32
      %sign3A_1988 = arith.subi %sign3A_1984, %sign3A_1987 : i32
      %ne3A_1989 = arith.cmpi ne, %sign3A_1981, %sign3A_1988 : i32
      %rem3A_1990 = arith.remsi %add3A_1972, %jit3A_1973 : i32
      %ne3A_1991 = arith.constant 0 : i32
      %ne3A_1992 = arith.cmpi ne, %rem3A_1990, %ne3A_1991 : i32
      %and3A_1993 = arith.andi %ne3A_1989, %ne3A_1992 : i1
      %sub3A_1994 = arith.constant 1 : i32
      %sub3A_1995 = arith.subi %div3A_1974, %sub3A_1994 : i32
      %select_n3A_1996 = arith.select %and3A_1993, %sub3A_1995, %div3A_1974 : i32
      %jit3A_1997 = arith.constant 2 : i32
      %eq3A_1998 = arith.constant 0 : i32
      %eq3A_1999 = arith.cmpi eq, %jit3A_1997, %eq3A_1998 : i32
      %jit3A_2000 = arith.constant 1 : i32
      %select_n3A_2001 = arith.select %eq3A_1999, %jit3A_2000, %jit3A_1997 : i32
      %rem3A_2002 = arith.remsi %add3A_1972, %select_n3A_2001 : i32
      %ne3A_2003 = arith.constant 0 : i32
      %ne3A_2004 = arith.cmpi ne, %rem3A_2002, %ne3A_2003 : i32
      %lt3A_2005 = arith.constant 0 : i32
      %lt3A_2006 = arith.cmpi slt, %rem3A_2002, %lt3A_2005 : i32
      %lt3A_2007 = arith.constant 0 : i32
      %lt3A_2008 = arith.cmpi slt, %select_n3A_2001, %lt3A_2007 : i32
      %ne3A_2009 = arith.xori %lt3A_2006, %lt3A_2008 : i1
      %and3A_2010 = arith.andi %ne3A_2009, %ne3A_2004 : i1
      %add3A_2011 = arith.addi %rem3A_2002, %select_n3A_2001 : i32
      %select_n3A_2012 = arith.select %and3A_2010, %add3A_2011, %rem3A_2002 : i32
      %mul3A_2013 = arith.constant 64 : i32
      %mul3A_2014 = arith.muli %select_n3A_2012, %mul3A_2013 : i32
      %add3A_2015 = arith.addi %mul3A_2, %mul3A_2014 : i32
      %dma_wait3A_2016 = arith.constant 0 : i32
      %dma_wait3A_2017 = arith.constant 0 : i32
      %dma_wait3A_2018 = tpu.memref_slice %arg4[%select_n3A_1996, %dma_wait3A_2016, %dma_wait3A_2017] : memref<50x4096x128xf32, #tpu.memory_space<hbm>> -> memref<1x4096x128xf32, #tpu.memory_space<hbm>>
      %dma_wait3A_2019 = tpu.memref_squeeze %dma_wait3A_2018 : memref<1x4096x128xf32, #tpu.memory_space<hbm>> -> memref<4096x128xf32, #tpu.memory_space<hbm>>
      %dma_wait3A_2020 = arith.constant 0 : i32
      %dma_wait3A_2021 = tpu.memref_slice %dma_wait3A_2019[%add3A_2015, %dma_wait3A_2020] : memref<4096x128xf32, #tpu.memory_space<hbm>> -> memref<64x128xf32, #tpu.memory_space<hbm>>
      %dma_wait3A_2022 = arith.constant 0 : i32
      %dma_wait3A_2023 = arith.constant 0 : i32
      %dma_wait3A_2024 = tpu.memref_slice %arg4[%select_n3A_1996, %dma_wait3A_2022, %dma_wait3A_2023] : memref<50x4096x128xf32, #tpu.memory_space<hbm>> -> memref<1x4096x128xf32, #tpu.memory_space<hbm>>
      %dma_wait3A_2025 = tpu.memref_squeeze %dma_wait3A_2024 : memref<1x4096x128xf32, #tpu.memory_space<hbm>> -> memref<4096x128xf32, #tpu.memory_space<hbm>>
      %dma_wait3A_2026 = arith.constant 0 : i32
      %dma_wait3A_2027 = tpu.memref_slice %dma_wait3A_2025[%add3A_2015, %dma_wait3A_2026] : memref<4096x128xf32, #tpu.memory_space<hbm>> -> memref<64x128xf32, #tpu.memory_space<hbm>>
      tpu.wait_dma2 semaphore(%arg30 : memref<!tpu.dma_semaphore, #tpu.memory_space<semaphore_mem>>) src(%arg10 : memref<64x128xf32, #tpu.memory_space<vmem>>) dst(%dma_wait3A_2027 : memref<64x128xf32, #tpu.memory_space<hbm>>)
      %add3A_2028 = arith.constant 10 : i32
      %add3A_2029 = arith.addi %add3A_1972, %add3A_2028 : i32
      %jit3A_2030 = arith.constant 2 : i32
      %div3A_2031 = arith.divsi %add3A_2029, %jit3A_2030 : i32
      %sign3A_2032 = arith.constant 0 : i32
      %sign3A_2033 = arith.cmpi sgt, %add3A_2029, %sign3A_2032 : i32
      %sign3A_2034 = arith.extui %sign3A_2033 : i1 to i32
      %sign3A_2035 = arith.constant 0 : i32
      %sign3A_2036 = arith.cmpi slt, %add3A_2029, %sign3A_2035 : i32
      %sign3A_2037 = arith.extui %sign3A_2036 : i1 to i32
      %sign3A_2038 = arith.subi %sign3A_2034, %sign3A_2037 : i32
      %sign3A_2039 = arith.constant 0 : i32
      %sign3A_2040 = arith.cmpi sgt, %jit3A_2030, %sign3A_2039 : i32
      %sign3A_2041 = arith.extui %sign3A_2040 : i1 to i32
      %sign3A_2042 = arith.constant 0 : i32
      %sign3A_2043 = arith.cmpi slt, %jit3A_2030, %sign3A_2042 : i32
      %sign3A_2044 = arith.extui %sign3A_2043 : i1 to i32
      %sign3A_2045 = arith.subi %sign3A_2041, %sign3A_2044 : i32
      %ne3A_2046 = arith.cmpi ne, %sign3A_2038, %sign3A_2045 : i32
      %rem3A_2047 = arith.remsi %add3A_2029, %jit3A_2030 : i32
      %ne3A_2048 = arith.constant 0 : i32
      %ne3A_2049 = arith.cmpi ne, %rem3A_2047, %ne3A_2048 : i32
      %and3A_2050 = arith.andi %ne3A_2046, %ne3A_2049 : i1
      %sub3A_2051 = arith.constant 1 : i32
      %sub3A_2052 = arith.subi %div3A_2031, %sub3A_2051 : i32
      %select_n3A_2053 = arith.select %and3A_2050, %sub3A_2052, %div3A_2031 : i32
      %jit3A_2054 = arith.constant 2 : i32
      %eq3A_2055 = arith.constant 0 : i32
      %eq3A_2056 = arith.cmpi eq, %jit3A_2054, %eq3A_2055 : i32
      %jit3A_2057 = arith.constant 1 : i32
      %select_n3A_2058 = arith.select %eq3A_2056, %jit3A_2057, %jit3A_2054 : i32
      %rem3A_2059 = arith.remsi %add3A_2029, %select_n3A_2058 : i32
      %ne3A_2060 = arith.constant 0 : i32
      %ne3A_2061 = arith.cmpi ne, %rem3A_2059, %ne3A_2060 : i32
      %lt3A_2062 = arith.constant 0 : i32
      %lt3A_2063 = arith.cmpi slt, %rem3A_2059, %lt3A_2062 : i32
      %lt3A_2064 = arith.constant 0 : i32
      %lt3A_2065 = arith.cmpi slt, %select_n3A_2058, %lt3A_2064 : i32
      %ne3A_2066 = arith.xori %lt3A_2063, %lt3A_2065 : i1
      %and3A_2067 = arith.andi %ne3A_2066, %ne3A_2061 : i1
      %add3A_2068 = arith.addi %rem3A_2059, %select_n3A_2058 : i32
      %select_n3A_2069 = arith.select %and3A_2067, %add3A_2068, %rem3A_2059 : i32
      %mul3A_2070 = arith.constant 64 : i32
      %mul3A_2071 = arith.muli %select_n3A_2069, %mul3A_2070 : i32
      %dma_start3A_2072 = arith.constant 0 : i32
      %dma_start3A_2073 = tpu.memref_slice %arg5[%select_n3A_2053, %dma_start3A_2072] : memref<50x128xi32, #tpu.memory_space<vmem>> -> memref<1x128xi32, #tpu.memory_space<vmem>>
      %dma_start3A_2074 = tpu.memref_squeeze %dma_start3A_2073 : memref<1x128xi32, #tpu.memory_space<vmem>> -> memref<128xi32, #tpu.memory_space<vmem>>
      %dma_start3A_2075 = tpu.memref_slice %dma_start3A_2074[%mul3A_2071] : memref<128xi32, #tpu.memory_space<vmem>> -> memref<64xi32, #tpu.memory_space<vmem>>
      %dma_start3A_2076 = arith.constant 0 : i32
      %dma_start3A_2077 = arith.constant 0 : i32
      %dma_start3A_2078 = tpu.memref_slice %arg3[%dma_start3A_2076, %dma_start3A_2077] : memref<100032x128xf32, #tpu.memory_space<hbm>> -> memref<100032x128xf32, #tpu.memory_space<hbm>>
      tpu.enqueue_indirect_dma source(%dma_start3A_2078 : memref<100032x128xf32, #tpu.memory_space<hbm>>) target(%arg10 : memref<64x128xf32, #tpu.memory_space<vmem>>) offsets(%dma_start3A_2075 : memref<64xi32, #tpu.memory_space<vmem>>) semaphore(%arg20 : memref<!tpu.dma_semaphore, #tpu.memory_space<semaphore_mem>>)
      %add3A_2079 = arith.constant 5 : i32
      %add3A_2080 = arith.addi %mul3A_488, %add3A_2079 : i32
      %jit3A_2081 = arith.constant 2 : i32
      %div3A_2082 = arith.divsi %add3A_2080, %jit3A_2081 : i32
      %sign3A_2083 = arith.constant 0 : i32
      %sign3A_2084 = arith.cmpi sgt, %add3A_2080, %sign3A_2083 : i32
      %sign3A_2085 = arith.extui %sign3A_2084 : i1 to i32
      %sign3A_2086 = arith.constant 0 : i32
      %sign3A_2087 = arith.cmpi slt, %add3A_2080, %sign3A_2086 : i32
      %sign3A_2088 = arith.extui %sign3A_2087 : i1 to i32
      %sign3A_2089 = arith.subi %sign3A_2085, %sign3A_2088 : i32
      %sign3A_2090 = arith.constant 0 : i32
      %sign3A_2091 = arith.cmpi sgt, %jit3A_2081, %sign3A_2090 : i32
      %sign3A_2092 = arith.extui %sign3A_2091 : i1 to i32
      %sign3A_2093 = arith.constant 0 : i32
      %sign3A_2094 = arith.cmpi slt, %jit3A_2081, %sign3A_2093 : i32
      %sign3A_2095 = arith.extui %sign3A_2094 : i1 to i32
      %sign3A_2096 = arith.subi %sign3A_2092, %sign3A_2095 : i32
      %ne3A_2097 = arith.cmpi ne, %sign3A_2089, %sign3A_2096 : i32
      %rem3A_2098 = arith.remsi %add3A_2080, %jit3A_2081 : i32
      %ne3A_2099 = arith.constant 0 : i32
      %ne3A_2100 = arith.cmpi ne, %rem3A_2098, %ne3A_2099 : i32
      %and3A_2101 = arith.andi %ne3A_2097, %ne3A_2100 : i1
      %sub3A_2102 = arith.constant 1 : i32
      %sub3A_2103 = arith.subi %div3A_2082, %sub3A_2102 : i32
      %select_n3A_2104 = arith.select %and3A_2101, %sub3A_2103, %div3A_2082 : i32
      %jit3A_2105 = arith.constant 2 : i32
      %eq3A_2106 = arith.constant 0 : i32
      %eq3A_2107 = arith.cmpi eq, %jit3A_2105, %eq3A_2106 : i32
      %jit3A_2108 = arith.constant 1 : i32
      %select_n3A_2109 = arith.select %eq3A_2107, %jit3A_2108, %jit3A_2105 : i32
      %rem3A_2110 = arith.remsi %add3A_2080, %select_n3A_2109 : i32
      %ne3A_2111 = arith.constant 0 : i32
      %ne3A_2112 = arith.cmpi ne, %rem3A_2110, %ne3A_2111 : i32
      %lt3A_2113 = arith.constant 0 : i32
      %lt3A_2114 = arith.cmpi slt, %rem3A_2110, %lt3A_2113 : i32
      %lt3A_2115 = arith.constant 0 : i32
      %lt3A_2116 = arith.cmpi slt, %select_n3A_2109, %lt3A_2115 : i32
      %ne3A_2117 = arith.xori %lt3A_2114, %lt3A_2116 : i1
      %and3A_2118 = arith.andi %ne3A_2117, %ne3A_2112 : i1
      %add3A_2119 = arith.addi %rem3A_2110, %select_n3A_2109 : i32
      %select_n3A_2120 = arith.select %and3A_2118, %add3A_2119, %rem3A_2110 : i32
      %mul3A_2121 = arith.constant 64 : i32
      %mul3A_2122 = arith.muli %select_n3A_2120, %mul3A_2121 : i32
      %add3A_2123 = arith.addi %mul3A_2, %mul3A_2122 : i32
      %dma_wait3A_2124 = arith.constant 0 : i32
      %dma_wait3A_2125 = arith.constant 0 : i32
      %dma_wait3A_2126 = tpu.memref_slice %arg4[%select_n3A_2104, %dma_wait3A_2124, %dma_wait3A_2125] : memref<50x4096x128xf32, #tpu.memory_space<hbm>> -> memref<1x4096x128xf32, #tpu.memory_space<hbm>>
      %dma_wait3A_2127 = tpu.memref_squeeze %dma_wait3A_2126 : memref<1x4096x128xf32, #tpu.memory_space<hbm>> -> memref<4096x128xf32, #tpu.memory_space<hbm>>
      %dma_wait3A_2128 = arith.constant 0 : i32
      %dma_wait3A_2129 = tpu.memref_slice %dma_wait3A_2127[%add3A_2123, %dma_wait3A_2128] : memref<4096x128xf32, #tpu.memory_space<hbm>> -> memref<64x128xf32, #tpu.memory_space<hbm>>
      %dma_wait3A_2130 = arith.constant 0 : i32
      %dma_wait3A_2131 = arith.constant 0 : i32
      %dma_wait3A_2132 = tpu.memref_slice %arg4[%select_n3A_2104, %dma_wait3A_2130, %dma_wait3A_2131] : memref<50x4096x128xf32, #tpu.memory_space<hbm>> -> memref<1x4096x128xf32, #tpu.memory_space<hbm>>
      %dma_wait3A_2133 = tpu.memref_squeeze %dma_wait3A_2132 : memref<1x4096x128xf32, #tpu.memory_space<hbm>> -> memref<4096x128xf32, #tpu.memory_space<hbm>>
      %dma_wait3A_2134 = arith.constant 0 : i32
      %dma_wait3A_2135 = tpu.memref_slice %dma_wait3A_2133[%add3A_2123, %dma_wait3A_2134] : memref<4096x128xf32, #tpu.memory_space<hbm>> -> memref<64x128xf32, #tpu.memory_space<hbm>>
      tpu.wait_dma2 semaphore(%arg31 : memref<!tpu.dma_semaphore, #tpu.memory_space<semaphore_mem>>) src(%arg11 : memref<64x128xf32, #tpu.memory_space<vmem>>) dst(%dma_wait3A_2135 : memref<64x128xf32, #tpu.memory_space<hbm>>)
      %add3A_2136 = arith.constant 10 : i32
      %add3A_2137 = arith.addi %add3A_2080, %add3A_2136 : i32
      %jit3A_2138 = arith.constant 2 : i32
      %div3A_2139 = arith.divsi %add3A_2137, %jit3A_2138 : i32
      %sign3A_2140 = arith.constant 0 : i32
      %sign3A_2141 = arith.cmpi sgt, %add3A_2137, %sign3A_2140 : i32
      %sign3A_2142 = arith.extui %sign3A_2141 : i1 to i32
      %sign3A_2143 = arith.constant 0 : i32
      %sign3A_2144 = arith.cmpi slt, %add3A_2137, %sign3A_2143 : i32
      %sign3A_2145 = arith.extui %sign3A_2144 : i1 to i32
      %sign3A_2146 = arith.subi %sign3A_2142, %sign3A_2145 : i32
      %sign3A_2147 = arith.constant 0 : i32
      %sign3A_2148 = arith.cmpi sgt, %jit3A_2138, %sign3A_2147 : i32
      %sign3A_2149 = arith.extui %sign3A_2148 : i1 to i32
      %sign3A_2150 = arith.constant 0 : i32
      %sign3A_2151 = arith.cmpi slt, %jit3A_2138, %sign3A_2150 : i32
      %sign3A_2152 = arith.extui %sign3A_2151 : i1 to i32
      %sign3A_2153 = arith.subi %sign3A_2149, %sign3A_2152 : i32
      %ne3A_2154 = arith.cmpi ne, %sign3A_2146, %sign3A_2153 : i32
      %rem3A_2155 = arith.remsi %add3A_2137, %jit3A_2138 : i32
      %ne3A_2156 = arith.constant 0 : i32
      %ne3A_2157 = arith.cmpi ne, %rem3A_2155, %ne3A_2156 : i32
      %and3A_2158 = arith.andi %ne3A_2154, %ne3A_2157 : i1
      %sub3A_2159 = arith.constant 1 : i32
      %sub3A_2160 = arith.subi %div3A_2139, %sub3A_2159 : i32
      %select_n3A_2161 = arith.select %and3A_2158, %sub3A_2160, %div3A_2139 : i32
      %jit3A_2162 = arith.constant 2 : i32
      %eq3A_2163 = arith.constant 0 : i32
      %eq3A_2164 = arith.cmpi eq, %jit3A_2162, %eq3A_2163 : i32
      %jit3A_2165 = arith.constant 1 : i32
      %select_n3A_2166 = arith.select %eq3A_2164, %jit3A_2165, %jit3A_2162 : i32
      %rem3A_2167 = arith.remsi %add3A_2137, %select_n3A_2166 : i32
      %ne3A_2168 = arith.constant 0 : i32
      %ne3A_2169 = arith.cmpi ne, %rem3A_2167, %ne3A_2168 : i32
      %lt3A_2170 = arith.constant 0 : i32
      %lt3A_2171 = arith.cmpi slt, %rem3A_2167, %lt3A_2170 : i32
      %lt3A_2172 = arith.constant 0 : i32
      %lt3A_2173 = arith.cmpi slt, %select_n3A_2166, %lt3A_2172 : i32
      %ne3A_2174 = arith.xori %lt3A_2171, %lt3A_2173 : i1
      %and3A_2175 = arith.andi %ne3A_2174, %ne3A_2169 : i1
      %add3A_2176 = arith.addi %rem3A_2167, %select_n3A_2166 : i32
      %select_n3A_2177 = arith.select %and3A_2175, %add3A_2176, %rem3A_2167 : i32
      %mul3A_2178 = arith.constant 64 : i32
      %mul3A_2179 = arith.muli %select_n3A_2177, %mul3A_2178 : i32
      %dma_start3A_2180 = arith.constant 0 : i32
      %dma_start3A_2181 = tpu.memref_slice %arg5[%select_n3A_2161, %dma_start3A_2180] : memref<50x128xi32, #tpu.memory_space<vmem>> -> memref<1x128xi32, #tpu.memory_space<vmem>>
      %dma_start3A_2182 = tpu.memref_squeeze %dma_start3A_2181 : memref<1x128xi32, #tpu.memory_space<vmem>> -> memref<128xi32, #tpu.memory_space<vmem>>
      %dma_start3A_2183 = tpu.memref_slice %dma_start3A_2182[%mul3A_2179] : memref<128xi32, #tpu.memory_space<vmem>> -> memref<64xi32, #tpu.memory_space<vmem>>
      %dma_start3A_2184 = arith.constant 0 : i32
      %dma_start3A_2185 = arith.constant 0 : i32
      %dma_start3A_2186 = tpu.memref_slice %arg3[%dma_start3A_2184, %dma_start3A_2185] : memref<100032x128xf32, #tpu.memory_space<hbm>> -> memref<100032x128xf32, #tpu.memory_space<hbm>>
      tpu.enqueue_indirect_dma source(%dma_start3A_2186 : memref<100032x128xf32, #tpu.memory_space<hbm>>) target(%arg11 : memref<64x128xf32, #tpu.memory_space<vmem>>) offsets(%dma_start3A_2183 : memref<64xi32, #tpu.memory_space<vmem>>) semaphore(%arg21 : memref<!tpu.dma_semaphore, #tpu.memory_space<semaphore_mem>>)
      %add3A_2187 = arith.constant 6 : i32
      %add3A_2188 = arith.addi %mul3A_488, %add3A_2187 : i32
      %jit3A_2189 = arith.constant 2 : i32
      %div3A_2190 = arith.divsi %add3A_2188, %jit3A_2189 : i32
      %sign3A_2191 = arith.constant 0 : i32
      %sign3A_2192 = arith.cmpi sgt, %add3A_2188, %sign3A_2191 : i32
      %sign3A_2193 = arith.extui %sign3A_2192 : i1 to i32
      %sign3A_2194 = arith.constant 0 : i32
      %sign3A_2195 = arith.cmpi slt, %add3A_2188, %sign3A_2194 : i32
      %sign3A_2196 = arith.extui %sign3A_2195 : i1 to i32
      %sign3A_2197 = arith.subi %sign3A_2193, %sign3A_2196 : i32
      %sign3A_2198 = arith.constant 0 : i32
      %sign3A_2199 = arith.cmpi sgt, %jit3A_2189, %sign3A_2198 : i32
      %sign3A_2200 = arith.extui %sign3A_2199 : i1 to i32
      %sign3A_2201 = arith.constant 0 : i32
      %sign3A_2202 = arith.cmpi slt, %jit3A_2189, %sign3A_2201 : i32
      %sign3A_2203 = arith.extui %sign3A_2202 : i1 to i32
      %sign3A_2204 = arith.subi %sign3A_2200, %sign3A_2203 : i32
      %ne3A_2205 = arith.cmpi ne, %sign3A_2197, %sign3A_2204 : i32
      %rem3A_2206 = arith.remsi %add3A_2188, %jit3A_2189 : i32
      %ne3A_2207 = arith.constant 0 : i32
      %ne3A_2208 = arith.cmpi ne, %rem3A_2206, %ne3A_2207 : i32
      %and3A_2209 = arith.andi %ne3A_2205, %ne3A_2208 : i1
      %sub3A_2210 = arith.constant 1 : i32
      %sub3A_2211 = arith.subi %div3A_2190, %sub3A_2210 : i32
      %select_n3A_2212 = arith.select %and3A_2209, %sub3A_2211, %div3A_2190 : i32
      %jit3A_2213 = arith.constant 2 : i32
      %eq3A_2214 = arith.constant 0 : i32
      %eq3A_2215 = arith.cmpi eq, %jit3A_2213, %eq3A_2214 : i32
      %jit3A_2216 = arith.constant 1 : i32
      %select_n3A_2217 = arith.select %eq3A_2215, %jit3A_2216, %jit3A_2213 : i32
      %rem3A_2218 = arith.remsi %add3A_2188, %select_n3A_2217 : i32
      %ne3A_2219 = arith.constant 0 : i32
      %ne3A_2220 = arith.cmpi ne, %rem3A_2218, %ne3A_2219 : i32
      %lt3A_2221 = arith.constant 0 : i32
      %lt3A_2222 = arith.cmpi slt, %rem3A_2218, %lt3A_2221 : i32
      %lt3A_2223 = arith.constant 0 : i32
      %lt3A_2224 = arith.cmpi slt, %select_n3A_2217, %lt3A_2223 : i32
      %ne3A_2225 = arith.xori %lt3A_2222, %lt3A_2224 : i1
      %and3A_2226 = arith.andi %ne3A_2225, %ne3A_2220 : i1
      %add3A_2227 = arith.addi %rem3A_2218, %select_n3A_2217 : i32
      %select_n3A_2228 = arith.select %and3A_2226, %add3A_2227, %rem3A_2218 : i32
      %mul3A_2229 = arith.constant 64 : i32
      %mul3A_2230 = arith.muli %select_n3A_2228, %mul3A_2229 : i32
      %add3A_2231 = arith.addi %mul3A_2, %mul3A_2230 : i32
      %dma_wait3A_2232 = arith.constant 0 : i32
      %dma_wait3A_2233 = arith.constant 0 : i32
      %dma_wait3A_2234 = tpu.memref_slice %arg4[%select_n3A_2212, %dma_wait3A_2232, %dma_wait3A_2233] : memref<50x4096x128xf32, #tpu.memory_space<hbm>> -> memref<1x4096x128xf32, #tpu.memory_space<hbm>>
      %dma_wait3A_2235 = tpu.memref_squeeze %dma_wait3A_2234 : memref<1x4096x128xf32, #tpu.memory_space<hbm>> -> memref<4096x128xf32, #tpu.memory_space<hbm>>
      %dma_wait3A_2236 = arith.constant 0 : i32
      %dma_wait3A_2237 = tpu.memref_slice %dma_wait3A_2235[%add3A_2231, %dma_wait3A_2236] : memref<4096x128xf32, #tpu.memory_space<hbm>> -> memref<64x128xf32, #tpu.memory_space<hbm>>
      %dma_wait3A_2238 = arith.constant 0 : i32
      %dma_wait3A_2239 = arith.constant 0 : i32
      %dma_wait3A_2240 = tpu.memref_slice %arg4[%select_n3A_2212, %dma_wait3A_2238, %dma_wait3A_2239] : memref<50x4096x128xf32, #tpu.memory_space<hbm>> -> memref<1x4096x128xf32, #tpu.memory_space<hbm>>
      %dma_wait3A_2241 = tpu.memref_squeeze %dma_wait3A_2240 : memref<1x4096x128xf32, #tpu.memory_space<hbm>> -> memref<4096x128xf32, #tpu.memory_space<hbm>>
      %dma_wait3A_2242 = arith.constant 0 : i32
      %dma_wait3A_2243 = tpu.memref_slice %dma_wait3A_2241[%add3A_2231, %dma_wait3A_2242] : memref<4096x128xf32, #tpu.memory_space<hbm>> -> memref<64x128xf32, #tpu.memory_space<hbm>>
      tpu.wait_dma2 semaphore(%arg32 : memref<!tpu.dma_semaphore, #tpu.memory_space<semaphore_mem>>) src(%arg12 : memref<64x128xf32, #tpu.memory_space<vmem>>) dst(%dma_wait3A_2243 : memref<64x128xf32, #tpu.memory_space<hbm>>)
      %add3A_2244 = arith.constant 10 : i32
      %add3A_2245 = arith.addi %add3A_2188, %add3A_2244 : i32
      %jit3A_2246 = arith.constant 2 : i32
      %div3A_2247 = arith.divsi %add3A_2245, %jit3A_2246 : i32
      %sign3A_2248 = arith.constant 0 : i32
      %sign3A_2249 = arith.cmpi sgt, %add3A_2245, %sign3A_2248 : i32
      %sign3A_2250 = arith.extui %sign3A_2249 : i1 to i32
      %sign3A_2251 = arith.constant 0 : i32
      %sign3A_2252 = arith.cmpi slt, %add3A_2245, %sign3A_2251 : i32
      %sign3A_2253 = arith.extui %sign3A_2252 : i1 to i32
      %sign3A_2254 = arith.subi %sign3A_2250, %sign3A_2253 : i32
      %sign3A_2255 = arith.constant 0 : i32
      %sign3A_2256 = arith.cmpi sgt, %jit3A_2246, %sign3A_2255 : i32
      %sign3A_2257 = arith.extui %sign3A_2256 : i1 to i32
      %sign3A_2258 = arith.constant 0 : i32
      %sign3A_2259 = arith.cmpi slt, %jit3A_2246, %sign3A_2258 : i32
      %sign3A_2260 = arith.extui %sign3A_2259 : i1 to i32
      %sign3A_2261 = arith.subi %sign3A_2257, %sign3A_2260 : i32
      %ne3A_2262 = arith.cmpi ne, %sign3A_2254, %sign3A_2261 : i32
      %rem3A_2263 = arith.remsi %add3A_2245, %jit3A_2246 : i32
      %ne3A_2264 = arith.constant 0 : i32
      %ne3A_2265 = arith.cmpi ne, %rem3A_2263, %ne3A_2264 : i32
      %and3A_2266 = arith.andi %ne3A_2262, %ne3A_2265 : i1
      %sub3A_2267 = arith.constant 1 : i32
      %sub3A_2268 = arith.subi %div3A_2247, %sub3A_2267 : i32
      %select_n3A_2269 = arith.select %and3A_2266, %sub3A_2268, %div3A_2247 : i32
      %jit3A_2270 = arith.constant 2 : i32
      %eq3A_2271 = arith.constant 0 : i32
      %eq3A_2272 = arith.cmpi eq, %jit3A_2270, %eq3A_2271 : i32
      %jit3A_2273 = arith.constant 1 : i32
      %select_n3A_2274 = arith.select %eq3A_2272, %jit3A_2273, %jit3A_2270 : i32
      %rem3A_2275 = arith.remsi %add3A_2245, %select_n3A_2274 : i32
      %ne3A_2276 = arith.constant 0 : i32
      %ne3A_2277 = arith.cmpi ne, %rem3A_2275, %ne3A_2276 : i32
      %lt3A_2278 = arith.constant 0 : i32
      %lt3A_2279 = arith.cmpi slt, %rem3A_2275, %lt3A_2278 : i32
      %lt3A_2280 = arith.constant 0 : i32
      %lt3A_2281 = arith.cmpi slt, %select_n3A_2274, %lt3A_2280 : i32
      %ne3A_2282 = arith.xori %lt3A_2279, %lt3A_2281 : i1
      %and3A_2283 = arith.andi %ne3A_2282, %ne3A_2277 : i1
      %add3A_2284 = arith.addi %rem3A_2275, %select_n3A_2274 : i32
      %select_n3A_2285 = arith.select %and3A_2283, %add3A_2284, %rem3A_2275 : i32
      %mul3A_2286 = arith.constant 64 : i32
      %mul3A_2287 = arith.muli %select_n3A_2285, %mul3A_2286 : i32
      %dma_start3A_2288 = arith.constant 0 : i32
      %dma_start3A_2289 = tpu.memref_slice %arg5[%select_n3A_2269, %dma_start3A_2288] : memref<50x128xi32, #tpu.memory_space<vmem>> -> memref<1x128xi32, #tpu.memory_space<vmem>>
      %dma_start3A_2290 = tpu.memref_squeeze %dma_start3A_2289 : memref<1x128xi32, #tpu.memory_space<vmem>> -> memref<128xi32, #tpu.memory_space<vmem>>
      %dma_start3A_2291 = tpu.memref_slice %dma_start3A_2290[%mul3A_2287] : memref<128xi32, #tpu.memory_space<vmem>> -> memref<64xi32, #tpu.memory_space<vmem>>
      %dma_start3A_2292 = arith.constant 0 : i32
      %dma_start3A_2293 = arith.constant 0 : i32
      %dma_start3A_2294 = tpu.memref_slice %arg3[%dma_start3A_2292, %dma_start3A_2293] : memref<100032x128xf32, #tpu.memory_space<hbm>> -> memref<100032x128xf32, #tpu.memory_space<hbm>>
      tpu.enqueue_indirect_dma source(%dma_start3A_2294 : memref<100032x128xf32, #tpu.memory_space<hbm>>) target(%arg12 : memref<64x128xf32, #tpu.memory_space<vmem>>) offsets(%dma_start3A_2291 : memref<64xi32, #tpu.memory_space<vmem>>) semaphore(%arg22 : memref<!tpu.dma_semaphore, #tpu.memory_space<semaphore_mem>>)
      %add3A_2295 = arith.constant 7 : i32
      %add3A_2296 = arith.addi %mul3A_488, %add3A_2295 : i32
      %jit3A_2297 = arith.constant 2 : i32
      %div3A_2298 = arith.divsi %add3A_2296, %jit3A_2297 : i32
      %sign3A_2299 = arith.constant 0 : i32
      %sign3A_2300 = arith.cmpi sgt, %add3A_2296, %sign3A_2299 : i32
      %sign3A_2301 = arith.extui %sign3A_2300 : i1 to i32
      %sign3A_2302 = arith.constant 0 : i32
      %sign3A_2303 = arith.cmpi slt, %add3A_2296, %sign3A_2302 : i32
      %sign3A_2304 = arith.extui %sign3A_2303 : i1 to i32
      %sign3A_2305 = arith.subi %sign3A_2301, %sign3A_2304 : i32
      %sign3A_2306 = arith.constant 0 : i32
      %sign3A_2307 = arith.cmpi sgt, %jit3A_2297, %sign3A_2306 : i32
      %sign3A_2308 = arith.extui %sign3A_2307 : i1 to i32
      %sign3A_2309 = arith.constant 0 : i32
      %sign3A_2310 = arith.cmpi slt, %jit3A_2297, %sign3A_2309 : i32
      %sign3A_2311 = arith.extui %sign3A_2310 : i1 to i32
      %sign3A_2312 = arith.subi %sign3A_2308, %sign3A_2311 : i32
      %ne3A_2313 = arith.cmpi ne, %sign3A_2305, %sign3A_2312 : i32
      %rem3A_2314 = arith.remsi %add3A_2296, %jit3A_2297 : i32
      %ne3A_2315 = arith.constant 0 : i32
      %ne3A_2316 = arith.cmpi ne, %rem3A_2314, %ne3A_2315 : i32
      %and3A_2317 = arith.andi %ne3A_2313, %ne3A_2316 : i1
      %sub3A_2318 = arith.constant 1 : i32
      %sub3A_2319 = arith.subi %div3A_2298, %sub3A_2318 : i32
      %select_n3A_2320 = arith.select %and3A_2317, %sub3A_2319, %div3A_2298 : i32
      %jit3A_2321 = arith.constant 2 : i32
      %eq3A_2322 = arith.constant 0 : i32
      %eq3A_2323 = arith.cmpi eq, %jit3A_2321, %eq3A_2322 : i32
      %jit3A_2324 = arith.constant 1 : i32
      %select_n3A_2325 = arith.select %eq3A_2323, %jit3A_2324, %jit3A_2321 : i32
      %rem3A_2326 = arith.remsi %add3A_2296, %select_n3A_2325 : i32
      %ne3A_2327 = arith.constant 0 : i32
      %ne3A_2328 = arith.cmpi ne, %rem3A_2326, %ne3A_2327 : i32
      %lt3A_2329 = arith.constant 0 : i32
      %lt3A_2330 = arith.cmpi slt, %rem3A_2326, %lt3A_2329 : i32
      %lt3A_2331 = arith.constant 0 : i32
      %lt3A_2332 = arith.cmpi slt, %select_n3A_2325, %lt3A_2331 : i32
      %ne3A_2333 = arith.xori %lt3A_2330, %lt3A_2332 : i1
      %and3A_2334 = arith.andi %ne3A_2333, %ne3A_2328 : i1
      %add3A_2335 = arith.addi %rem3A_2326, %select_n3A_2325 : i32
      %select_n3A_2336 = arith.select %and3A_2334, %add3A_2335, %rem3A_2326 : i32
      %mul3A_2337 = arith.constant 64 : i32
      %mul3A_2338 = arith.muli %select_n3A_2336, %mul3A_2337 : i32
      %add3A_2339 = arith.addi %mul3A_2, %mul3A_2338 : i32
      %dma_wait3A_2340 = arith.constant 0 : i32
      %dma_wait3A_2341 = arith.constant 0 : i32
      %dma_wait3A_2342 = tpu.memref_slice %arg4[%select_n3A_2320, %dma_wait3A_2340, %dma_wait3A_2341] : memref<50x4096x128xf32, #tpu.memory_space<hbm>> -> memref<1x4096x128xf32, #tpu.memory_space<hbm>>
      %dma_wait3A_2343 = tpu.memref_squeeze %dma_wait3A_2342 : memref<1x4096x128xf32, #tpu.memory_space<hbm>> -> memref<4096x128xf32, #tpu.memory_space<hbm>>
      %dma_wait3A_2344 = arith.constant 0 : i32
      %dma_wait3A_2345 = tpu.memref_slice %dma_wait3A_2343[%add3A_2339, %dma_wait3A_2344] : memref<4096x128xf32, #tpu.memory_space<hbm>> -> memref<64x128xf32, #tpu.memory_space<hbm>>
      %dma_wait3A_2346 = arith.constant 0 : i32
      %dma_wait3A_2347 = arith.constant 0 : i32
      %dma_wait3A_2348 = tpu.memref_slice %arg4[%select_n3A_2320, %dma_wait3A_2346, %dma_wait3A_2347] : memref<50x4096x128xf32, #tpu.memory_space<hbm>> -> memref<1x4096x128xf32, #tpu.memory_space<hbm>>
      %dma_wait3A_2349 = tpu.memref_squeeze %dma_wait3A_2348 : memref<1x4096x128xf32, #tpu.memory_space<hbm>> -> memref<4096x128xf32, #tpu.memory_space<hbm>>
      %dma_wait3A_2350 = arith.constant 0 : i32
      %dma_wait3A_2351 = tpu.memref_slice %dma_wait3A_2349[%add3A_2339, %dma_wait3A_2350] : memref<4096x128xf32, #tpu.memory_space<hbm>> -> memref<64x128xf32, #tpu.memory_space<hbm>>
      tpu.wait_dma2 semaphore(%arg33 : memref<!tpu.dma_semaphore, #tpu.memory_space<semaphore_mem>>) src(%arg13 : memref<64x128xf32, #tpu.memory_space<vmem>>) dst(%dma_wait3A_2351 : memref<64x128xf32, #tpu.memory_space<hbm>>)
      %add3A_2352 = arith.constant 10 : i32
      %add3A_2353 = arith.addi %add3A_2296, %add3A_2352 : i32
      %jit3A_2354 = arith.constant 2 : i32
      %div3A_2355 = arith.divsi %add3A_2353, %jit3A_2354 : i32
      %sign3A_2356 = arith.constant 0 : i32
      %sign3A_2357 = arith.cmpi sgt, %add3A_2353, %sign3A_2356 : i32
      %sign3A_2358 = arith.extui %sign3A_2357 : i1 to i32
      %sign3A_2359 = arith.constant 0 : i32
      %sign3A_2360 = arith.cmpi slt, %add3A_2353, %sign3A_2359 : i32
      %sign3A_2361 = arith.extui %sign3A_2360 : i1 to i32
      %sign3A_2362 = arith.subi %sign3A_2358, %sign3A_2361 : i32
      %sign3A_2363 = arith.constant 0 : i32
      %sign3A_2364 = arith.cmpi sgt, %jit3A_2354, %sign3A_2363 : i32
      %sign3A_2365 = arith.extui %sign3A_2364 : i1 to i32
      %sign3A_2366 = arith.constant 0 : i32
      %sign3A_2367 = arith.cmpi slt, %jit3A_2354, %sign3A_2366 : i32
      %sign3A_2368 = arith.extui %sign3A_2367 : i1 to i32
      %sign3A_2369 = arith.subi %sign3A_2365, %sign3A_2368 : i32
      %ne3A_2370 = arith.cmpi ne, %sign3A_2362, %sign3A_2369 : i32
      %rem3A_2371 = arith.remsi %add3A_2353, %jit3A_2354 : i32
      %ne3A_2372 = arith.constant 0 : i32
      %ne3A_2373 = arith.cmpi ne, %rem3A_2371, %ne3A_2372 : i32
      %and3A_2374 = arith.andi %ne3A_2370, %ne3A_2373 : i1
      %sub3A_2375 = arith.constant 1 : i32
      %sub3A_2376 = arith.subi %div3A_2355, %sub3A_2375 : i32
      %select_n3A_2377 = arith.select %and3A_2374, %sub3A_2376, %div3A_2355 : i32
      %jit3A_2378 = arith.constant 2 : i32
      %eq3A_2379 = arith.constant 0 : i32
      %eq3A_2380 = arith.cmpi eq, %jit3A_2378, %eq3A_2379 : i32
      %jit3A_2381 = arith.constant 1 : i32
      %select_n3A_2382 = arith.select %eq3A_2380, %jit3A_2381, %jit3A_2378 : i32
      %rem3A_2383 = arith.remsi %add3A_2353, %select_n3A_2382 : i32
      %ne3A_2384 = arith.constant 0 : i32
      %ne3A_2385 = arith.cmpi ne, %rem3A_2383, %ne3A_2384 : i32
      %lt3A_2386 = arith.constant 0 : i32
      %lt3A_2387 = arith.cmpi slt, %rem3A_2383, %lt3A_2386 : i32
      %lt3A_2388 = arith.constant 0 : i32
      %lt3A_2389 = arith.cmpi slt, %select_n3A_2382, %lt3A_2388 : i32
      %ne3A_2390 = arith.xori %lt3A_2387, %lt3A_2389 : i1
      %and3A_2391 = arith.andi %ne3A_2390, %ne3A_2385 : i1
      %add3A_2392 = arith.addi %rem3A_2383, %select_n3A_2382 : i32
      %select_n3A_2393 = arith.select %and3A_2391, %add3A_2392, %rem3A_2383 : i32
      %mul3A_2394 = arith.constant 64 : i32
      %mul3A_2395 = arith.muli %select_n3A_2393, %mul3A_2394 : i32
      %dma_start3A_2396 = arith.constant 0 : i32
      %dma_start3A_2397 = tpu.memref_slice %arg5[%select_n3A_2377, %dma_start3A_2396] : memref<50x128xi32, #tpu.memory_space<vmem>> -> memref<1x128xi32, #tpu.memory_space<vmem>>
      %dma_start3A_2398 = tpu.memref_squeeze %dma_start3A_2397 : memref<1x128xi32, #tpu.memory_space<vmem>> -> memref<128xi32, #tpu.memory_space<vmem>>
      %dma_start3A_2399 = tpu.memref_slice %dma_start3A_2398[%mul3A_2395] : memref<128xi32, #tpu.memory_space<vmem>> -> memref<64xi32, #tpu.memory_space<vmem>>
      %dma_start3A_2400 = arith.constant 0 : i32
      %dma_start3A_2401 = arith.constant 0 : i32
      %dma_start3A_2402 = tpu.memref_slice %arg3[%dma_start3A_2400, %dma_start3A_2401] : memref<100032x128xf32, #tpu.memory_space<hbm>> -> memref<100032x128xf32, #tpu.memory_space<hbm>>
      tpu.enqueue_indirect_dma source(%dma_start3A_2402 : memref<100032x128xf32, #tpu.memory_space<hbm>>) target(%arg13 : memref<64x128xf32, #tpu.memory_space<vmem>>) offsets(%dma_start3A_2399 : memref<64xi32, #tpu.memory_space<vmem>>) semaphore(%arg23 : memref<!tpu.dma_semaphore, #tpu.memory_space<semaphore_mem>>)
      %add3A_2403 = arith.constant 8 : i32
      %add3A_2404 = arith.addi %mul3A_488, %add3A_2403 : i32
      %jit3A_2405 = arith.constant 2 : i32
      %div3A_2406 = arith.divsi %add3A_2404, %jit3A_2405 : i32
      %sign3A_2407 = arith.constant 0 : i32
      %sign3A_2408 = arith.cmpi sgt, %add3A_2404, %sign3A_2407 : i32
      %sign3A_2409 = arith.extui %sign3A_2408 : i1 to i32
      %sign3A_2410 = arith.constant 0 : i32
      %sign3A_2411 = arith.cmpi slt, %add3A_2404, %sign3A_2410 : i32
      %sign3A_2412 = arith.extui %sign3A_2411 : i1 to i32
      %sign3A_2413 = arith.subi %sign3A_2409, %sign3A_2412 : i32
      %sign3A_2414 = arith.constant 0 : i32
      %sign3A_2415 = arith.cmpi sgt, %jit3A_2405, %sign3A_2414 : i32
      %sign3A_2416 = arith.extui %sign3A_2415 : i1 to i32
      %sign3A_2417 = arith.constant 0 : i32
      %sign3A_2418 = arith.cmpi slt, %jit3A_2405, %sign3A_2417 : i32
      %sign3A_2419 = arith.extui %sign3A_2418 : i1 to i32
      %sign3A_2420 = arith.subi %sign3A_2416, %sign3A_2419 : i32
      %ne3A_2421 = arith.cmpi ne, %sign3A_2413, %sign3A_2420 : i32
      %rem3A_2422 = arith.remsi %add3A_2404, %jit3A_2405 : i32
      %ne3A_2423 = arith.constant 0 : i32
      %ne3A_2424 = arith.cmpi ne, %rem3A_2422, %ne3A_2423 : i32
      %and3A_2425 = arith.andi %ne3A_2421, %ne3A_2424 : i1
      %sub3A_2426 = arith.constant 1 : i32
      %sub3A_2427 = arith.subi %div3A_2406, %sub3A_2426 : i32
      %select_n3A_2428 = arith.select %and3A_2425, %sub3A_2427, %div3A_2406 : i32
      %jit3A_2429 = arith.constant 2 : i32
      %eq3A_2430 = arith.constant 0 : i32
      %eq3A_2431 = arith.cmpi eq, %jit3A_2429, %eq3A_2430 : i32
      %jit3A_2432 = arith.constant 1 : i32
      %select_n3A_2433 = arith.select %eq3A_2431, %jit3A_2432, %jit3A_2429 : i32
      %rem3A_2434 = arith.remsi %add3A_2404, %select_n3A_2433 : i32
      %ne3A_2435 = arith.constant 0 : i32
      %ne3A_2436 = arith.cmpi ne, %rem3A_2434, %ne3A_2435 : i32
      %lt3A_2437 = arith.constant 0 : i32
      %lt3A_2438 = arith.cmpi slt, %rem3A_2434, %lt3A_2437 : i32
      %lt3A_2439 = arith.constant 0 : i32
      %lt3A_2440 = arith.cmpi slt, %select_n3A_2433, %lt3A_2439 : i32
      %ne3A_2441 = arith.xori %lt3A_2438, %lt3A_2440 : i1
      %and3A_2442 = arith.andi %ne3A_2441, %ne3A_2436 : i1
      %add3A_2443 = arith.addi %rem3A_2434, %select_n3A_2433 : i32
      %select_n3A_2444 = arith.select %and3A_2442, %add3A_2443, %rem3A_2434 : i32
      %mul3A_2445 = arith.constant 64 : i32
      %mul3A_2446 = arith.muli %select_n3A_2444, %mul3A_2445 : i32
      %add3A_2447 = arith.addi %mul3A_2, %mul3A_2446 : i32
      %dma_wait3A_2448 = arith.constant 0 : i32
      %dma_wait3A_2449 = arith.constant 0 : i32
      %dma_wait3A_2450 = tpu.memref_slice %arg4[%select_n3A_2428, %dma_wait3A_2448, %dma_wait3A_2449] : memref<50x4096x128xf32, #tpu.memory_space<hbm>> -> memref<1x4096x128xf32, #tpu.memory_space<hbm>>
      %dma_wait3A_2451 = tpu.memref_squeeze %dma_wait3A_2450 : memref<1x4096x128xf32, #tpu.memory_space<hbm>> -> memref<4096x128xf32, #tpu.memory_space<hbm>>
      %dma_wait3A_2452 = arith.constant 0 : i32
      %dma_wait3A_2453 = tpu.memref_slice %dma_wait3A_2451[%add3A_2447, %dma_wait3A_2452] : memref<4096x128xf32, #tpu.memory_space<hbm>> -> memref<64x128xf32, #tpu.memory_space<hbm>>
      %dma_wait3A_2454 = arith.constant 0 : i32
      %dma_wait3A_2455 = arith.constant 0 : i32
      %dma_wait3A_2456 = tpu.memref_slice %arg4[%select_n3A_2428, %dma_wait3A_2454, %dma_wait3A_2455] : memref<50x4096x128xf32, #tpu.memory_space<hbm>> -> memref<1x4096x128xf32, #tpu.memory_space<hbm>>
      %dma_wait3A_2457 = tpu.memref_squeeze %dma_wait3A_2456 : memref<1x4096x128xf32, #tpu.memory_space<hbm>> -> memref<4096x128xf32, #tpu.memory_space<hbm>>
      %dma_wait3A_2458 = arith.constant 0 : i32
      %dma_wait3A_2459 = tpu.memref_slice %dma_wait3A_2457[%add3A_2447, %dma_wait3A_2458] : memref<4096x128xf32, #tpu.memory_space<hbm>> -> memref<64x128xf32, #tpu.memory_space<hbm>>
      tpu.wait_dma2 semaphore(%arg34 : memref<!tpu.dma_semaphore, #tpu.memory_space<semaphore_mem>>) src(%arg14 : memref<64x128xf32, #tpu.memory_space<vmem>>) dst(%dma_wait3A_2459 : memref<64x128xf32, #tpu.memory_space<hbm>>)
      %add3A_2460 = arith.constant 10 : i32
      %add3A_2461 = arith.addi %add3A_2404, %add3A_2460 : i32
      %jit3A_2462 = arith.constant 2 : i32
      %div3A_2463 = arith.divsi %add3A_2461, %jit3A_2462 : i32
      %sign3A_2464 = arith.constant 0 : i32
      %sign3A_2465 = arith.cmpi sgt, %add3A_2461, %sign3A_2464 : i32
      %sign3A_2466 = arith.extui %sign3A_2465 : i1 to i32
      %sign3A_2467 = arith.constant 0 : i32
      %sign3A_2468 = arith.cmpi slt, %add3A_2461, %sign3A_2467 : i32
      %sign3A_2469 = arith.extui %sign3A_2468 : i1 to i32
      %sign3A_2470 = arith.subi %sign3A_2466, %sign3A_2469 : i32
      %sign3A_2471 = arith.constant 0 : i32
      %sign3A_2472 = arith.cmpi sgt, %jit3A_2462, %sign3A_2471 : i32
      %sign3A_2473 = arith.extui %sign3A_2472 : i1 to i32
      %sign3A_2474 = arith.constant 0 : i32
      %sign3A_2475 = arith.cmpi slt, %jit3A_2462, %sign3A_2474 : i32
      %sign3A_2476 = arith.extui %sign3A_2475 : i1 to i32
      %sign3A_2477 = arith.subi %sign3A_2473, %sign3A_2476 : i32
      %ne3A_2478 = arith.cmpi ne, %sign3A_2470, %sign3A_2477 : i32
      %rem3A_2479 = arith.remsi %add3A_2461, %jit3A_2462 : i32
      %ne3A_2480 = arith.constant 0 : i32
      %ne3A_2481 = arith.cmpi ne, %rem3A_2479, %ne3A_2480 : i32
      %and3A_2482 = arith.andi %ne3A_2478, %ne3A_2481 : i1
      %sub3A_2483 = arith.constant 1 : i32
      %sub3A_2484 = arith.subi %div3A_2463, %sub3A_2483 : i32
      %select_n3A_2485 = arith.select %and3A_2482, %sub3A_2484, %div3A_2463 : i32
      %jit3A_2486 = arith.constant 2 : i32
      %eq3A_2487 = arith.constant 0 : i32
      %eq3A_2488 = arith.cmpi eq, %jit3A_2486, %eq3A_2487 : i32
      %jit3A_2489 = arith.constant 1 : i32
      %select_n3A_2490 = arith.select %eq3A_2488, %jit3A_2489, %jit3A_2486 : i32
      %rem3A_2491 = arith.remsi %add3A_2461, %select_n3A_2490 : i32
      %ne3A_2492 = arith.constant 0 : i32
      %ne3A_2493 = arith.cmpi ne, %rem3A_2491, %ne3A_2492 : i32
      %lt3A_2494 = arith.constant 0 : i32
      %lt3A_2495 = arith.cmpi slt, %rem3A_2491, %lt3A_2494 : i32
      %lt3A_2496 = arith.constant 0 : i32
      %lt3A_2497 = arith.cmpi slt, %select_n3A_2490, %lt3A_2496 : i32
      %ne3A_2498 = arith.xori %lt3A_2495, %lt3A_2497 : i1
      %and3A_2499 = arith.andi %ne3A_2498, %ne3A_2493 : i1
      %add3A_2500 = arith.addi %rem3A_2491, %select_n3A_2490 : i32
      %select_n3A_2501 = arith.select %and3A_2499, %add3A_2500, %rem3A_2491 : i32
      %mul3A_2502 = arith.constant 64 : i32
      %mul3A_2503 = arith.muli %select_n3A_2501, %mul3A_2502 : i32
      %dma_start3A_2504 = arith.constant 0 : i32
      %dma_start3A_2505 = tpu.memref_slice %arg5[%select_n3A_2485, %dma_start3A_2504] : memref<50x128xi32, #tpu.memory_space<vmem>> -> memref<1x128xi32, #tpu.memory_space<vmem>>
      %dma_start3A_2506 = tpu.memref_squeeze %dma_start3A_2505 : memref<1x128xi32, #tpu.memory_space<vmem>> -> memref<128xi32, #tpu.memory_space<vmem>>
      %dma_start3A_2507 = tpu.memref_slice %dma_start3A_2506[%mul3A_2503] : memref<128xi32, #tpu.memory_space<vmem>> -> memref<64xi32, #tpu.memory_space<vmem>>
      %dma_start3A_2508 = arith.constant 0 : i32
      %dma_start3A_2509 = arith.constant 0 : i32
      %dma_start3A_2510 = tpu.memref_slice %arg3[%dma_start3A_2508, %dma_start3A_2509] : memref<100032x128xf32, #tpu.memory_space<hbm>> -> memref<100032x128xf32, #tpu.memory_space<hbm>>
      tpu.enqueue_indirect_dma source(%dma_start3A_2510 : memref<100032x128xf32, #tpu.memory_space<hbm>>) target(%arg14 : memref<64x128xf32, #tpu.memory_space<vmem>>) offsets(%dma_start3A_2507 : memref<64xi32, #tpu.memory_space<vmem>>) semaphore(%arg24 : memref<!tpu.dma_semaphore, #tpu.memory_space<semaphore_mem>>)
      %add3A_2511 = arith.constant 9 : i32
      %add3A_2512 = arith.addi %mul3A_488, %add3A_2511 : i32
      %jit3A_2513 = arith.constant 2 : i32
      %div3A_2514 = arith.divsi %add3A_2512, %jit3A_2513 : i32
      %sign3A_2515 = arith.constant 0 : i32
      %sign3A_2516 = arith.cmpi sgt, %add3A_2512, %sign3A_2515 : i32
      %sign3A_2517 = arith.extui %sign3A_2516 : i1 to i32
      %sign3A_2518 = arith.constant 0 : i32
      %sign3A_2519 = arith.cmpi slt, %add3A_2512, %sign3A_2518 : i32
      %sign3A_2520 = arith.extui %sign3A_2519 : i1 to i32
      %sign3A_2521 = arith.subi %sign3A_2517, %sign3A_2520 : i32
      %sign3A_2522 = arith.constant 0 : i32
      %sign3A_2523 = arith.cmpi sgt, %jit3A_2513, %sign3A_2522 : i32
      %sign3A_2524 = arith.extui %sign3A_2523 : i1 to i32
      %sign3A_2525 = arith.constant 0 : i32
      %sign3A_2526 = arith.cmpi slt, %jit3A_2513, %sign3A_2525 : i32
      %sign3A_2527 = arith.extui %sign3A_2526 : i1 to i32
      %sign3A_2528 = arith.subi %sign3A_2524, %sign3A_2527 : i32
      %ne3A_2529 = arith.cmpi ne, %sign3A_2521, %sign3A_2528 : i32
      %rem3A_2530 = arith.remsi %add3A_2512, %jit3A_2513 : i32
      %ne3A_2531 = arith.constant 0 : i32
      %ne3A_2532 = arith.cmpi ne, %rem3A_2530, %ne3A_2531 : i32
      %and3A_2533 = arith.andi %ne3A_2529, %ne3A_2532 : i1
      %sub3A_2534 = arith.constant 1 : i32
      %sub3A_2535 = arith.subi %div3A_2514, %sub3A_2534 : i32
      %select_n3A_2536 = arith.select %and3A_2533, %sub3A_2535, %div3A_2514 : i32
      %jit3A_2537 = arith.constant 2 : i32
      %eq3A_2538 = arith.constant 0 : i32
      %eq3A_2539 = arith.cmpi eq, %jit3A_2537, %eq3A_2538 : i32
      %jit3A_2540 = arith.constant 1 : i32
      %select_n3A_2541 = arith.select %eq3A_2539, %jit3A_2540, %jit3A_2537 : i32
      %rem3A_2542 = arith.remsi %add3A_2512, %select_n3A_2541 : i32
      %ne3A_2543 = arith.constant 0 : i32
      %ne3A_2544 = arith.cmpi ne, %rem3A_2542, %ne3A_2543 : i32
      %lt3A_2545 = arith.constant 0 : i32
      %lt3A_2546 = arith.cmpi slt, %rem3A_2542, %lt3A_2545 : i32
      %lt3A_2547 = arith.constant 0 : i32
      %lt3A_2548 = arith.cmpi slt, %select_n3A_2541, %lt3A_2547 : i32
      %ne3A_2549 = arith.xori %lt3A_2546, %lt3A_2548 : i1
      %and3A_2550 = arith.andi %ne3A_2549, %ne3A_2544 : i1
      %add3A_2551 = arith.addi %rem3A_2542, %select_n3A_2541 : i32
      %select_n3A_2552 = arith.select %and3A_2550, %add3A_2551, %rem3A_2542 : i32
      %mul3A_2553 = arith.constant 64 : i32
      %mul3A_2554 = arith.muli %select_n3A_2552, %mul3A_2553 : i32
      %add3A_2555 = arith.addi %mul3A_2, %mul3A_2554 : i32
      %dma_wait3A_2556 = arith.constant 0 : i32
      %dma_wait3A_2557 = arith.constant 0 : i32
      %dma_wait3A_2558 = tpu.memref_slice %arg4[%select_n3A_2536, %dma_wait3A_2556, %dma_wait3A_2557] : memref<50x4096x128xf32, #tpu.memory_space<hbm>> -> memref<1x4096x128xf32, #tpu.memory_space<hbm>>
      %dma_wait3A_2559 = tpu.memref_squeeze %dma_wait3A_2558 : memref<1x4096x128xf32, #tpu.memory_space<hbm>> -> memref<4096x128xf32, #tpu.memory_space<hbm>>
      %dma_wait3A_2560 = arith.constant 0 : i32
      %dma_wait3A_2561 = tpu.memref_slice %dma_wait3A_2559[%add3A_2555, %dma_wait3A_2560] : memref<4096x128xf32, #tpu.memory_space<hbm>> -> memref<64x128xf32, #tpu.memory_space<hbm>>
      %dma_wait3A_2562 = arith.constant 0 : i32
      %dma_wait3A_2563 = arith.constant 0 : i32
      %dma_wait3A_2564 = tpu.memref_slice %arg4[%select_n3A_2536, %dma_wait3A_2562, %dma_wait3A_2563] : memref<50x4096x128xf32, #tpu.memory_space<hbm>> -> memref<1x4096x128xf32, #tpu.memory_space<hbm>>
      %dma_wait3A_2565 = tpu.memref_squeeze %dma_wait3A_2564 : memref<1x4096x128xf32, #tpu.memory_space<hbm>> -> memref<4096x128xf32, #tpu.memory_space<hbm>>
      %dma_wait3A_2566 = arith.constant 0 : i32
      %dma_wait3A_2567 = tpu.memref_slice %dma_wait3A_2565[%add3A_2555, %dma_wait3A_2566] : memref<4096x128xf32, #tpu.memory_space<hbm>> -> memref<64x128xf32, #tpu.memory_space<hbm>>
      tpu.wait_dma2 semaphore(%arg35 : memref<!tpu.dma_semaphore, #tpu.memory_space<semaphore_mem>>) src(%arg15 : memref<64x128xf32, #tpu.memory_space<vmem>>) dst(%dma_wait3A_2567 : memref<64x128xf32, #tpu.memory_space<hbm>>)
      %add3A_2568 = arith.constant 10 : i32
      %add3A_2569 = arith.addi %add3A_2512, %add3A_2568 : i32
      %jit3A_2570 = arith.constant 2 : i32
      %div3A_2571 = arith.divsi %add3A_2569, %jit3A_2570 : i32
      %sign3A_2572 = arith.constant 0 : i32
      %sign3A_2573 = arith.cmpi sgt, %add3A_2569, %sign3A_2572 : i32
      %sign3A_2574 = arith.extui %sign3A_2573 : i1 to i32
      %sign3A_2575 = arith.constant 0 : i32
      %sign3A_2576 = arith.cmpi slt, %add3A_2569, %sign3A_2575 : i32
      %sign3A_2577 = arith.extui %sign3A_2576 : i1 to i32
      %sign3A_2578 = arith.subi %sign3A_2574, %sign3A_2577 : i32
      %sign3A_2579 = arith.constant 0 : i32
      %sign3A_2580 = arith.cmpi sgt, %jit3A_2570, %sign3A_2579 : i32
      %sign3A_2581 = arith.extui %sign3A_2580 : i1 to i32
      %sign3A_2582 = arith.constant 0 : i32
      %sign3A_2583 = arith.cmpi slt, %jit3A_2570, %sign3A_2582 : i32
      %sign3A_2584 = arith.extui %sign3A_2583 : i1 to i32
      %sign3A_2585 = arith.subi %sign3A_2581, %sign3A_2584 : i32
      %ne3A_2586 = arith.cmpi ne, %sign3A_2578, %sign3A_2585 : i32
      %rem3A_2587 = arith.remsi %add3A_2569, %jit3A_2570 : i32
      %ne3A_2588 = arith.constant 0 : i32
      %ne3A_2589 = arith.cmpi ne, %rem3A_2587, %ne3A_2588 : i32
      %and3A_2590 = arith.andi %ne3A_2586, %ne3A_2589 : i1
      %sub3A_2591 = arith.constant 1 : i32
      %sub3A_2592 = arith.subi %div3A_2571, %sub3A_2591 : i32
      %select_n3A_2593 = arith.select %and3A_2590, %sub3A_2592, %div3A_2571 : i32
      %jit3A_2594 = arith.constant 2 : i32
      %eq3A_2595 = arith.constant 0 : i32
      %eq3A_2596 = arith.cmpi eq, %jit3A_2594, %eq3A_2595 : i32
      %jit3A_2597 = arith.constant 1 : i32
      %select_n3A_2598 = arith.select %eq3A_2596, %jit3A_2597, %jit3A_2594 : i32
      %rem3A_2599 = arith.remsi %add3A_2569, %select_n3A_2598 : i32
      %ne3A_2600 = arith.constant 0 : i32
      %ne3A_2601 = arith.cmpi ne, %rem3A_2599, %ne3A_2600 : i32
      %lt3A_2602 = arith.constant 0 : i32
      %lt3A_2603 = arith.cmpi slt, %rem3A_2599, %lt3A_2602 : i32
      %lt3A_2604 = arith.constant 0 : i32
      %lt3A_2605 = arith.cmpi slt, %select_n3A_2598, %lt3A_2604 : i32
      %ne3A_2606 = arith.xori %lt3A_2603, %lt3A_2605 : i1
      %and3A_2607 = arith.andi %ne3A_2606, %ne3A_2601 : i1
      %add3A_2608 = arith.addi %rem3A_2599, %select_n3A_2598 : i32
      %select_n3A_2609 = arith.select %and3A_2607, %add3A_2608, %rem3A_2599 : i32
      %mul3A_2610 = arith.constant 64 : i32
      %mul3A_2611 = arith.muli %select_n3A_2609, %mul3A_2610 : i32
      %dma_start3A_2612 = arith.constant 0 : i32
      %dma_start3A_2613 = tpu.memref_slice %arg5[%select_n3A_2593, %dma_start3A_2612] : memref<50x128xi32, #tpu.memory_space<vmem>> -> memref<1x128xi32, #tpu.memory_space<vmem>>
      %dma_start3A_2614 = tpu.memref_squeeze %dma_start3A_2613 : memref<1x128xi32, #tpu.memory_space<vmem>> -> memref<128xi32, #tpu.memory_space<vmem>>
      %dma_start3A_2615 = tpu.memref_slice %dma_start3A_2614[%mul3A_2611] : memref<128xi32, #tpu.memory_space<vmem>> -> memref<64xi32, #tpu.memory_space<vmem>>
      %dma_start3A_2616 = arith.constant 0 : i32
      %dma_start3A_2617 = arith.constant 0 : i32
      %dma_start3A_2618 = tpu.memref_slice %arg3[%dma_start3A_2616, %dma_start3A_2617] : memref<100032x128xf32, #tpu.memory_space<hbm>> -> memref<100032x128xf32, #tpu.memory_space<hbm>>
      tpu.enqueue_indirect_dma source(%dma_start3A_2618 : memref<100032x128xf32, #tpu.memory_space<hbm>>) target(%arg15 : memref<64x128xf32, #tpu.memory_space<vmem>>) offsets(%dma_start3A_2615 : memref<64xi32, #tpu.memory_space<vmem>>) semaphore(%arg25 : memref<!tpu.dma_semaphore, #tpu.memory_space<semaphore_mem>>)
    }
    %scan3A_96 = arith.constant 9 : i32
    %dma_wait3A = arith.constant 45 : i32
    %dma_wait3A_97 = arith.constant 0 : i32
    %dma_wait3A_98 = tpu.memref_slice %arg5[%dma_wait3A, %dma_wait3A_97] : memref<50x128xi32, #tpu.memory_space<vmem>> -> memref<1x128xi32, #tpu.memory_space<vmem>>
    %dma_wait3A_99 = tpu.memref_squeeze %dma_wait3A_98 : memref<1x128xi32, #tpu.memory_space<vmem>> -> memref<128xi32, #tpu.memory_space<vmem>>
    %dma_wait3A_100 = arith.constant 0 : i32
    %dma_wait3A_101 = tpu.memref_slice %dma_wait3A_99[%dma_wait3A_100] : memref<128xi32, #tpu.memory_space<vmem>> -> memref<64xi32, #tpu.memory_space<vmem>>
    %dma_wait3A_102 = arith.constant 0 : i32
    %dma_wait3A_103 = arith.constant 0 : i32
    %dma_wait3A_104 = tpu.memref_slice %arg3[%dma_wait3A_102, %dma_wait3A_103] : memref<100032x128xf32, #tpu.memory_space<hbm>> -> memref<100032x128xf32, #tpu.memory_space<hbm>>
    tpu.wait_indirect_dma semaphore(%arg16 : memref<!tpu.dma_semaphore, #tpu.memory_space<semaphore_mem>>) src(%dma_wait3A_104 : memref<100032x128xf32, #tpu.memory_space<hbm>>) dst(%arg6 : memref<64x128xf32, #tpu.memory_space<vmem>>)
    %add3A_105 = arith.constant 0 : i32
    %add3A_106 = arith.addi %mul3A_2, %add3A_105 : i32
    %dma_start3A_107 = arith.constant 45 : i32
    %dma_start3A_108 = arith.constant 0 : i32
    %dma_start3A_109 = arith.constant 0 : i32
    %dma_start3A_110 = tpu.memref_slice %arg4[%dma_start3A_107, %dma_start3A_108, %dma_start3A_109] : memref<50x4096x128xf32, #tpu.memory_space<hbm>> -> memref<1x4096x128xf32, #tpu.memory_space<hbm>>
    %dma_start3A_111 = tpu.memref_squeeze %dma_start3A_110 : memref<1x4096x128xf32, #tpu.memory_space<hbm>> -> memref<4096x128xf32, #tpu.memory_space<hbm>>
    %dma_start3A_112 = arith.constant 0 : i32
    %dma_start3A_113 = tpu.memref_slice %dma_start3A_111[%add3A_106, %dma_start3A_112] : memref<4096x128xf32, #tpu.memory_space<hbm>> -> memref<64x128xf32, #tpu.memory_space<hbm>>
    %dma_start3A_114 = arith.constant 0 : i32
    %dma_start3A_115 = arith.constant 0 : i32
    %dma_start3A_116 = tpu.memref_slice %arg4[%dma_start3A_107, %dma_start3A_114, %dma_start3A_115] : memref<50x4096x128xf32, #tpu.memory_space<hbm>> -> memref<1x4096x128xf32, #tpu.memory_space<hbm>>
    %dma_start3A_117 = tpu.memref_squeeze %dma_start3A_116 : memref<1x4096x128xf32, #tpu.memory_space<hbm>> -> memref<4096x128xf32, #tpu.memory_space<hbm>>
    %dma_start3A_118 = arith.constant 0 : i32
    %dma_start3A_119 = tpu.memref_slice %dma_start3A_117[%add3A_106, %dma_start3A_118] : memref<4096x128xf32, #tpu.memory_space<hbm>> -> memref<64x128xf32, #tpu.memory_space<hbm>>
    tpu.enqueue_dma source(%arg6 : memref<64x128xf32, #tpu.memory_space<vmem>>) target(%dma_start3A_119 : memref<64x128xf32, #tpu.memory_space<hbm>>) target_semaphore(%arg26 : memref<!tpu.dma_semaphore, #tpu.memory_space<semaphore_mem>>)
    %dma_wait3A_120 = arith.constant 45 : i32
    %dma_wait3A_121 = arith.constant 0 : i32
    %dma_wait3A_122 = tpu.memref_slice %arg5[%dma_wait3A_120, %dma_wait3A_121] : memref<50x128xi32, #tpu.memory_space<vmem>> -> memref<1x128xi32, #tpu.memory_space<vmem>>
    %dma_wait3A_123 = tpu.memref_squeeze %dma_wait3A_122 : memref<1x128xi32, #tpu.memory_space<vmem>> -> memref<128xi32, #tpu.memory_space<vmem>>
    %dma_wait3A_124 = arith.constant 64 : i32
    %dma_wait3A_125 = tpu.memref_slice %dma_wait3A_123[%dma_wait3A_124] : memref<128xi32, #tpu.memory_space<vmem>> -> memref<64xi32, #tpu.memory_space<vmem>>
    %dma_wait3A_126 = arith.constant 0 : i32
    %dma_wait3A_127 = arith.constant 0 : i32
    %dma_wait3A_128 = tpu.memref_slice %arg3[%dma_wait3A_126, %dma_wait3A_127] : memref<100032x128xf32, #tpu.memory_space<hbm>> -> memref<100032x128xf32, #tpu.memory_space<hbm>>
    tpu.wait_indirect_dma semaphore(%arg17 : memref<!tpu.dma_semaphore, #tpu.memory_space<semaphore_mem>>) src(%dma_wait3A_128 : memref<100032x128xf32, #tpu.memory_space<hbm>>) dst(%arg7 : memref<64x128xf32, #tpu.memory_space<vmem>>)
    %add3A_129 = arith.constant 64 : i32
    %add3A_130 = arith.addi %mul3A_2, %add3A_129 : i32
    %dma_start3A_131 = arith.constant 45 : i32
    %dma_start3A_132 = arith.constant 0 : i32
    %dma_start3A_133 = arith.constant 0 : i32
    %dma_start3A_134 = tpu.memref_slice %arg4[%dma_start3A_131, %dma_start3A_132, %dma_start3A_133] : memref<50x4096x128xf32, #tpu.memory_space<hbm>> -> memref<1x4096x128xf32, #tpu.memory_space<hbm>>
    %dma_start3A_135 = tpu.memref_squeeze %dma_start3A_134 : memref<1x4096x128xf32, #tpu.memory_space<hbm>> -> memref<4096x128xf32, #tpu.memory_space<hbm>>
    %dma_start3A_136 = arith.constant 0 : i32
    %dma_start3A_137 = tpu.memref_slice %dma_start3A_135[%add3A_130, %dma_start3A_136] : memref<4096x128xf32, #tpu.memory_space<hbm>> -> memref<64x128xf32, #tpu.memory_space<hbm>>
    %dma_start3A_138 = arith.constant 0 : i32
    %dma_start3A_139 = arith.constant 0 : i32
    %dma_start3A_140 = tpu.memref_slice %arg4[%dma_start3A_131, %dma_start3A_138, %dma_start3A_139] : memref<50x4096x128xf32, #tpu.memory_space<hbm>> -> memref<1x4096x128xf32, #tpu.memory_space<hbm>>
    %dma_start3A_141 = tpu.memref_squeeze %dma_start3A_140 : memref<1x4096x128xf32, #tpu.memory_space<hbm>> -> memref<4096x128xf32, #tpu.memory_space<hbm>>
    %dma_start3A_142 = arith.constant 0 : i32
    %dma_start3A_143 = tpu.memref_slice %dma_start3A_141[%add3A_130, %dma_start3A_142] : memref<4096x128xf32, #tpu.memory_space<hbm>> -> memref<64x128xf32, #tpu.memory_space<hbm>>
    tpu.enqueue_dma source(%arg7 : memref<64x128xf32, #tpu.memory_space<vmem>>) target(%dma_start3A_143 : memref<64x128xf32, #tpu.memory_space<hbm>>) target_semaphore(%arg27 : memref<!tpu.dma_semaphore, #tpu.memory_space<semaphore_mem>>)
    %dma_wait3A_144 = arith.constant 46 : i32
    %dma_wait3A_145 = arith.constant 0 : i32
    %dma_wait3A_146 = tpu.memref_slice %arg5[%dma_wait3A_144, %dma_wait3A_145] : memref<50x128xi32, #tpu.memory_space<vmem>> -> memref<1x128xi32, #tpu.memory_space<vmem>>
    %dma_wait3A_147 = tpu.memref_squeeze %dma_wait3A_146 : memref<1x128xi32, #tpu.memory_space<vmem>> -> memref<128xi32, #tpu.memory_space<vmem>>
    %dma_wait3A_148 = arith.constant 0 : i32
    %dma_wait3A_149 = tpu.memref_slice %dma_wait3A_147[%dma_wait3A_148] : memref<128xi32, #tpu.memory_space<vmem>> -> memref<64xi32, #tpu.memory_space<vmem>>
    %dma_wait3A_150 = arith.constant 0 : i32
    %dma_wait3A_151 = arith.constant 0 : i32
    %dma_wait3A_152 = tpu.memref_slice %arg3[%dma_wait3A_150, %dma_wait3A_151] : memref<100032x128xf32, #tpu.memory_space<hbm>> -> memref<100032x128xf32, #tpu.memory_space<hbm>>
    tpu.wait_indirect_dma semaphore(%arg18 : memref<!tpu.dma_semaphore, #tpu.memory_space<semaphore_mem>>) src(%dma_wait3A_152 : memref<100032x128xf32, #tpu.memory_space<hbm>>) dst(%arg8 : memref<64x128xf32, #tpu.memory_space<vmem>>)
    %add3A_153 = arith.constant 0 : i32
    %add3A_154 = arith.addi %mul3A_2, %add3A_153 : i32
    %dma_start3A_155 = arith.constant 46 : i32
    %dma_start3A_156 = arith.constant 0 : i32
    %dma_start3A_157 = arith.constant 0 : i32
    %dma_start3A_158 = tpu.memref_slice %arg4[%dma_start3A_155, %dma_start3A_156, %dma_start3A_157] : memref<50x4096x128xf32, #tpu.memory_space<hbm>> -> memref<1x4096x128xf32, #tpu.memory_space<hbm>>
    %dma_start3A_159 = tpu.memref_squeeze %dma_start3A_158 : memref<1x4096x128xf32, #tpu.memory_space<hbm>> -> memref<4096x128xf32, #tpu.memory_space<hbm>>
    %dma_start3A_160 = arith.constant 0 : i32
    %dma_start3A_161 = tpu.memref_slice %dma_start3A_159[%add3A_154, %dma_start3A_160] : memref<4096x128xf32, #tpu.memory_space<hbm>> -> memref<64x128xf32, #tpu.memory_space<hbm>>
    %dma_start3A_162 = arith.constant 0 : i32
    %dma_start3A_163 = arith.constant 0 : i32
    %dma_start3A_164 = tpu.memref_slice %arg4[%dma_start3A_155, %dma_start3A_162, %dma_start3A_163] : memref<50x4096x128xf32, #tpu.memory_space<hbm>> -> memref<1x4096x128xf32, #tpu.memory_space<hbm>>
    %dma_start3A_165 = tpu.memref_squeeze %dma_start3A_164 : memref<1x4096x128xf32, #tpu.memory_space<hbm>> -> memref<4096x128xf32, #tpu.memory_space<hbm>>
    %dma_start3A_166 = arith.constant 0 : i32
    %dma_start3A_167 = tpu.memref_slice %dma_start3A_165[%add3A_154, %dma_start3A_166] : memref<4096x128xf32, #tpu.memory_space<hbm>> -> memref<64x128xf32, #tpu.memory_space<hbm>>
    tpu.enqueue_dma source(%arg8 : memref<64x128xf32, #tpu.memory_space<vmem>>) target(%dma_start3A_167 : memref<64x128xf32, #tpu.memory_space<hbm>>) target_semaphore(%arg28 : memref<!tpu.dma_semaphore, #tpu.memory_space<semaphore_mem>>)
    %dma_wait3A_168 = arith.constant 46 : i32
    %dma_wait3A_169 = arith.constant 0 : i32
    %dma_wait3A_170 = tpu.memref_slice %arg5[%dma_wait3A_168, %dma_wait3A_169] : memref<50x128xi32, #tpu.memory_space<vmem>> -> memref<1x128xi32, #tpu.memory_space<vmem>>
    %dma_wait3A_171 = tpu.memref_squeeze %dma_wait3A_170 : memref<1x128xi32, #tpu.memory_space<vmem>> -> memref<128xi32, #tpu.memory_space<vmem>>
    %dma_wait3A_172 = arith.constant 64 : i32
    %dma_wait3A_173 = tpu.memref_slice %dma_wait3A_171[%dma_wait3A_172] : memref<128xi32, #tpu.memory_space<vmem>> -> memref<64xi32, #tpu.memory_space<vmem>>
    %dma_wait3A_174 = arith.constant 0 : i32
    %dma_wait3A_175 = arith.constant 0 : i32
    %dma_wait3A_176 = tpu.memref_slice %arg3[%dma_wait3A_174, %dma_wait3A_175] : memref<100032x128xf32, #tpu.memory_space<hbm>> -> memref<100032x128xf32, #tpu.memory_space<hbm>>
    tpu.wait_indirect_dma semaphore(%arg19 : memref<!tpu.dma_semaphore, #tpu.memory_space<semaphore_mem>>) src(%dma_wait3A_176 : memref<100032x128xf32, #tpu.memory_space<hbm>>) dst(%arg9 : memref<64x128xf32, #tpu.memory_space<vmem>>)
    %add3A_177 = arith.constant 64 : i32
    %add3A_178 = arith.addi %mul3A_2, %add3A_177 : i32
    %dma_start3A_179 = arith.constant 46 : i32
    %dma_start3A_180 = arith.constant 0 : i32
    %dma_start3A_181 = arith.constant 0 : i32
    %dma_start3A_182 = tpu.memref_slice %arg4[%dma_start3A_179, %dma_start3A_180, %dma_start3A_181] : memref<50x4096x128xf32, #tpu.memory_space<hbm>> -> memref<1x4096x128xf32, #tpu.memory_space<hbm>>
    %dma_start3A_183 = tpu.memref_squeeze %dma_start3A_182 : memref<1x4096x128xf32, #tpu.memory_space<hbm>> -> memref<4096x128xf32, #tpu.memory_space<hbm>>
    %dma_start3A_184 = arith.constant 0 : i32
    %dma_start3A_185 = tpu.memref_slice %dma_start3A_183[%add3A_178, %dma_start3A_184] : memref<4096x128xf32, #tpu.memory_space<hbm>> -> memref<64x128xf32, #tpu.memory_space<hbm>>
    %dma_start3A_186 = arith.constant 0 : i32
    %dma_start3A_187 = arith.constant 0 : i32
    %dma_start3A_188 = tpu.memref_slice %arg4[%dma_start3A_179, %dma_start3A_186, %dma_start3A_187] : memref<50x4096x128xf32, #tpu.memory_space<hbm>> -> memref<1x4096x128xf32, #tpu.memory_space<hbm>>
    %dma_start3A_189 = tpu.memref_squeeze %dma_start3A_188 : memref<1x4096x128xf32, #tpu.memory_space<hbm>> -> memref<4096x128xf32, #tpu.memory_space<hbm>>
    %dma_start3A_190 = arith.constant 0 : i32
    %dma_start3A_191 = tpu.memref_slice %dma_start3A_189[%add3A_178, %dma_start3A_190] : memref<4096x128xf32, #tpu.memory_space<hbm>> -> memref<64x128xf32, #tpu.memory_space<hbm>>
    tpu.enqueue_dma source(%arg9 : memref<64x128xf32, #tpu.memory_space<vmem>>) target(%dma_start3A_191 : memref<64x128xf32, #tpu.memory_space<hbm>>) target_semaphore(%arg29 : memref<!tpu.dma_semaphore, #tpu.memory_space<semaphore_mem>>)
    %dma_wait3A_192 = arith.constant 47 : i32
    %dma_wait3A_193 = arith.constant 0 : i32
    %dma_wait3A_194 = tpu.memref_slice %arg5[%dma_wait3A_192, %dma_wait3A_193] : memref<50x128xi32, #tpu.memory_space<vmem>> -> memref<1x128xi32, #tpu.memory_space<vmem>>
    %dma_wait3A_195 = tpu.memref_squeeze %dma_wait3A_194 : memref<1x128xi32, #tpu.memory_space<vmem>> -> memref<128xi32, #tpu.memory_space<vmem>>
    %dma_wait3A_196 = arith.constant 0 : i32
    %dma_wait3A_197 = tpu.memref_slice %dma_wait3A_195[%dma_wait3A_196] : memref<128xi32, #tpu.memory_space<vmem>> -> memref<64xi32, #tpu.memory_space<vmem>>
    %dma_wait3A_198 = arith.constant 0 : i32
    %dma_wait3A_199 = arith.constant 0 : i32
    %dma_wait3A_200 = tpu.memref_slice %arg3[%dma_wait3A_198, %dma_wait3A_199] : memref<100032x128xf32, #tpu.memory_space<hbm>> -> memref<100032x128xf32, #tpu.memory_space<hbm>>
    tpu.wait_indirect_dma semaphore(%arg20 : memref<!tpu.dma_semaphore, #tpu.memory_space<semaphore_mem>>) src(%dma_wait3A_200 : memref<100032x128xf32, #tpu.memory_space<hbm>>) dst(%arg10 : memref<64x128xf32, #tpu.memory_space<vmem>>)
    %add3A_201 = arith.constant 0 : i32
    %add3A_202 = arith.addi %mul3A_2, %add3A_201 : i32
    %dma_start3A_203 = arith.constant 47 : i32
    %dma_start3A_204 = arith.constant 0 : i32
    %dma_start3A_205 = arith.constant 0 : i32
    %dma_start3A_206 = tpu.memref_slice %arg4[%dma_start3A_203, %dma_start3A_204, %dma_start3A_205] : memref<50x4096x128xf32, #tpu.memory_space<hbm>> -> memref<1x4096x128xf32, #tpu.memory_space<hbm>>
    %dma_start3A_207 = tpu.memref_squeeze %dma_start3A_206 : memref<1x4096x128xf32, #tpu.memory_space<hbm>> -> memref<4096x128xf32, #tpu.memory_space<hbm>>
    %dma_start3A_208 = arith.constant 0 : i32
    %dma_start3A_209 = tpu.memref_slice %dma_start3A_207[%add3A_202, %dma_start3A_208] : memref<4096x128xf32, #tpu.memory_space<hbm>> -> memref<64x128xf32, #tpu.memory_space<hbm>>
    %dma_start3A_210 = arith.constant 0 : i32
    %dma_start3A_211 = arith.constant 0 : i32
    %dma_start3A_212 = tpu.memref_slice %arg4[%dma_start3A_203, %dma_start3A_210, %dma_start3A_211] : memref<50x4096x128xf32, #tpu.memory_space<hbm>> -> memref<1x4096x128xf32, #tpu.memory_space<hbm>>
    %dma_start3A_213 = tpu.memref_squeeze %dma_start3A_212 : memref<1x4096x128xf32, #tpu.memory_space<hbm>> -> memref<4096x128xf32, #tpu.memory_space<hbm>>
    %dma_start3A_214 = arith.constant 0 : i32
    %dma_start3A_215 = tpu.memref_slice %dma_start3A_213[%add3A_202, %dma_start3A_214] : memref<4096x128xf32, #tpu.memory_space<hbm>> -> memref<64x128xf32, #tpu.memory_space<hbm>>
    tpu.enqueue_dma source(%arg10 : memref<64x128xf32, #tpu.memory_space<vmem>>) target(%dma_start3A_215 : memref<64x128xf32, #tpu.memory_space<hbm>>) target_semaphore(%arg30 : memref<!tpu.dma_semaphore, #tpu.memory_space<semaphore_mem>>)
    %dma_wait3A_216 = arith.constant 47 : i32
    %dma_wait3A_217 = arith.constant 0 : i32
    %dma_wait3A_218 = tpu.memref_slice %arg5[%dma_wait3A_216, %dma_wait3A_217] : memref<50x128xi32, #tpu.memory_space<vmem>> -> memref<1x128xi32, #tpu.memory_space<vmem>>
    %dma_wait3A_219 = tpu.memref_squeeze %dma_wait3A_218 : memref<1x128xi32, #tpu.memory_space<vmem>> -> memref<128xi32, #tpu.memory_space<vmem>>
    %dma_wait3A_220 = arith.constant 64 : i32
    %dma_wait3A_221 = tpu.memref_slice %dma_wait3A_219[%dma_wait3A_220] : memref<128xi32, #tpu.memory_space<vmem>> -> memref<64xi32, #tpu.memory_space<vmem>>
    %dma_wait3A_222 = arith.constant 0 : i32
    %dma_wait3A_223 = arith.constant 0 : i32
    %dma_wait3A_224 = tpu.memref_slice %arg3[%dma_wait3A_222, %dma_wait3A_223] : memref<100032x128xf32, #tpu.memory_space<hbm>> -> memref<100032x128xf32, #tpu.memory_space<hbm>>
    tpu.wait_indirect_dma semaphore(%arg21 : memref<!tpu.dma_semaphore, #tpu.memory_space<semaphore_mem>>) src(%dma_wait3A_224 : memref<100032x128xf32, #tpu.memory_space<hbm>>) dst(%arg11 : memref<64x128xf32, #tpu.memory_space<vmem>>)
    %add3A_225 = arith.constant 64 : i32
    %add3A_226 = arith.addi %mul3A_2, %add3A_225 : i32
    %dma_start3A_227 = arith.constant 47 : i32
    %dma_start3A_228 = arith.constant 0 : i32
    %dma_start3A_229 = arith.constant 0 : i32
    %dma_start3A_230 = tpu.memref_slice %arg4[%dma_start3A_227, %dma_start3A_228, %dma_start3A_229] : memref<50x4096x128xf32, #tpu.memory_space<hbm>> -> memref<1x4096x128xf32, #tpu.memory_space<hbm>>
    %dma_start3A_231 = tpu.memref_squeeze %dma_start3A_230 : memref<1x4096x128xf32, #tpu.memory_space<hbm>> -> memref<4096x128xf32, #tpu.memory_space<hbm>>
    %dma_start3A_232 = arith.constant 0 : i32
    %dma_start3A_233 = tpu.memref_slice %dma_start3A_231[%add3A_226, %dma_start3A_232] : memref<4096x128xf32, #tpu.memory_space<hbm>> -> memref<64x128xf32, #tpu.memory_space<hbm>>
    %dma_start3A_234 = arith.constant 0 : i32
    %dma_start3A_235 = arith.constant 0 : i32
    %dma_start3A_236 = tpu.memref_slice %arg4[%dma_start3A_227, %dma_start3A_234, %dma_start3A_235] : memref<50x4096x128xf32, #tpu.memory_space<hbm>> -> memref<1x4096x128xf32, #tpu.memory_space<hbm>>
    %dma_start3A_237 = tpu.memref_squeeze %dma_start3A_236 : memref<1x4096x128xf32, #tpu.memory_space<hbm>> -> memref<4096x128xf32, #tpu.memory_space<hbm>>
    %dma_start3A_238 = arith.constant 0 : i32
    %dma_start3A_239 = tpu.memref_slice %dma_start3A_237[%add3A_226, %dma_start3A_238] : memref<4096x128xf32, #tpu.memory_space<hbm>> -> memref<64x128xf32, #tpu.memory_space<hbm>>
    tpu.enqueue_dma source(%arg11 : memref<64x128xf32, #tpu.memory_space<vmem>>) target(%dma_start3A_239 : memref<64x128xf32, #tpu.memory_space<hbm>>) target_semaphore(%arg31 : memref<!tpu.dma_semaphore, #tpu.memory_space<semaphore_mem>>)
    %dma_wait3A_240 = arith.constant 48 : i32
    %dma_wait3A_241 = arith.constant 0 : i32
    %dma_wait3A_242 = tpu.memref_slice %arg5[%dma_wait3A_240, %dma_wait3A_241] : memref<50x128xi32, #tpu.memory_space<vmem>> -> memref<1x128xi32, #tpu.memory_space<vmem>>
    %dma_wait3A_243 = tpu.memref_squeeze %dma_wait3A_242 : memref<1x128xi32, #tpu.memory_space<vmem>> -> memref<128xi32, #tpu.memory_space<vmem>>
    %dma_wait3A_244 = arith.constant 0 : i32
    %dma_wait3A_245 = tpu.memref_slice %dma_wait3A_243[%dma_wait3A_244] : memref<128xi32, #tpu.memory_space<vmem>> -> memref<64xi32, #tpu.memory_space<vmem>>
    %dma_wait3A_246 = arith.constant 0 : i32
    %dma_wait3A_247 = arith.constant 0 : i32
    %dma_wait3A_248 = tpu.memref_slice %arg3[%dma_wait3A_246, %dma_wait3A_247] : memref<100032x128xf32, #tpu.memory_space<hbm>> -> memref<100032x128xf32, #tpu.memory_space<hbm>>
    tpu.wait_indirect_dma semaphore(%arg22 : memref<!tpu.dma_semaphore, #tpu.memory_space<semaphore_mem>>) src(%dma_wait3A_248 : memref<100032x128xf32, #tpu.memory_space<hbm>>) dst(%arg12 : memref<64x128xf32, #tpu.memory_space<vmem>>)
    %add3A_249 = arith.constant 0 : i32
    %add3A_250 = arith.addi %mul3A_2, %add3A_249 : i32
    %dma_start3A_251 = arith.constant 48 : i32
    %dma_start3A_252 = arith.constant 0 : i32
    %dma_start3A_253 = arith.constant 0 : i32
    %dma_start3A_254 = tpu.memref_slice %arg4[%dma_start3A_251, %dma_start3A_252, %dma_start3A_253] : memref<50x4096x128xf32, #tpu.memory_space<hbm>> -> memref<1x4096x128xf32, #tpu.memory_space<hbm>>
    %dma_start3A_255 = tpu.memref_squeeze %dma_start3A_254 : memref<1x4096x128xf32, #tpu.memory_space<hbm>> -> memref<4096x128xf32, #tpu.memory_space<hbm>>
    %dma_start3A_256 = arith.constant 0 : i32
    %dma_start3A_257 = tpu.memref_slice %dma_start3A_255[%add3A_250, %dma_start3A_256] : memref<4096x128xf32, #tpu.memory_space<hbm>> -> memref<64x128xf32, #tpu.memory_space<hbm>>
    %dma_start3A_258 = arith.constant 0 : i32
    %dma_start3A_259 = arith.constant 0 : i32
    %dma_start3A_260 = tpu.memref_slice %arg4[%dma_start3A_251, %dma_start3A_258, %dma_start3A_259] : memref<50x4096x128xf32, #tpu.memory_space<hbm>> -> memref<1x4096x128xf32, #tpu.memory_space<hbm>>
    %dma_start3A_261 = tpu.memref_squeeze %dma_start3A_260 : memref<1x4096x128xf32, #tpu.memory_space<hbm>> -> memref<4096x128xf32, #tpu.memory_space<hbm>>
    %dma_start3A_262 = arith.constant 0 : i32
    %dma_start3A_263 = tpu.memref_slice %dma_start3A_261[%add3A_250, %dma_start3A_262] : memref<4096x128xf32, #tpu.memory_space<hbm>> -> memref<64x128xf32, #tpu.memory_space<hbm>>
    tpu.enqueue_dma source(%arg12 : memref<64x128xf32, #tpu.memory_space<vmem>>) target(%dma_start3A_263 : memref<64x128xf32, #tpu.memory_space<hbm>>) target_semaphore(%arg32 : memref<!tpu.dma_semaphore, #tpu.memory_space<semaphore_mem>>)
    %dma_wait3A_264 = arith.constant 48 : i32
    %dma_wait3A_265 = arith.constant 0 : i32
    %dma_wait3A_266 = tpu.memref_slice %arg5[%dma_wait3A_264, %dma_wait3A_265] : memref<50x128xi32, #tpu.memory_space<vmem>> -> memref<1x128xi32, #tpu.memory_space<vmem>>
    %dma_wait3A_267 = tpu.memref_squeeze %dma_wait3A_266 : memref<1x128xi32, #tpu.memory_space<vmem>> -> memref<128xi32, #tpu.memory_space<vmem>>
    %dma_wait3A_268 = arith.constant 64 : i32
    %dma_wait3A_269 = tpu.memref_slice %dma_wait3A_267[%dma_wait3A_268] : memref<128xi32, #tpu.memory_space<vmem>> -> memref<64xi32, #tpu.memory_space<vmem>>
    %dma_wait3A_270 = arith.constant 0 : i32
    %dma_wait3A_271 = arith.constant 0 : i32
    %dma_wait3A_272 = tpu.memref_slice %arg3[%dma_wait3A_270, %dma_wait3A_271] : memref<100032x128xf32, #tpu.memory_space<hbm>> -> memref<100032x128xf32, #tpu.memory_space<hbm>>
    tpu.wait_indirect_dma semaphore(%arg23 : memref<!tpu.dma_semaphore, #tpu.memory_space<semaphore_mem>>) src(%dma_wait3A_272 : memref<100032x128xf32, #tpu.memory_space<hbm>>) dst(%arg13 : memref<64x128xf32, #tpu.memory_space<vmem>>)
    %add3A_273 = arith.constant 64 : i32
    %add3A_274 = arith.addi %mul3A_2, %add3A_273 : i32
    %dma_start3A_275 = arith.constant 48 : i32
    %dma_start3A_276 = arith.constant 0 : i32
    %dma_start3A_277 = arith.constant 0 : i32
    %dma_start3A_278 = tpu.memref_slice %arg4[%dma_start3A_275, %dma_start3A_276, %dma_start3A_277] : memref<50x4096x128xf32, #tpu.memory_space<hbm>> -> memref<1x4096x128xf32, #tpu.memory_space<hbm>>
    %dma_start3A_279 = tpu.memref_squeeze %dma_start3A_278 : memref<1x4096x128xf32, #tpu.memory_space<hbm>> -> memref<4096x128xf32, #tpu.memory_space<hbm>>
    %dma_start3A_280 = arith.constant 0 : i32
    %dma_start3A_281 = tpu.memref_slice %dma_start3A_279[%add3A_274, %dma_start3A_280] : memref<4096x128xf32, #tpu.memory_space<hbm>> -> memref<64x128xf32, #tpu.memory_space<hbm>>
    %dma_start3A_282 = arith.constant 0 : i32
    %dma_start3A_283 = arith.constant 0 : i32
    %dma_start3A_284 = tpu.memref_slice %arg4[%dma_start3A_275, %dma_start3A_282, %dma_start3A_283] : memref<50x4096x128xf32, #tpu.memory_space<hbm>> -> memref<1x4096x128xf32, #tpu.memory_space<hbm>>
    %dma_start3A_285 = tpu.memref_squeeze %dma_start3A_284 : memref<1x4096x128xf32, #tpu.memory_space<hbm>> -> memref<4096x128xf32, #tpu.memory_space<hbm>>
    %dma_start3A_286 = arith.constant 0 : i32
    %dma_start3A_287 = tpu.memref_slice %dma_start3A_285[%add3A_274, %dma_start3A_286] : memref<4096x128xf32, #tpu.memory_space<hbm>> -> memref<64x128xf32, #tpu.memory_space<hbm>>
    tpu.enqueue_dma source(%arg13 : memref<64x128xf32, #tpu.memory_space<vmem>>) target(%dma_start3A_287 : memref<64x128xf32, #tpu.memory_space<hbm>>) target_semaphore(%arg33 : memref<!tpu.dma_semaphore, #tpu.memory_space<semaphore_mem>>)
    %dma_wait3A_288 = arith.constant 49 : i32
    %dma_wait3A_289 = arith.constant 0 : i32
    %dma_wait3A_290 = tpu.memref_slice %arg5[%dma_wait3A_288, %dma_wait3A_289] : memref<50x128xi32, #tpu.memory_space<vmem>> -> memref<1x128xi32, #tpu.memory_space<vmem>>
    %dma_wait3A_291 = tpu.memref_squeeze %dma_wait3A_290 : memref<1x128xi32, #tpu.memory_space<vmem>> -> memref<128xi32, #tpu.memory_space<vmem>>
    %dma_wait3A_292 = arith.constant 0 : i32
    %dma_wait3A_293 = tpu.memref_slice %dma_wait3A_291[%dma_wait3A_292] : memref<128xi32, #tpu.memory_space<vmem>> -> memref<64xi32, #tpu.memory_space<vmem>>
    %dma_wait3A_294 = arith.constant 0 : i32
    %dma_wait3A_295 = arith.constant 0 : i32
    %dma_wait3A_296 = tpu.memref_slice %arg3[%dma_wait3A_294, %dma_wait3A_295] : memref<100032x128xf32, #tpu.memory_space<hbm>> -> memref<100032x128xf32, #tpu.memory_space<hbm>>
    tpu.wait_indirect_dma semaphore(%arg24 : memref<!tpu.dma_semaphore, #tpu.memory_space<semaphore_mem>>) src(%dma_wait3A_296 : memref<100032x128xf32, #tpu.memory_space<hbm>>) dst(%arg14 : memref<64x128xf32, #tpu.memory_space<vmem>>)
    %add3A_297 = arith.constant 0 : i32
    %add3A_298 = arith.addi %mul3A_2, %add3A_297 : i32
    %dma_start3A_299 = arith.constant 49 : i32
    %dma_start3A_300 = arith.constant 0 : i32
    %dma_start3A_301 = arith.constant 0 : i32
    %dma_start3A_302 = tpu.memref_slice %arg4[%dma_start3A_299, %dma_start3A_300, %dma_start3A_301] : memref<50x4096x128xf32, #tpu.memory_space<hbm>> -> memref<1x4096x128xf32, #tpu.memory_space<hbm>>
    %dma_start3A_303 = tpu.memref_squeeze %dma_start3A_302 : memref<1x4096x128xf32, #tpu.memory_space<hbm>> -> memref<4096x128xf32, #tpu.memory_space<hbm>>
    %dma_start3A_304 = arith.constant 0 : i32
    %dma_start3A_305 = tpu.memref_slice %dma_start3A_303[%add3A_298, %dma_start3A_304] : memref<4096x128xf32, #tpu.memory_space<hbm>> -> memref<64x128xf32, #tpu.memory_space<hbm>>
    %dma_start3A_306 = arith.constant 0 : i32
    %dma_start3A_307 = arith.constant 0 : i32
    %dma_start3A_308 = tpu.memref_slice %arg4[%dma_start3A_299, %dma_start3A_306, %dma_start3A_307] : memref<50x4096x128xf32, #tpu.memory_space<hbm>> -> memref<1x4096x128xf32, #tpu.memory_space<hbm>>
    %dma_start3A_309 = tpu.memref_squeeze %dma_start3A_308 : memref<1x4096x128xf32, #tpu.memory_space<hbm>> -> memref<4096x128xf32, #tpu.memory_space<hbm>>
    %dma_start3A_310 = arith.constant 0 : i32
    %dma_start3A_311 = tpu.memref_slice %dma_start3A_309[%add3A_298, %dma_start3A_310] : memref<4096x128xf32, #tpu.memory_space<hbm>> -> memref<64x128xf32, #tpu.memory_space<hbm>>
    tpu.enqueue_dma source(%arg14 : memref<64x128xf32, #tpu.memory_space<vmem>>) target(%dma_start3A_311 : memref<64x128xf32, #tpu.memory_space<hbm>>) target_semaphore(%arg34 : memref<!tpu.dma_semaphore, #tpu.memory_space<semaphore_mem>>)
    %dma_wait3A_312 = arith.constant 49 : i32
    %dma_wait3A_313 = arith.constant 0 : i32
    %dma_wait3A_314 = tpu.memref_slice %arg5[%dma_wait3A_312, %dma_wait3A_313] : memref<50x128xi32, #tpu.memory_space<vmem>> -> memref<1x128xi32, #tpu.memory_space<vmem>>
    %dma_wait3A_315 = tpu.memref_squeeze %dma_wait3A_314 : memref<1x128xi32, #tpu.memory_space<vmem>> -> memref<128xi32, #tpu.memory_space<vmem>>
    %dma_wait3A_316 = arith.constant 64 : i32
    %dma_wait3A_317 = tpu.memref_slice %dma_wait3A_315[%dma_wait3A_316] : memref<128xi32, #tpu.memory_space<vmem>> -> memref<64xi32, #tpu.memory_space<vmem>>
    %dma_wait3A_318 = arith.constant 0 : i32
    %dma_wait3A_319 = arith.constant 0 : i32
    %dma_wait3A_320 = tpu.memref_slice %arg3[%dma_wait3A_318, %dma_wait3A_319] : memref<100032x128xf32, #tpu.memory_space<hbm>> -> memref<100032x128xf32, #tpu.memory_space<hbm>>
    tpu.wait_indirect_dma semaphore(%arg25 : memref<!tpu.dma_semaphore, #tpu.memory_space<semaphore_mem>>) src(%dma_wait3A_320 : memref<100032x128xf32, #tpu.memory_space<hbm>>) dst(%arg15 : memref<64x128xf32, #tpu.memory_space<vmem>>)
    %add3A_321 = arith.constant 64 : i32
    %add3A_322 = arith.addi %mul3A_2, %add3A_321 : i32
    %dma_start3A_323 = arith.constant 49 : i32
    %dma_start3A_324 = arith.constant 0 : i32
    %dma_start3A_325 = arith.constant 0 : i32
    %dma_start3A_326 = tpu.memref_slice %arg4[%dma_start3A_323, %dma_start3A_324, %dma_start3A_325] : memref<50x4096x128xf32, #tpu.memory_space<hbm>> -> memref<1x4096x128xf32, #tpu.memory_space<hbm>>
    %dma_start3A_327 = tpu.memref_squeeze %dma_start3A_326 : memref<1x4096x128xf32, #tpu.memory_space<hbm>> -> memref<4096x128xf32, #tpu.memory_space<hbm>>
    %dma_start3A_328 = arith.constant 0 : i32
    %dma_start3A_329 = tpu.memref_slice %dma_start3A_327[%add3A_322, %dma_start3A_328] : memref<4096x128xf32, #tpu.memory_space<hbm>> -> memref<64x128xf32, #tpu.memory_space<hbm>>
    %dma_start3A_330 = arith.constant 0 : i32
    %dma_start3A_331 = arith.constant 0 : i32
    %dma_start3A_332 = tpu.memref_slice %arg4[%dma_start3A_323, %dma_start3A_330, %dma_start3A_331] : memref<50x4096x128xf32, #tpu.memory_space<hbm>> -> memref<1x4096x128xf32, #tpu.memory_space<hbm>>
    %dma_start3A_333 = tpu.memref_squeeze %dma_start3A_332 : memref<1x4096x128xf32, #tpu.memory_space<hbm>> -> memref<4096x128xf32, #tpu.memory_space<hbm>>
    %dma_start3A_334 = arith.constant 0 : i32
    %dma_start3A_335 = tpu.memref_slice %dma_start3A_333[%add3A_322, %dma_start3A_334] : memref<4096x128xf32, #tpu.memory_space<hbm>> -> memref<64x128xf32, #tpu.memory_space<hbm>>
    tpu.enqueue_dma source(%arg15 : memref<64x128xf32, #tpu.memory_space<vmem>>) target(%dma_start3A_335 : memref<64x128xf32, #tpu.memory_space<hbm>>) target_semaphore(%arg35 : memref<!tpu.dma_semaphore, #tpu.memory_space<semaphore_mem>>)
    %add3A_336 = arith.constant 0 : i32
    %add3A_337 = arith.addi %mul3A_2, %add3A_336 : i32
    %dma_wait3A_338 = arith.constant 45 : i32
    %dma_wait3A_339 = arith.constant 0 : i32
    %dma_wait3A_340 = arith.constant 0 : i32
    %dma_wait3A_341 = tpu.memref_slice %arg4[%dma_wait3A_338, %dma_wait3A_339, %dma_wait3A_340] : memref<50x4096x128xf32, #tpu.memory_space<hbm>> -> memref<1x4096x128xf32, #tpu.memory_space<hbm>>
    %dma_wait3A_342 = tpu.memref_squeeze %dma_wait3A_341 : memref<1x4096x128xf32, #tpu.memory_space<hbm>> -> memref<4096x128xf32, #tpu.memory_space<hbm>>
    %dma_wait3A_343 = arith.constant 0 : i32
    %dma_wait3A_344 = tpu.memref_slice %dma_wait3A_342[%add3A_337, %dma_wait3A_343] : memref<4096x128xf32, #tpu.memory_space<hbm>> -> memref<64x128xf32, #tpu.memory_space<hbm>>
    %dma_wait3A_345 = arith.constant 0 : i32
    %dma_wait3A_346 = arith.constant 0 : i32
    %dma_wait3A_347 = tpu.memref_slice %arg4[%dma_wait3A_338, %dma_wait3A_345, %dma_wait3A_346] : memref<50x4096x128xf32, #tpu.memory_space<hbm>> -> memref<1x4096x128xf32, #tpu.memory_space<hbm>>
    %dma_wait3A_348 = tpu.memref_squeeze %dma_wait3A_347 : memref<1x4096x128xf32, #tpu.memory_space<hbm>> -> memref<4096x128xf32, #tpu.memory_space<hbm>>
    %dma_wait3A_349 = arith.constant 0 : i32
    %dma_wait3A_350 = tpu.memref_slice %dma_wait3A_348[%add3A_337, %dma_wait3A_349] : memref<4096x128xf32, #tpu.memory_space<hbm>> -> memref<64x128xf32, #tpu.memory_space<hbm>>
    tpu.wait_dma2 semaphore(%arg26 : memref<!tpu.dma_semaphore, #tpu.memory_space<semaphore_mem>>) src(%arg6 : memref<64x128xf32, #tpu.memory_space<vmem>>) dst(%dma_wait3A_350 : memref<64x128xf32, #tpu.memory_space<hbm>>)
    %add3A_351 = arith.constant 64 : i32
    %add3A_352 = arith.addi %mul3A_2, %add3A_351 : i32
    %dma_wait3A_353 = arith.constant 45 : i32
    %dma_wait3A_354 = arith.constant 0 : i32
    %dma_wait3A_355 = arith.constant 0 : i32
    %dma_wait3A_356 = tpu.memref_slice %arg4[%dma_wait3A_353, %dma_wait3A_354, %dma_wait3A_355] : memref<50x4096x128xf32, #tpu.memory_space<hbm>> -> memref<1x4096x128xf32, #tpu.memory_space<hbm>>
    %dma_wait3A_357 = tpu.memref_squeeze %dma_wait3A_356 : memref<1x4096x128xf32, #tpu.memory_space<hbm>> -> memref<4096x128xf32, #tpu.memory_space<hbm>>
    %dma_wait3A_358 = arith.constant 0 : i32
    %dma_wait3A_359 = tpu.memref_slice %dma_wait3A_357[%add3A_352, %dma_wait3A_358] : memref<4096x128xf32, #tpu.memory_space<hbm>> -> memref<64x128xf32, #tpu.memory_space<hbm>>
    %dma_wait3A_360 = arith.constant 0 : i32
    %dma_wait3A_361 = arith.constant 0 : i32
    %dma_wait3A_362 = tpu.memref_slice %arg4[%dma_wait3A_353, %dma_wait3A_360, %dma_wait3A_361] : memref<50x4096x128xf32, #tpu.memory_space<hbm>> -> memref<1x4096x128xf32, #tpu.memory_space<hbm>>
    %dma_wait3A_363 = tpu.memref_squeeze %dma_wait3A_362 : memref<1x4096x128xf32, #tpu.memory_space<hbm>> -> memref<4096x128xf32, #tpu.memory_space<hbm>>
    %dma_wait3A_364 = arith.constant 0 : i32
    %dma_wait3A_365 = tpu.memref_slice %dma_wait3A_363[%add3A_352, %dma_wait3A_364] : memref<4096x128xf32, #tpu.memory_space<hbm>> -> memref<64x128xf32, #tpu.memory_space<hbm>>
    tpu.wait_dma2 semaphore(%arg27 : memref<!tpu.dma_semaphore, #tpu.memory_space<semaphore_mem>>) src(%arg7 : memref<64x128xf32, #tpu.memory_space<vmem>>) dst(%dma_wait3A_365 : memref<64x128xf32, #tpu.memory_space<hbm>>)
    %add3A_366 = arith.constant 0 : i32
    %add3A_367 = arith.addi %mul3A_2, %add3A_366 : i32
    %dma_wait3A_368 = arith.constant 46 : i32
    %dma_wait3A_369 = arith.constant 0 : i32
    %dma_wait3A_370 = arith.constant 0 : i32
    %dma_wait3A_371 = tpu.memref_slice %arg4[%dma_wait3A_368, %dma_wait3A_369, %dma_wait3A_370] : memref<50x4096x128xf32, #tpu.memory_space<hbm>> -> memref<1x4096x128xf32, #tpu.memory_space<hbm>>
    %dma_wait3A_372 = tpu.memref_squeeze %dma_wait3A_371 : memref<1x4096x128xf32, #tpu.memory_space<hbm>> -> memref<4096x128xf32, #tpu.memory_space<hbm>>
    %dma_wait3A_373 = arith.constant 0 : i32
    %dma_wait3A_374 = tpu.memref_slice %dma_wait3A_372[%add3A_367, %dma_wait3A_373] : memref<4096x128xf32, #tpu.memory_space<hbm>> -> memref<64x128xf32, #tpu.memory_space<hbm>>
    %dma_wait3A_375 = arith.constant 0 : i32
    %dma_wait3A_376 = arith.constant 0 : i32
    %dma_wait3A_377 = tpu.memref_slice %arg4[%dma_wait3A_368, %dma_wait3A_375, %dma_wait3A_376] : memref<50x4096x128xf32, #tpu.memory_space<hbm>> -> memref<1x4096x128xf32, #tpu.memory_space<hbm>>
    %dma_wait3A_378 = tpu.memref_squeeze %dma_wait3A_377 : memref<1x4096x128xf32, #tpu.memory_space<hbm>> -> memref<4096x128xf32, #tpu.memory_space<hbm>>
    %dma_wait3A_379 = arith.constant 0 : i32
    %dma_wait3A_380 = tpu.memref_slice %dma_wait3A_378[%add3A_367, %dma_wait3A_379] : memref<4096x128xf32, #tpu.memory_space<hbm>> -> memref<64x128xf32, #tpu.memory_space<hbm>>
    tpu.wait_dma2 semaphore(%arg28 : memref<!tpu.dma_semaphore, #tpu.memory_space<semaphore_mem>>) src(%arg8 : memref<64x128xf32, #tpu.memory_space<vmem>>) dst(%dma_wait3A_380 : memref<64x128xf32, #tpu.memory_space<hbm>>)
    %add3A_381 = arith.constant 64 : i32
    %add3A_382 = arith.addi %mul3A_2, %add3A_381 : i32
    %dma_wait3A_383 = arith.constant 46 : i32
    %dma_wait3A_384 = arith.constant 0 : i32
    %dma_wait3A_385 = arith.constant 0 : i32
    %dma_wait3A_386 = tpu.memref_slice %arg4[%dma_wait3A_383, %dma_wait3A_384, %dma_wait3A_385] : memref<50x4096x128xf32, #tpu.memory_space<hbm>> -> memref<1x4096x128xf32, #tpu.memory_space<hbm>>
    %dma_wait3A_387 = tpu.memref_squeeze %dma_wait3A_386 : memref<1x4096x128xf32, #tpu.memory_space<hbm>> -> memref<4096x128xf32, #tpu.memory_space<hbm>>
    %dma_wait3A_388 = arith.constant 0 : i32
    %dma_wait3A_389 = tpu.memref_slice %dma_wait3A_387[%add3A_382, %dma_wait3A_388] : memref<4096x128xf32, #tpu.memory_space<hbm>> -> memref<64x128xf32, #tpu.memory_space<hbm>>
    %dma_wait3A_390 = arith.constant 0 : i32
    %dma_wait3A_391 = arith.constant 0 : i32
    %dma_wait3A_392 = tpu.memref_slice %arg4[%dma_wait3A_383, %dma_wait3A_390, %dma_wait3A_391] : memref<50x4096x128xf32, #tpu.memory_space<hbm>> -> memref<1x4096x128xf32, #tpu.memory_space<hbm>>
    %dma_wait3A_393 = tpu.memref_squeeze %dma_wait3A_392 : memref<1x4096x128xf32, #tpu.memory_space<hbm>> -> memref<4096x128xf32, #tpu.memory_space<hbm>>
    %dma_wait3A_394 = arith.constant 0 : i32
    %dma_wait3A_395 = tpu.memref_slice %dma_wait3A_393[%add3A_382, %dma_wait3A_394] : memref<4096x128xf32, #tpu.memory_space<hbm>> -> memref<64x128xf32, #tpu.memory_space<hbm>>
    tpu.wait_dma2 semaphore(%arg29 : memref<!tpu.dma_semaphore, #tpu.memory_space<semaphore_mem>>) src(%arg9 : memref<64x128xf32, #tpu.memory_space<vmem>>) dst(%dma_wait3A_395 : memref<64x128xf32, #tpu.memory_space<hbm>>)
    %add3A_396 = arith.constant 0 : i32
    %add3A_397 = arith.addi %mul3A_2, %add3A_396 : i32
    %dma_wait3A_398 = arith.constant 47 : i32
    %dma_wait3A_399 = arith.constant 0 : i32
    %dma_wait3A_400 = arith.constant 0 : i32
    %dma_wait3A_401 = tpu.memref_slice %arg4[%dma_wait3A_398, %dma_wait3A_399, %dma_wait3A_400] : memref<50x4096x128xf32, #tpu.memory_space<hbm>> -> memref<1x4096x128xf32, #tpu.memory_space<hbm>>
    %dma_wait3A_402 = tpu.memref_squeeze %dma_wait3A_401 : memref<1x4096x128xf32, #tpu.memory_space<hbm>> -> memref<4096x128xf32, #tpu.memory_space<hbm>>
    %dma_wait3A_403 = arith.constant 0 : i32
    %dma_wait3A_404 = tpu.memref_slice %dma_wait3A_402[%add3A_397, %dma_wait3A_403] : memref<4096x128xf32, #tpu.memory_space<hbm>> -> memref<64x128xf32, #tpu.memory_space<hbm>>
    %dma_wait3A_405 = arith.constant 0 : i32
    %dma_wait3A_406 = arith.constant 0 : i32
    %dma_wait3A_407 = tpu.memref_slice %arg4[%dma_wait3A_398, %dma_wait3A_405, %dma_wait3A_406] : memref<50x4096x128xf32, #tpu.memory_space<hbm>> -> memref<1x4096x128xf32, #tpu.memory_space<hbm>>
    %dma_wait3A_408 = tpu.memref_squeeze %dma_wait3A_407 : memref<1x4096x128xf32, #tpu.memory_space<hbm>> -> memref<4096x128xf32, #tpu.memory_space<hbm>>
    %dma_wait3A_409 = arith.constant 0 : i32
    %dma_wait3A_410 = tpu.memref_slice %dma_wait3A_408[%add3A_397, %dma_wait3A_409] : memref<4096x128xf32, #tpu.memory_space<hbm>> -> memref<64x128xf32, #tpu.memory_space<hbm>>
    tpu.wait_dma2 semaphore(%arg30 : memref<!tpu.dma_semaphore, #tpu.memory_space<semaphore_mem>>) src(%arg10 : memref<64x128xf32, #tpu.memory_space<vmem>>) dst(%dma_wait3A_410 : memref<64x128xf32, #tpu.memory_space<hbm>>)
    %add3A_411 = arith.constant 64 : i32
    %add3A_412 = arith.addi %mul3A_2, %add3A_411 : i32
    %dma_wait3A_413 = arith.constant 47 : i32
    %dma_wait3A_414 = arith.constant 0 : i32
    %dma_wait3A_415 = arith.constant 0 : i32
    %dma_wait3A_416 = tpu.memref_slice %arg4[%dma_wait3A_413, %dma_wait3A_414, %dma_wait3A_415] : memref<50x4096x128xf32, #tpu.memory_space<hbm>> -> memref<1x4096x128xf32, #tpu.memory_space<hbm>>
    %dma_wait3A_417 = tpu.memref_squeeze %dma_wait3A_416 : memref<1x4096x128xf32, #tpu.memory_space<hbm>> -> memref<4096x128xf32, #tpu.memory_space<hbm>>
    %dma_wait3A_418 = arith.constant 0 : i32
    %dma_wait3A_419 = tpu.memref_slice %dma_wait3A_417[%add3A_412, %dma_wait3A_418] : memref<4096x128xf32, #tpu.memory_space<hbm>> -> memref<64x128xf32, #tpu.memory_space<hbm>>
    %dma_wait3A_420 = arith.constant 0 : i32
    %dma_wait3A_421 = arith.constant 0 : i32
    %dma_wait3A_422 = tpu.memref_slice %arg4[%dma_wait3A_413, %dma_wait3A_420, %dma_wait3A_421] : memref<50x4096x128xf32, #tpu.memory_space<hbm>> -> memref<1x4096x128xf32, #tpu.memory_space<hbm>>
    %dma_wait3A_423 = tpu.memref_squeeze %dma_wait3A_422 : memref<1x4096x128xf32, #tpu.memory_space<hbm>> -> memref<4096x128xf32, #tpu.memory_space<hbm>>
    %dma_wait3A_424 = arith.constant 0 : i32
    %dma_wait3A_425 = tpu.memref_slice %dma_wait3A_423[%add3A_412, %dma_wait3A_424] : memref<4096x128xf32, #tpu.memory_space<hbm>> -> memref<64x128xf32, #tpu.memory_space<hbm>>
    tpu.wait_dma2 semaphore(%arg31 : memref<!tpu.dma_semaphore, #tpu.memory_space<semaphore_mem>>) src(%arg11 : memref<64x128xf32, #tpu.memory_space<vmem>>) dst(%dma_wait3A_425 : memref<64x128xf32, #tpu.memory_space<hbm>>)
    %add3A_426 = arith.constant 0 : i32
    %add3A_427 = arith.addi %mul3A_2, %add3A_426 : i32
    %dma_wait3A_428 = arith.constant 48 : i32
    %dma_wait3A_429 = arith.constant 0 : i32
    %dma_wait3A_430 = arith.constant 0 : i32
    %dma_wait3A_431 = tpu.memref_slice %arg4[%dma_wait3A_428, %dma_wait3A_429, %dma_wait3A_430] : memref<50x4096x128xf32, #tpu.memory_space<hbm>> -> memref<1x4096x128xf32, #tpu.memory_space<hbm>>
    %dma_wait3A_432 = tpu.memref_squeeze %dma_wait3A_431 : memref<1x4096x128xf32, #tpu.memory_space<hbm>> -> memref<4096x128xf32, #tpu.memory_space<hbm>>
    %dma_wait3A_433 = arith.constant 0 : i32
    %dma_wait3A_434 = tpu.memref_slice %dma_wait3A_432[%add3A_427, %dma_wait3A_433] : memref<4096x128xf32, #tpu.memory_space<hbm>> -> memref<64x128xf32, #tpu.memory_space<hbm>>
    %dma_wait3A_435 = arith.constant 0 : i32
    %dma_wait3A_436 = arith.constant 0 : i32
    %dma_wait3A_437 = tpu.memref_slice %arg4[%dma_wait3A_428, %dma_wait3A_435, %dma_wait3A_436] : memref<50x4096x128xf32, #tpu.memory_space<hbm>> -> memref<1x4096x128xf32, #tpu.memory_space<hbm>>
    %dma_wait3A_438 = tpu.memref_squeeze %dma_wait3A_437 : memref<1x4096x128xf32, #tpu.memory_space<hbm>> -> memref<4096x128xf32, #tpu.memory_space<hbm>>
    %dma_wait3A_439 = arith.constant 0 : i32
    %dma_wait3A_440 = tpu.memref_slice %dma_wait3A_438[%add3A_427, %dma_wait3A_439] : memref<4096x128xf32, #tpu.memory_space<hbm>> -> memref<64x128xf32, #tpu.memory_space<hbm>>
    tpu.wait_dma2 semaphore(%arg32 : memref<!tpu.dma_semaphore, #tpu.memory_space<semaphore_mem>>) src(%arg12 : memref<64x128xf32, #tpu.memory_space<vmem>>) dst(%dma_wait3A_440 : memref<64x128xf32, #tpu.memory_space<hbm>>)
    %add3A_441 = arith.constant 64 : i32
    %add3A_442 = arith.addi %mul3A_2, %add3A_441 : i32
    %dma_wait3A_443 = arith.constant 48 : i32
    %dma_wait3A_444 = arith.constant 0 : i32
    %dma_wait3A_445 = arith.constant 0 : i32
    %dma_wait3A_446 = tpu.memref_slice %arg4[%dma_wait3A_443, %dma_wait3A_444, %dma_wait3A_445] : memref<50x4096x128xf32, #tpu.memory_space<hbm>> -> memref<1x4096x128xf32, #tpu.memory_space<hbm>>
    %dma_wait3A_447 = tpu.memref_squeeze %dma_wait3A_446 : memref<1x4096x128xf32, #tpu.memory_space<hbm>> -> memref<4096x128xf32, #tpu.memory_space<hbm>>
    %dma_wait3A_448 = arith.constant 0 : i32
    %dma_wait3A_449 = tpu.memref_slice %dma_wait3A_447[%add3A_442, %dma_wait3A_448] : memref<4096x128xf32, #tpu.memory_space<hbm>> -> memref<64x128xf32, #tpu.memory_space<hbm>>
    %dma_wait3A_450 = arith.constant 0 : i32
    %dma_wait3A_451 = arith.constant 0 : i32
    %dma_wait3A_452 = tpu.memref_slice %arg4[%dma_wait3A_443, %dma_wait3A_450, %dma_wait3A_451] : memref<50x4096x128xf32, #tpu.memory_space<hbm>> -> memref<1x4096x128xf32, #tpu.memory_space<hbm>>
    %dma_wait3A_453 = tpu.memref_squeeze %dma_wait3A_452 : memref<1x4096x128xf32, #tpu.memory_space<hbm>> -> memref<4096x128xf32, #tpu.memory_space<hbm>>
    %dma_wait3A_454 = arith.constant 0 : i32
    %dma_wait3A_455 = tpu.memref_slice %dma_wait3A_453[%add3A_442, %dma_wait3A_454] : memref<4096x128xf32, #tpu.memory_space<hbm>> -> memref<64x128xf32, #tpu.memory_space<hbm>>
    tpu.wait_dma2 semaphore(%arg33 : memref<!tpu.dma_semaphore, #tpu.memory_space<semaphore_mem>>) src(%arg13 : memref<64x128xf32, #tpu.memory_space<vmem>>) dst(%dma_wait3A_455 : memref<64x128xf32, #tpu.memory_space<hbm>>)
    %add3A_456 = arith.constant 0 : i32
    %add3A_457 = arith.addi %mul3A_2, %add3A_456 : i32
    %dma_wait3A_458 = arith.constant 49 : i32
    %dma_wait3A_459 = arith.constant 0 : i32
    %dma_wait3A_460 = arith.constant 0 : i32
    %dma_wait3A_461 = tpu.memref_slice %arg4[%dma_wait3A_458, %dma_wait3A_459, %dma_wait3A_460] : memref<50x4096x128xf32, #tpu.memory_space<hbm>> -> memref<1x4096x128xf32, #tpu.memory_space<hbm>>
    %dma_wait3A_462 = tpu.memref_squeeze %dma_wait3A_461 : memref<1x4096x128xf32, #tpu.memory_space<hbm>> -> memref<4096x128xf32, #tpu.memory_space<hbm>>
    %dma_wait3A_463 = arith.constant 0 : i32
    %dma_wait3A_464 = tpu.memref_slice %dma_wait3A_462[%add3A_457, %dma_wait3A_463] : memref<4096x128xf32, #tpu.memory_space<hbm>> -> memref<64x128xf32, #tpu.memory_space<hbm>>
    %dma_wait3A_465 = arith.constant 0 : i32
    %dma_wait3A_466 = arith.constant 0 : i32
    %dma_wait3A_467 = tpu.memref_slice %arg4[%dma_wait3A_458, %dma_wait3A_465, %dma_wait3A_466] : memref<50x4096x128xf32, #tpu.memory_space<hbm>> -> memref<1x4096x128xf32, #tpu.memory_space<hbm>>
    %dma_wait3A_468 = tpu.memref_squeeze %dma_wait3A_467 : memref<1x4096x128xf32, #tpu.memory_space<hbm>> -> memref<4096x128xf32, #tpu.memory_space<hbm>>
    %dma_wait3A_469 = arith.constant 0 : i32
    %dma_wait3A_470 = tpu.memref_slice %dma_wait3A_468[%add3A_457, %dma_wait3A_469] : memref<4096x128xf32, #tpu.memory_space<hbm>> -> memref<64x128xf32, #tpu.memory_space<hbm>>
    tpu.wait_dma2 semaphore(%arg34 : memref<!tpu.dma_semaphore, #tpu.memory_space<semaphore_mem>>) src(%arg14 : memref<64x128xf32, #tpu.memory_space<vmem>>) dst(%dma_wait3A_470 : memref<64x128xf32, #tpu.memory_space<hbm>>)
    %add3A_471 = arith.constant 64 : i32
    %add3A_472 = arith.addi %mul3A_2, %add3A_471 : i32
    %dma_wait3A_473 = arith.constant 49 : i32
    %dma_wait3A_474 = arith.constant 0 : i32
    %dma_wait3A_475 = arith.constant 0 : i32
    %dma_wait3A_476 = tpu.memref_slice %arg4[%dma_wait3A_473, %dma_wait3A_474, %dma_wait3A_475] : memref<50x4096x128xf32, #tpu.memory_space<hbm>> -> memref<1x4096x128xf32, #tpu.memory_space<hbm>>
    %dma_wait3A_477 = tpu.memref_squeeze %dma_wait3A_476 : memref<1x4096x128xf32, #tpu.memory_space<hbm>> -> memref<4096x128xf32, #tpu.memory_space<hbm>>
    %dma_wait3A_478 = arith.constant 0 : i32
    %dma_wait3A_479 = tpu.memref_slice %dma_wait3A_477[%add3A_472, %dma_wait3A_478] : memref<4096x128xf32, #tpu.memory_space<hbm>> -> memref<64x128xf32, #tpu.memory_space<hbm>>
    %dma_wait3A_480 = arith.constant 0 : i32
    %dma_wait3A_481 = arith.constant 0 : i32
    %dma_wait3A_482 = tpu.memref_slice %arg4[%dma_wait3A_473, %dma_wait3A_480, %dma_wait3A_481] : memref<50x4096x128xf32, #tpu.memory_space<hbm>> -> memref<1x4096x128xf32, #tpu.memory_space<hbm>>
    %dma_wait3A_483 = tpu.memref_squeeze %dma_wait3A_482 : memref<1x4096x128xf32, #tpu.memory_space<hbm>> -> memref<4096x128xf32, #tpu.memory_space<hbm>>
    %dma_wait3A_484 = arith.constant 0 : i32
    %dma_wait3A_485 = tpu.memref_slice %dma_wait3A_483[%add3A_472, %dma_wait3A_484] : memref<4096x128xf32, #tpu.memory_space<hbm>> -> memref<64x128xf32, #tpu.memory_space<hbm>>
    tpu.wait_dma2 semaphore(%arg35 : memref<!tpu.dma_semaphore, #tpu.memory_space<semaphore_mem>>) src(%arg15 : memref<64x128xf32, #tpu.memory_space<vmem>>) dst(%dma_wait3A_485 : memref<64x128xf32, #tpu.memory_space<hbm>>)
    return
  }
}

</mosaic_0001>

<sc_bundles>
// kernel: kernel.3.cloned.1.call-start
scs
__scs_entry_jumppad:
0x0: {  	(pc) =	sbr.rel $0x88, $3  }
0x1: {  	(tag) =	ssettag $0x0;
	lr =	simm.s32 $0x1  }
0x2: {  	[smem:$0x3F9F] =	sst lr;
	_ =	strace $0xD0000000  }
0x3: {  	_ = 	snop  }
0x4: {  	_ = 	snop  }
0x5: {  	_ = 	snop  }
0x6: {  	_ = 	snop  }
0x7: {  	_ = 	snop  }
__scs_overlays_trampoline_lowered:
0x8: {  	[smem:$0x3FAE] =	sst s0  }
0x9: {  	[smem:$0x3FAF] =	sst s1  }
0xa: {  	[smem:$0x3FB0] =	sst s2  }
0xb: {  	[smem:$0x3FB1] =	sst s3  }
0xc: {  	[smem:$0x3FB2] =	sst s4  }
0xd: {  	[smem:$0x3FB3] =	sst s5  }
0xe: {  	[smem:$0x3FB4] =	sst s6  }
0xf: {  	[smem:$0x3FB5] =	sst s7  }
0x10: {  	[smem:$0x3FB6] =	sst s8  }
0x11: {  	[smem:$0x3FB7] =	sst s9;
	s0 =	simm.s32 @!p0 $0x0  }
0x12: {  	s1 =	sld [smem:$0x3F9D];
	s0 =	simm.s32 @p0 $0x1  }
0x13: {  	[smem:$0x3FB8] =	sst s0;
	s0 =	simm.s32 @!p1 $0x0  }
0x14: {  	s2 =	sld [smem:$0x3F9C];
	s0 =	simm.s32 @p1 $0x1  }
0x15: {  	[smem:$0x3FB9] =	sst s0;
	s0 =	simm.s32 @!p2 $0x0  }
0x16: {  	s3 =	sld [smem:$0x3FDB];
	s0 =	simm.s32 @p2 $0x1  }
0x17: {  	s4 =	simm.s32 $0x1BF5;
	[smem:$0x3FBB] =	sst s0  }
0x18: {  	s0 =	sld [smem:$0x3F9E];
	_ =	swait.ge [sflag:s4], $0x0  }
0x19: {  	s7 =	sld [smem:$0x3F9F]  }
0x1a: {  	s8 =	sadd.s32 $0xFFFFE003, lr  }
0x1b: {  	s9 =	sadd.s32 $0xFFFFFEF7, lr;
	s5 =	simm.s32 $0xFFFFFFFF;
	p2 =	slt.u32 s8, $0xFFFFF086  }
0x1c: {  	p1 =	slt.u32 s9, $0xF7A;
	s5 =	simm.s32 @!p2 $0x0  }
0x1d: {  	s5 =	simm.s32 @p1 $0x1;
	p0 =	seq.s32 s7, s2  }
0x1e: {  	s7 =	smul.u32 @!p0 $0xF7A, s2;
	p2 =	seq.s32 @!p0 s5, $0x0  }
0x1f: {  	s9 =	smul.u32 $0xF7A, s1;
	s8 =	simm.s32 @!p0 $0x1BF5;
	p2 =	por !p2, p0  }
0x20: {  	[sflag:s8] =	ssyncset.s32 @!p0 $0xFFFFF086;
	s6 =	sadd.s32 @!p0 s3, s7;
	s7 =	simm.s32 @!p0 $0x108  }
0x21: {  	s3 =	sadd.s32 s3, s9;
	s6 =	sadd.s32 @!p0 $0x88, s6;
	s7 =	simm.s32 @p2 $0x1082  }
0x22: {  	[simem:s7], [sflag:s8] =	dma.local @!p0 [hbm:s6], $0xF7A  }
0x23: {  	s9 =	sor.u32 $0xD0000000, s2;
	s6 =	simm.s32 $0x108;
	_ =	swait.ge @!p0 [sflag:s8], $0x0  }
0x24: {  	s3 =	sadd.s32 $0x88, s3;
	s6 =	simm.s32 @!p1 $0x1082;
	[sflag:s4] =	ssyncset.s32 $0xFFFFF086  }
0x25: {  	[simem:s6], [sflag:s4] =	dma.local [hbm:s3], $0xF7A  }
0x26: {  	[smem:$0x3F9F] =	sst s1;
	(tag) =	ssettag s2;
	_ =	strace s9  }
0x27: {  	s1 =	sld [smem:$0x3FAF]  }
0x28: {  	s2 =	sld [smem:$0x3FB0]  }
0x29: {  	s4 =	sld [smem:$0x3FB2]  }
0x2a: {  	p0 =	seq.s32 s5, $0x0;
	s5 =	sld [smem:$0x3FB3]  }
0x2b: {  	s6 =	sld [smem:$0x3FB4]  }
0x2c: {  	s7 =	sld [smem:$0x3FB5]  }
0x2d: {  	s3 =	simm.s32 $0x108;
	s8 =	sld [smem:$0x3FB6]  }
0x2e: {  	s3 =	simm.s32 @!p0 $0x1082;
	s9 =	sld [smem:$0x3FB7]  }
0x2f: {  	lr =	sadd.s32 s0, s3;
	s0 =	sld [smem:$0x3FAE]  }
0x30: {  	s3 =	sld [smem:$0x3FB1]  }
0x31: {  	[smem:$0x3FBA] =	sst s10  }
0x32: {  	s10 =	sld [smem:$0x3FB8];
	_ =	sdelay $0x3  }
0x33: {  	p0 =	seq.s32 s10, $0x1;
	s10 =	sld [smem:$0x3FBA];
	_ =	sdelay $0x3  }
0x34: {  	[smem:$0x3FBA] =	sst s10  }
0x35: {  	s10 =	sld [smem:$0x3FB9];
	_ =	sdelay $0x3  }
0x36: {  	p1 =	seq.s32 s10, $0x1;
	s10 =	sld [smem:$0x3FBA];
	_ =	sdelay $0x3  }
0x37: {  	[smem:$0x3FBA] =	sst s10  }
0x38: {  	s10 =	sld [smem:$0x3FBB]  }
0x39: {  	_ = 	snop;
	(pc) =	sbr.ind lr, $3  }
0x3a: {  	_ = 	snop  }
0x3b: {  	_ = 	snop  }
0x3c: {  	p2 =	seq.s32 s10, $0x1;
	s10 =	sld [smem:$0x3FBA]  }
0x3d: {  	_ =	shalt  }
0x3e: {  	_ =	shalt  }
0x3f: {  	_ =	shalt  }
0x40: {  	_ =	shalt  }
0x41: {  	_ =	shalt  }
0x42: {  	_ =	shalt  }
0x43: {  	_ =	shalt  }
0x44: {  	_ =	shalt  }
0x45: {  	_ =	shalt  }
0x46: {  	_ =	shalt  }
0x47: {  	_ =	shalt  }
0x48: {  	_ =	shalt  }
0x49: {  	_ =	shalt  }
0x4a: {  	_ =	shalt  }
0x4b: {  	_ =	shalt  }
0x4c: {  	_ =	shalt  }
0x4d: {  	_ =	shalt  }
0x4e: {  	_ =	shalt  }
0x4f: {  	_ =	shalt  }
0x50: {  	_ =	shalt  }
0x51: {  	_ =	shalt  }
0x52: {  	_ =	shalt  }
0x53: {  	_ =	shalt  }
0x54: {  	_ =	shalt  }
0x55: {  	_ =	shalt  }
0x56: {  	_ =	shalt  }
0x57: {  	_ =	shalt  }
0x58: {  	_ =	shalt  }
0x59: {  	_ =	shalt  }
0x5a: {  	_ =	shalt  }
0x5b: {  	_ =	shalt  }
0x5c: {  	_ =	shalt  }
0x5d: {  	_ =	shalt  }
0x5e: {  	_ =	shalt  }
0x5f: {  	_ =	shalt  }
0x60: {  	_ =	shalt  }
0x61: {  	_ =	shalt  }
0x62: {  	_ =	shalt  }
0x63: {  	_ =	shalt  }
0x64: {  	_ =	shalt  }
0x65: {  	_ =	shalt  }
0x66: {  	_ =	shalt  }
0x67: {  	_ =	shalt  }
0x68: {  	_ =	shalt  }
0x69: {  	_ =	shalt  }
0x6a: {  	_ =	shalt  }
0x6b: {  	_ =	shalt  }
0x6c: {  	_ =	shalt  }
0x6d: {  	_ =	shalt  }
0x6e: {  	_ =	shalt  }
0x6f: {  	_ =	shalt  }
0x70: {  	_ =	shalt  }
0x71: {  	_ =	shalt  }
0x72: {  	_ =	shalt  }
0x73: {  	_ =	shalt  }
0x74: {  	_ =	shalt  }
0x75: {  	_ =	shalt  }
0x76: {  	_ =	shalt  }
0x77: {  	_ =	shalt  }
0x78: {  	_ =	shalt  }
0x79: {  	_ =	shalt  }
0x7a: {  	_ =	shalt  }
0x7b: {  	_ =	shalt  }
0x7c: {  	_ =	shalt  }
0x7d: {  	_ =	shalt  }
0x7e: {  	_ =	shalt  }
0x7f: {  	_ =	shalt  }
0x80: {  	_ =	shalt  }
0x81: {  	_ =	shalt  }
0x82: {  	_ =	shalt  }
0x83: {  	_ =	shalt  }
0x84: {  	_ =	shalt  }
0x85: {  	_ =	shalt  }
0x86: {  	_ =	shalt  }
0x87: {  	_ =	shalt  }
.Lfunc_end0:
.L_simem_size_0:
called_computation_lowered:
.L_overlay_start_0:
0x88: {  	s2 =	sld [smem:$0x3FD9]  }
0x89: {  	s3 =	sld [smem:$0x3FFE];
	_ =	sdelay $0x1  }
0x8a: {  	s1 =	srdreg.scid  }
0x8b: {  	s0 =	sand.u32 $0x1, s1  }
0x8c: {  	s17 =	sshll.u32 s0, $0xA;
	s2 =	sadd.s32 s3, s2  }
0x8d: {  	s2 =	sadd.s32 s2, s17  }
0x8e: {  	[smem:$0x3FC6] =	sst s2  }
0x8f: {  	_ = 	snop  }
0x90: {  	s2 =	sld [smem:$0x3FC8]  }
0x91: {  	s18 =	sld [smem:$0x3FD0];
	(tm) =	ssettm $0x1  }
0x92: {  	s4 =	sld [smem:$0x3FFB];
	_ =	sdelay $0x3  }
0x93: {  	_ =	strace s4  }
0x94: {  	s4 =	sld [smem:$0x3FFC];
	_ =	sdelay $0x3  }
0x95: {  	_ =	strace s4  }
0x96: {  	s4 =	sld [smem:$0x3FFD];
	_ =	sdelay $0x3  }
0x97: {  	_ =	strace s4  }
0x98: {  	_ =	strace $0x8FFFFFFF  }
0x99: {  	s19 =	sld [smem:$0x3FDB];
	_ =	sdelay $0x1  }
0x9a: {  	s5 =	simm.s32 $_scs_section_size  }
0x9b: {  	s6 =	simm.s32 $_size__tile_overlayer_lowered;
	s7 =	simm.s32 $_tile_overlayer_lowered  }
0x9c: {  	s22 =	simm.s32 $0x1BFF;
	s21 =	sshll.u32 s7, $0x1;
	s4 =	sadd.s32 s5, s19  }
0x9d: {  	s8 =	simm.s32 $0x0;
	s20 =	sshll.u32 s6, $0x1;
	s6 =	sadd.s32 s21, s4  }
0x9e: {  	[timem:s8], [sflag:s22] =	dma.local [hbm:s6], s20  }
0x9f: {  	_ =	swait.ge [sflag:s22], s20  }
0xa0: {  	s5 =	ssub.s32 $0x0, s20;
	[sflag:s22] =	ssyncset.done $0x0  }
0xa1: {  	[sflag:s22] =	ssyncadd.s32 s5;
	_ =	sdelay $0x1  }
0xa2: {  	s23 =	simm.s32 $0x1B8B  }
0xa3: {  	_ =	swait.ge [sflag:s23], $0x1  }
0xa4: {  	[sflag:s23] =	ssyncset.done $0x0  }
0xa5: {  	s25 =	simm.s32 $0x1B8E;
	s24 =	sld [smem:$0x3FFE];
	[sflag:s23] =	ssyncadd.s32 $0xFFFFFFFF  }
0xa6: {  	s26 =	simm.s32 $execute0_lowered;
	[smem:$0x3FD2] =	sst s25  }
0xa7: {  	s6 =	sshll.u32 s26, $0x1;
	_ =	strace $0x80000046;
	[dreg:$0x1] =	wrdreg $0xFFFFFFFF  }
0xa8: {  	s28 =	simm.s32 $_size_execute0_lowered;
	s4 =	sadd.s32 s4, s6;
	[dreg:$0x0] =	wrdreg $0x0  }
0xa9: {  	s6 =	sshll.u32 s28, $0x1;
	[dreg:$0x2] =	wrdreg s4  }
0xaa: {  	[dreg:$0x3] =	wrdreg s6  }
0xab: {  	[dreg:$0x4] =	wrdreg $0xC0  }
0xac: {  	_ =	task [dreg:s8], $0x5FFFF  }
0xad: {  	[dreg:$0x1] =	wrdreg $0xFFFFFFFF  }
0xae: {  	[dreg:$0x0] =	wrdreg $0x60  }
0xaf: {  	[dreg:$0x2] =	wrdreg s24  }
0xb0: {  	[dreg:$0x3] =	wrdreg s2  }
0xb1: {  	[dreg:$0x4] =	wrdreg s18  }
0xb2: {  	[dreg:$0x5] =	wrdreg $0x9  }
0xb3: {  	_ =	task.clear_ibuf [dreg:s8], $0x6FFFF;
	_ =	strace $0x90000046  }
0xb4: {  	s29 =	simm.s32 $0x9;
	_ =	strace $0x80000048  }
0xb5: {  	_ =	swait.ge [sflag:s29], $0x1  }
0xb6: {  	[sflag:s29] =	ssyncadd.s32 $0xFFFFFFFF  }
0xb7: {  	_ =	strace $0x90000048  }
0xb8: {  	_ =	sfence  }
0xb9: {  	s30 =	sld [smem:$0x0];
	_ =	sdelay $0x2  }
0xba: {  	s31 =	sshll.u32 s1, $0xD;
	s1 =	sshrl.u32 s1, $0x2  }
0xbb: {  	s3 =	sand.u32 $0x4000, s31;
	s1 =	sadd.s32 s1, s30  }
0xbc: {  	s0 =	sor.u32 s3, s0;
	s1 =	sshll.u32 s1, $0x11  }
0xbd: {  	s0 =	sor.u32 s1, s0  }
0xbe: {  	s0 =	sadd.s32 $0x8F2B, s0  }
0xbf: {  	[sflag:s0] =	ssyncadd.remote.s32 $0x1  }
0xc0: {  	_ =	sfence.sel $0xFFFF  }
0xc1: {  	[dreg:$0x0] =	wrdreg $0xFFFFFFFF;
	(pc) =	sbr.abs _section_cstart, $3  }
0xc2: {  	[dreg:$0x1] =	wrdreg $0xFFFFFFFF  }
0xc3: {  	_ =	task.clear_ibuf [dreg:s8], $0x2FFFF;
	_ =	strace $0x9FFFFFFF  }
0xc4: {  	(tm) =	ssettm $0x7FFFFFFF  }
0xc5: {  	_ =	shalt  }
tec
execute0_lowered:
.L_overlay_start_1:
0x0: {  	(tag) =	ssettag $0x1  }
0x1: {  	s0 =	rddreg [dreg:$0x0]  }
0x2: {  	s2 =	rddreg [dreg:$0x1];
	s1 =	srdreg.scid  }
0x3: {  	s3 =	stileid.u32;
	s5 =	rddreg [dreg:$0x2];
	s15 =	simm.s32 $0x40  }
0x4: {  	s14 =	simm.s32 $0xA;
	s7 =	simm.s32 $0xB;
	s8 =	simm.s32 $0xC  }
0x5: {  	s9 =	simm.s32 $0xD;
	s10 =	simm.s32 $0xE;
	s11 =	simm.s32 $0xF  }
0x6: {  	s13 =	simm.s32 $0x10;
	s16 =	simm.s32 $0x11;
	s17 =	simm.s32 $0x12  }
0x7: {  	s19 =	simm.s32 $0x13;
	s21 =	simm.s32 $0x14;
	s12 =	simm.s32 $0x13C00  }
0x8: {  	s1 =	sand.u32 $0x1, s1;
	s4 =	sshll.u32 s3, $0x1;
	s3 =	simm.s32 $0x0  }
0x9: {  	s24 =	sadd.s32 $0x2D0000, s5;
	s25 =	sadd.s32 $0x2E0000, s5;
	[smem:$0x7FF] =	sst s3  }
0xa: {  	s26 =	sadd.s32 $0x2F0000, s5;
	_ =	strace $0x80000047;
	[dreg:$0x5] =	wrdreg s24  }
0xb: {  	s28 =	sadd.s32 $0x300000, s5;
	s29 =	sadd.s32 $0x310000, s5;
	[dreg:$0x6] =	wrdreg s25  }
0xc: {  	s4 =	sor.u32 s1, s4;
	s1 =	ssub.s32 $0x2, s1;
	[dreg:$0x7] =	wrdreg s26  }
0xd: {  	s6 =	smul.u32 $0x380, s4;
	s23 =	sshrl.u32 s1, $0x1;
	[dreg:$0x8] =	wrdreg s28  }
0xe: {  	s31 =	sadd.s32 $0x40000, s5;
	[dreg:$0x9] =	wrdreg s29;
	s1 =	ssub.s32 s1, s23  }
0xf: {  	[dreg:$0xb] =	wrdreg s31;
	s0 =	sadd.s32 s6, s0;
	s30 =	smax.u32 s1, $0x1  }
0x10: {  	s4 =	sshll.u32 s4, $0xB;
	s0 =	sadd.s32 $0x400, s0;
	[dreg:$0xa] =	wrdreg s30  }
0x11: {  	s6 =	sor.u32 $0x400, s4;
	[dreg:$0x4] =	wrdreg s0;
	s0 =	simm.s32 $0x0  }
.LBB2_1:
0x12: {  	[dreg:$0xc] =	wrdreg s0  }
0x13: {  	s1 =	rddreg [dreg:$0x4];
	s24 =	simm.s32 $0x15  }
0x14: {  	[tilespmem:s3], [sflag:$0x15] =	stream.linear.gather [hbm4b:s1+s3], $0x1900, $0x38;
	[tilespmem:$0x15C00] =	vst v63  }
0x15: {  	_ =	swait.ge [sflag:s24], $0x1900  }
0x16: {  	[sflag:s24] =	ssyncset.done $0x0  }
0x17: {  	s18 =	simm.s32 $0x1C00;
	[sflag:s24] =	ssyncadd.s32 $0xFFFFE700  }
0x18: {  	[tilespmem:s18], [sflag:$0x1] =	stream.indirect.gather [hbm4b:s2+s15], $0x80, s3, s15, $0xb8;
	[tilespmem:$0x15C00] =	vst v63  }
0x19: {  	s20 =	simm.s32 $0x3C00  }
0x1a: {  	[tilespmem:s20], [sflag:$0x2] =	stream.indirect.gather [hbm4b:s2+s15], $0x80, s15, s15, $0xb8;
	[tilespmem:$0x15C00] =	vst v63  }
0x1b: {  	s25 =	simm.s32 $0x80;
	s22 =	simm.s32 $0x5C00  }
0x1c: {  	[tilespmem:s22], [sflag:$0x3] =	stream.indirect.gather [hbm4b:s2+s15], $0x80, s25, s15, $0xb8;
	[tilespmem:$0x15C00] =	vst v63  }
0x1d: {  	s26 =	simm.s32 $0xC0;
	s24 =	simm.s32 $0x7C00  }
0x1e: {  	[tilespmem:s24], [sflag:$0x4] =	stream.indirect.gather [hbm4b:s2+s15], $0x80, s26, s15, $0xb8;
	[tilespmem:$0x15C00] =	vst v63  }
0x1f: {  	s29 =	simm.s32 $0x100;
	s26 =	simm.s32 $0x9C00  }
0x20: {  	[tilespmem:s26], [sflag:$0x5] =	stream.indirect.gather [hbm4b:s2+s15], $0x80, s29, s15, $0xb8;
	[tilespmem:$0x15C00] =	vst v63  }
0x21: {  	s30 =	simm.s32 $0x140;
	s28 =	simm.s32 $0xBC00  }
0x22: {  	[tilespmem:s28], [sflag:$0x6] =	stream.indirect.gather [hbm4b:s2+s15], $0x80, s30, s15, $0xb8;
	[tilespmem:$0x15C00] =	vst v63  }
0x23: {  	s31 =	simm.s32 $0x180;
	s29 =	simm.s32 $0xDC00  }
0x24: {  	[tilespmem:s29], [sflag:$0x7] =	stream.indirect.gather [hbm4b:s2+s15], $0x80, s31, s15, $0xb8;
	[tilespmem:$0x15C00] =	vst v63  }
0x25: {  	s0 =	simm.s32 $0x1C0;
	s30 =	simm.s32 $0xFC00  }
0x26: {  	[tilespmem:s30], [sflag:$0x8] =	stream.indirect.gather [hbm4b:s2+s15], $0x80, s0, s15, $0xb8;
	[tilespmem:$0x15C00] =	vst v63  }
0x27: {  	s5 =	simm.s32 $0x200;
	s31 =	simm.s32 $0x11C00  }
0x28: {  	[tilespmem:s31], [sflag:$0x9] =	stream.indirect.gather [hbm4b:s2+s15], $0x80, s5, s15, $0xb8;
	[tilespmem:$0x15C00] =	vst v63  }
0x29: {  	s23 =	simm.s32 $0x240;
	s25 =	simm.s32 $0x1;
	s5 =	simm.s32 $0x13C00  }
0x2a: {  	[tilespmem:s5], [sflag:$0xA] =	stream.indirect.gather [hbm4b:s2+s15], $0x80, s23, s15, $0xb8;
	[tilespmem:$0x15C00] =	vst v63  }
0x2b: {  	_ =	swait.ge [sflag:s25], $0x2000  }
0x2c: {  	s1 =	rddreg [dreg:$0xb]  }
0x2d: {  	[sflag:s25] =	ssyncset.done $0x0;
	s23 =	sadd.s32 $0xFFFC0000, s1  }
0x2e: {  	[sflag:s25] =	ssyncadd.s32 $0xFFFFE000;
	s25 =	sadd.s32 s4, s23  }
0x2f: {  	[hbm4b:s25+s3] =	stream.linear.scatter [tilespmem:s18], [sflag:$0xB], $0x2000, $0x38;
	[tilespmem:$0x15C00] =	vst v63  }
0x30: {  	s25 =	simm.s32 $0x2  }
0x31: {  	_ =	swait.ge [sflag:s25], $0x2000  }
0x32: {  	[sflag:s25] =	ssyncset.done $0x0  }
0x33: {  	s23 =	sadd.s32 s6, s23;
	[sflag:s25] =	ssyncadd.s32 $0xFFFFE000;
	s25 =	simm.s32 $0x3  }
0x34: {  	[hbm4b:s23+s3] =	stream.linear.scatter [tilespmem:s20], [sflag:$0xC], $0x2000, $0x38;
	[tilespmem:$0x15C00] =	vst v63  }
0x35: {  	_ =	swait.ge [sflag:s25], $0x2000  }
0x36: {  	s23 =	sadd.s32 $0xFFFD0000, s1;
	[sflag:s25] =	ssyncset.done $0x0  }
0x37: {  	s0 =	sadd.s32 s4, s23;
	[sflag:s25] =	ssyncadd.s32 $0xFFFFE000;
	s25 =	simm.s32 $0x4  }
0x38: {  	[hbm4b:s0+s3] =	stream.linear.scatter [tilespmem:s22], [sflag:$0xD], $0x2000, $0x38;
	[tilespmem:$0x15C00] =	vst v63  }
0x39: {  	_ =	swait.ge [sflag:s25], $0x2000  }
0x3a: {  	[sflag:s25] =	ssyncset.done $0x0  }
0x3b: {  	s23 =	sadd.s32 s6, s23;
	[sflag:s25] =	ssyncadd.s32 $0xFFFFE000;
	s25 =	simm.s32 $0x5  }
0x3c: {  	[hbm4b:s23+s3] =	stream.linear.scatter [tilespmem:s24], [sflag:$0xE], $0x2000, $0x38;
	[tilespmem:$0x15C00] =	vst v63  }
0x3d: {  	_ =	swait.ge [sflag:s25], $0x2000  }
0x3e: {  	s23 =	sadd.s32 $0xFFFE0000, s1;
	[sflag:s25] =	ssyncset.done $0x0  }
0x3f: {  	s0 =	sadd.s32 s4, s23;
	[sflag:s25] =	ssyncadd.s32 $0xFFFFE000;
	s25 =	simm.s32 $0x6  }
0x40: {  	[hbm4b:s0+s3] =	stream.linear.scatter [tilespmem:s26], [sflag:$0xF], $0x2000, $0x38;
	[tilespmem:$0x15C00] =	vst v63  }
0x41: {  	_ =	swait.ge [sflag:s25], $0x2000  }
0x42: {  	[sflag:s25] =	ssyncset.done $0x0  }
0x43: {  	s23 =	sadd.s32 s6, s23;
	[sflag:s25] =	ssyncadd.s32 $0xFFFFE000;
	s25 =	simm.s32 $0x7  }
0x44: {  	[hbm4b:s23+s3] =	stream.linear.scatter [tilespmem:s28], [sflag:$0x10], $0x2000, $0x38;
	[tilespmem:$0x15C00] =	vst v63  }
0x45: {  	_ =	swait.ge [sflag:s25], $0x2000  }
0x46: {  	s23 =	sadd.s32 $0xFFFF0000, s1;
	[sflag:s25] =	ssyncset.done $0x0  }
0x47: {  	s0 =	sadd.s32 s4, s23;
	[sflag:s25] =	ssyncadd.s32 $0xFFFFE000;
	s25 =	simm.s32 $0x8  }
0x48: {  	[hbm4b:s0+s3] =	stream.linear.scatter [tilespmem:s29], [sflag:$0x11], $0x2000, $0x38;
	[tilespmem:$0x15C00] =	vst v63  }
0x49: {  	_ =	swait.ge [sflag:s25], $0x2000  }
0x4a: {  	[sflag:s25] =	ssyncset.done $0x0  }
0x4b: {  	s23 =	sadd.s32 s6, s23;
	[sflag:s25] =	ssyncadd.s32 $0xFFFFE000  }
0x4c: {  	[hbm4b:s23+s3] =	stream.linear.scatter [tilespmem:s30], [sflag:$0x12], $0x2000, $0x38;
	[tilespmem:$0x15C00] =	vst v63  }
0x4d: {  	s23 =	simm.s32 $0x9  }
0x4e: {  	_ =	swait.ge [sflag:s23], $0x2000  }
0x4f: {  	[sflag:s23] =	ssyncset.done $0x0  }
0x50: {  	s25 =	sadd.s32 s4, s1;
	[sflag:s23] =	ssyncadd.s32 $0xFFFFE000  }
0x51: {  	[hbm4b:s25+s3] =	stream.linear.scatter [tilespmem:s31], [sflag:$0x13], $0x2000, $0x38;
	[tilespmem:$0x15C00] =	vst v63  }
0x52: {  	_ =	swait.ge [sflag:s14], $0x2000  }
0x53: {  	[sflag:s14] =	ssyncset.done $0x0  }
0x54: {  	s0 =	sadd.s32 s6, s1;
	[sflag:s14] =	ssyncadd.s32 $0xFFFFE000  }
0x55: {  	[hbm4b:s0+s3] =	stream.linear.scatter [tilespmem:s5], [sflag:$0x14], $0x2000, $0x38;
	[tilespmem:$0x15C00] =	vst v63  }
0x56: {  	_ =	swait.ge [sflag:s7], $0x2000  }
0x57: {  	[sflag:s7] =	ssyncset.done $0x0  }
0x58: {  	s5 =	simm.s32 $0x280;
	[sflag:s7] =	ssyncadd.s32 $0xFFFFE000  }
0x59: {  	[tilespmem:s18], [sflag:$0x1] =	stream.indirect.gather [hbm4b:s2+s15], $0x80, s5, s15, $0xb8;
	[tilespmem:$0x15C00] =	vst v63  }
0x5a: {  	_ =	swait.ge [sflag:s8], $0x2000  }
0x5b: {  	[sflag:s8] =	ssyncset.done $0x0  }
0x5c: {  	s18 =	simm.s32 $0x2C0;
	[sflag:s8] =	ssyncadd.s32 $0xFFFFE000  }
0x5d: {  	[tilespmem:s20], [sflag:$0x2] =	stream.indirect.gather [hbm4b:s2+s15], $0x80, s18, s15, $0xb8;
	[tilespmem:$0x15C00] =	vst v63  }
0x5e: {  	_ =	swait.ge [sflag:s9], $0x2000  }
0x5f: {  	[sflag:s9] =	ssyncset.done $0x0  }
0x60: {  	s20 =	simm.s32 $0x300;
	[sflag:s9] =	ssyncadd.s32 $0xFFFFE000  }
0x61: {  	[tilespmem:s22], [sflag:$0x3] =	stream.indirect.gather [hbm4b:s2+s15], $0x80, s20, s15, $0xb8;
	[tilespmem:$0x15C00] =	vst v63  }
0x62: {  	_ =	swait.ge [sflag:s10], $0x2000  }
0x63: {  	[sflag:s10] =	ssyncset.done $0x0  }
0x64: {  	s22 =	simm.s32 $0x340;
	[sflag:s10] =	ssyncadd.s32 $0xFFFFE000  }
0x65: {  	[tilespmem:s24], [sflag:$0x4] =	stream.indirect.gather [hbm4b:s2+s15], $0x80, s22, s15, $0xb8;
	[tilespmem:$0x15C00] =	vst v63  }
0x66: {  	_ =	swait.ge [sflag:s11], $0x2000  }
0x67: {  	[sflag:s11] =	ssyncset.done $0x0  }
0x68: {  	s24 =	simm.s32 $0x380;
	[sflag:s11] =	ssyncadd.s32 $0xFFFFE000  }
0x69: {  	[tilespmem:s26], [sflag:$0x5] =	stream.indirect.gather [hbm4b:s2+s15], $0x80, s24, s15, $0xb8;
	[tilespmem:$0x15C00] =	vst v63  }
0x6a: {  	_ =	swait.ge [sflag:s13], $0x2000  }
0x6b: {  	[sflag:s13] =	ssyncset.done $0x0  }
0x6c: {  	s25 =	simm.s32 $0x3C0;
	[sflag:s13] =	ssyncadd.s32 $0xFFFFE000  }
0x6d: {  	[tilespmem:s28], [sflag:$0x6] =	stream.indirect.gather [hbm4b:s2+s15], $0x80, s25, s15, $0xb8;
	[tilespmem:$0x15C00] =	vst v63  }
0x6e: {  	_ =	swait.ge [sflag:s16], $0x2000  }
0x6f: {  	[sflag:s16] =	ssyncset.done $0x0  }
0x70: {  	s26 =	simm.s32 $0x400;
	[sflag:s16] =	ssyncadd.s32 $0xFFFFE000  }
0x71: {  	[tilespmem:s29], [sflag:$0x7] =	stream.indirect.gather [hbm4b:s2+s15], $0x80, s26, s15, $0xb8;
	[tilespmem:$0x15C00] =	vst v63  }
0x72: {  	_ =	swait.ge [sflag:s17], $0x2000  }
0x73: {  	[sflag:s17] =	ssyncset.done $0x0  }
0x74: {  	s29 =	simm.s32 $0x440;
	[sflag:s17] =	ssyncadd.s32 $0xFFFFE000  }
0x75: {  	[tilespmem:s30], [sflag:$0x8] =	stream.indirect.gather [hbm4b:s2+s15], $0x80, s29, s15, $0xb8;
	[tilespmem:$0x15C00] =	vst v63  }
0x76: {  	_ =	swait.ge [sflag:s19], $0x2000  }
0x77: {  	[sflag:s19] =	ssyncset.done $0x0  }
0x78: {  	s30 =	simm.s32 $0x480;
	[sflag:s19] =	ssyncadd.s32 $0xFFFFE000  }
0x79: {  	[tilespmem:s31], [sflag:$0x9] =	stream.indirect.gather [hbm4b:s2+s15], $0x80, s30, s15, $0xb8;
	[tilespmem:$0x15C00] =	vst v63  }
0x7a: {  	_ =	swait.ge [sflag:s21], $0x2000  }
0x7b: {  	s23 =	simm.s32 $0xA00;
	[sflag:s21] =	ssyncset.done $0x0  }
0x7c: {  	s28 =	simm.s32 $0x4C0;
	s25 =	sadd.s32 $0x50000, s1;
	[sflag:s21] =	ssyncadd.s32 $0xFFFFE000  }
.LBB2_2:
0x7d: {  	[tilespmem:s12], [sflag:$0xA] =	stream.indirect.gather [hbm4b:s2+s15], $0x80, s28, s15, $0xb8;
	[tilespmem:$0x15C00] =	vst v63  }
0x7e: {  	s28 =	smov.u32 s23;
	s0 =	simm.s32 $0x1  }
0x7f: {  	p0 =	sne.s32 s23, $0x5000;
	s23 =	sadd.s32 $0xA00, s23;
	_ =	swait.ge [sflag:s0], $0x2000  }
0x80: {  	s30 =	sadd.s32 $0xFFFC0000, s25;
	s18 =	simm.s32 $0x1C00;
	[sflag:s0] =	ssyncset.done $0x0  }
0x81: {  	s1 =	sadd.s32 s4, s30;
	[sflag:s0] =	ssyncadd.s32 $0xFFFFE000;
	s0 =	simm.s32 $0x2  }
0x82: {  	[hbm4b:s1+s3] =	stream.linear.scatter [tilespmem:s18], [sflag:$0xB], $0x2000, $0x38;
	[tilespmem:$0x15C00] =	vst v63  }
0x83: {  	_ =	swait.ge [sflag:s0], $0x2000  }
0x84: {  	s20 =	simm.s32 $0x3C00;
	[sflag:s0] =	ssyncset.done $0x0  }
0x85: {  	s1 =	sadd.s32 s6, s30;
	[sflag:s0] =	ssyncadd.s32 $0xFFFFE000;
	s0 =	simm.s32 $0x3  }
0x86: {  	[hbm4b:s1+s3] =	stream.linear.scatter [tilespmem:s20], [sflag:$0xC], $0x2000, $0x38;
	[tilespmem:$0x15C00] =	vst v63  }
0x87: {  	_ =	swait.ge [sflag:s0], $0x2000  }
0x88: {  	s22 =	simm.s32 $0x5C00;
	s1 =	sadd.s32 $0xFFFD0000, s25;
	[sflag:s0] =	ssyncset.done $0x0  }
0x89: {  	s30 =	sadd.s32 s4, s1;
	[sflag:s0] =	ssyncadd.s32 $0xFFFFE000;
	s0 =	simm.s32 $0x4  }
0x8a: {  	[hbm4b:s30+s3] =	stream.linear.scatter [tilespmem:s22], [sflag:$0xD], $0x2000, $0x38;
	[tilespmem:$0x15C00] =	vst v63  }
0x8b: {  	_ =	swait.ge [sflag:s0], $0x2000  }
0x8c: {  	s24 =	simm.s32 $0x7C00;
	[sflag:s0] =	ssyncset.done $0x0  }
0x8d: {  	s1 =	sadd.s32 s6, s1;
	[sflag:s0] =	ssyncadd.s32 $0xFFFFE000;
	s0 =	simm.s32 $0x5  }
0x8e: {  	[hbm4b:s1+s3] =	stream.linear.scatter [tilespmem:s24], [sflag:$0xE], $0x2000, $0x38;
	[tilespmem:$0x15C00] =	vst v63  }
0x8f: {  	_ =	swait.ge [sflag:s0], $0x2000  }
0x90: {  	s26 =	simm.s32 $0x9C00;
	s1 =	sadd.s32 $0xFFFE0000, s25;
	[sflag:s0] =	ssyncset.done $0x0  }
0x91: {  	s30 =	sadd.s32 s4, s1;
	[sflag:s0] =	ssyncadd.s32 $0xFFFFE000;
	s0 =	simm.s32 $0x6  }
0x92: {  	[hbm4b:s30+s3] =	stream.linear.scatter [tilespmem:s26], [sflag:$0xF], $0x2000, $0x38;
	[tilespmem:$0x15C00] =	vst v63  }
0x93: {  	_ =	swait.ge [sflag:s0], $0x2000  }
0x94: {  	s29 =	simm.s32 $0xBC00;
	[sflag:s0] =	ssyncset.done $0x0  }
0x95: {  	s1 =	sadd.s32 s6, s1;
	[sflag:s0] =	ssyncadd.s32 $0xFFFFE000;
	s0 =	simm.s32 $0x7  }
0x96: {  	[hbm4b:s1+s3] =	stream.linear.scatter [tilespmem:s29], [sflag:$0x10], $0x2000, $0x38;
	[tilespmem:$0x15C00] =	vst v63  }
0x97: {  	_ =	swait.ge [sflag:s0], $0x2000  }
0x98: {  	s31 =	simm.s32 $0xDC00;
	s1 =	sadd.s32 $0xFFFF0000, s25;
	[sflag:s0] =	ssyncset.done $0x0  }
0x99: {  	s30 =	sadd.s32 s4, s1;
	[sflag:s0] =	ssyncadd.s32 $0xFFFFE000;
	s0 =	simm.s32 $0x8  }
0x9a: {  	[hbm4b:s30+s3] =	stream.linear.scatter [tilespmem:s31], [sflag:$0x11], $0x2000, $0x38;
	[tilespmem:$0x15C00] =	vst v63  }
0x9b: {  	_ =	swait.ge [sflag:s0], $0x2000  }
0x9c: {  	[sflag:s0] =	ssyncset.done $0x0  }
0x9d: {  	s1 =	sadd.s32 s6, s1;
	[sflag:s0] =	ssyncadd.s32 $0xFFFFE000;
	s0 =	simm.s32 $0xFC00  }
0x9e: {  	[hbm4b:s1+s3] =	stream.linear.scatter [tilespmem:s0], [sflag:$0x12], $0x2000, $0x38;
	[tilespmem:$0x15C00] =	vst v63  }
0x9f: {  	s1 =	simm.s32 $0x9  }
0xa0: {  	_ =	swait.ge [sflag:s1], $0x2000  }
0xa1: {  	[sflag:s1] =	ssyncset.done $0x0  }
0xa2: {  	s5 =	simm.s32 $0x11C00;
	[sflag:s1] =	ssyncadd.s32 $0xFFFFE000;
	s1 =	sadd.s32 s4, s25  }
0xa3: {  	[hbm4b:s1+s3] =	stream.linear.scatter [tilespmem:s5], [sflag:$0x13], $0x2000, $0x38;
	[tilespmem:$0x15C00] =	vst v63  }
0xa4: {  	_ =	swait.ge [sflag:s14], $0x2000  }
0xa5: {  	[sflag:s14] =	ssyncset.done $0x0  }
0xa6: {  	s1 =	sadd.s32 s6, s25;
	[sflag:s14] =	ssyncadd.s32 $0xFFFFE000  }
0xa7: {  	[hbm4b:s1+s3] =	stream.linear.scatter [tilespmem:s12], [sflag:$0x14], $0x2000, $0x38;
	[tilespmem:$0x15C00] =	vst v63  }
0xa8: {  	_ =	swait.ge [sflag:s7], $0x2000  }
0xa9: {  	s28 =	sshra.s32 s28, $0x2;
	[sflag:s7] =	ssyncset.done $0x0  }
0xaa: {  	s30 =	simm.s32 $0x1C00;
	s1 =	sadd.s32 $0x280, s28;
	[sflag:s7] =	ssyncadd.s32 $0xFFFFE000  }
0xab: {  	[tilespmem:s18], [sflag:$0x1] =	stream.indirect.gather [hbm4b:s2+s15], $0x80, s1, s15, $0xb8;
	[tilespmem:$0x15C00] =	vst v63  }
0xac: {  	_ =	swait.ge [sflag:s8], $0x2000  }
0xad: {  	[sflag:s8] =	ssyncset.done $0x0  }
0xae: {  	s1 =	sadd.s32 $0x2C0, s28;
	s18 =	simm.s32 $0x3C00;
	[sflag:s8] =	ssyncadd.s32 $0xFFFFE000  }
0xaf: {  	[tilespmem:s20], [sflag:$0x2] =	stream.indirect.gather [hbm4b:s2+s15], $0x80, s1, s15, $0xb8;
	[tilespmem:$0x15C00] =	vst v63  }
0xb0: {  	_ =	swait.ge [sflag:s9], $0x2000  }
0xb1: {  	[sflag:s9] =	ssyncset.done $0x0  }
0xb2: {  	s1 =	sadd.s32 $0x300, s28;
	s20 =	simm.s32 $0x5C00;
	[sflag:s9] =	ssyncadd.s32 $0xFFFFE000  }
0xb3: {  	[tilespmem:s22], [sflag:$0x3] =	stream.indirect.gather [hbm4b:s2+s15], $0x80, s1, s15, $0xb8;
	[tilespmem:$0x15C00] =	vst v63  }
0xb4: {  	_ =	swait.ge [sflag:s10], $0x2000  }
0xb5: {  	[sflag:s10] =	ssyncset.done $0x0  }
0xb6: {  	s1 =	sadd.s32 $0x340, s28;
	s22 =	simm.s32 $0x7C00;
	[sflag:s10] =	ssyncadd.s32 $0xFFFFE000  }
0xb7: {  	[tilespmem:s24], [sflag:$0x4] =	stream.indirect.gather [hbm4b:s2+s15], $0x80, s1, s15, $0xb8;
	[tilespmem:$0x15C00] =	vst v63  }
0xb8: {  	_ =	swait.ge [sflag:s11], $0x2000  }
0xb9: {  	[sflag:s11] =	ssyncset.done $0x0  }
0xba: {  	s1 =	sadd.s32 $0x380, s28;
	s24 =	simm.s32 $0x9C00;
	[sflag:s11] =	ssyncadd.s32 $0xFFFFE000  }
0xbb: {  	[tilespmem:s26], [sflag:$0x5] =	stream.indirect.gather [hbm4b:s2+s15], $0x80, s1, s15, $0xb8;
	[tilespmem:$0x15C00] =	vst v63  }
0xbc: {  	_ =	swait.ge [sflag:s13], $0x2000  }
0xbd: {  	[sflag:s13] =	ssyncset.done $0x0  }
0xbe: {  	s1 =	sadd.s32 $0x3C0, s28;
	s26 =	simm.s32 $0xBC00;
	[sflag:s13] =	ssyncadd.s32 $0xFFFFE000  }
0xbf: {  	[tilespmem:s29], [sflag:$0x6] =	stream.indirect.gather [hbm4b:s2+s15], $0x80, s1, s15, $0xb8;
	[tilespmem:$0x15C00] =	vst v63  }
0xc0: {  	_ =	swait.ge [sflag:s16], $0x2000  }
0xc1: {  	[sflag:s16] =	ssyncset.done $0x0  }
0xc2: {  	s1 =	sadd.s32 $0x400, s28;
	s29 =	simm.s32 $0xDC00;
	[sflag:s16] =	ssyncadd.s32 $0xFFFFE000  }
0xc3: {  	[tilespmem:s31], [sflag:$0x7] =	stream.indirect.gather [hbm4b:s2+s15], $0x80, s1, s15, $0xb8;
	[tilespmem:$0x15C00] =	vst v63  }
0xc4: {  	_ =	swait.ge [sflag:s17], $0x2000  }
0xc5: {  	[sflag:s17] =	ssyncset.done $0x0  }
0xc6: {  	s1 =	sadd.s32 $0x440, s28;
	s31 =	simm.s32 $0xFC00;
	[sflag:s17] =	ssyncadd.s32 $0xFFFFE000  }
0xc7: {  	[tilespmem:s0], [sflag:$0x8] =	stream.indirect.gather [hbm4b:s2+s15], $0x80, s1, s15, $0xb8;
	[tilespmem:$0x15C00] =	vst v63  }
0xc8: {  	_ =	swait.ge [sflag:s19], $0x2000  }
0xc9: {  	s1 =	sadd.s32 $0x480, s28;
	[sflag:s19] =	ssyncset.done $0x0  }
.Ltmp0:
0xca: {  	s0 =	simm.s32 $0x11C00;
	[sflag:s19] =	ssyncadd.s32 $0xFFFFE000;
	(pc) =	sbr.rel @p0 .LBB2_2-.Ltmp0, $4  }
0xcb: {  	[tilespmem:s5], [sflag:$0x9] =	stream.indirect.gather [hbm4b:s2+s15], $0x80, s1, s15, $0xb8;
	[tilespmem:$0x15C00] =	vst v63  }
0xcc: {  	_ =	swait.ge [sflag:s21], $0x2000  }
0xcd: {  	[sflag:s21] =	ssyncset.done $0x0  }
0xce: {  	s25 =	sadd.s32 $0x50000, s25;
	s28 =	sadd.s32 $0x4C0, s28;
	[sflag:s21] =	ssyncadd.s32 $0xFFFFE000  }
0xcf: {  	s5 =	simm.s32 $0x13C00;
	s1 =	simm.s32 $0x1  }
0xd0: {  	[tilespmem:s5], [sflag:$0xA] =	stream.indirect.gather [hbm4b:s2+s15], $0x80, s28, s15, $0xb8;
	[tilespmem:$0x15C00] =	vst v63  }
0xd1: {  	_ =	swait.ge [sflag:s1], $0x2000  }
0xd2: {  	[sflag:s1] =	ssyncset.done $0x0;
	s23 =	rddreg [dreg:$0x5]  }
0xd3: {  	s25 =	simm.s32 $0x2;
	[sflag:s1] =	ssyncadd.s32 $0xFFFFE000;
	s28 =	sadd.s32 s4, s23  }
0xd4: {  	[hbm4b:s28+s3] =	stream.linear.scatter [tilespmem:s30], [sflag:$0xB], $0x2000, $0x38;
	[tilespmem:$0x15C00] =	vst v63  }
0xd5: {  	_ =	swait.ge [sflag:s25], $0x2000  }
0xd6: {  	[sflag:s25] =	ssyncset.done $0x0  }
0xd7: {  	s28 =	sadd.s32 s6, s23;
	s30 =	simm.s32 $0x3;
	[sflag:s25] =	ssyncadd.s32 $0xFFFFE000  }
0xd8: {  	[hbm4b:s28+s3] =	stream.linear.scatter [tilespmem:s18], [sflag:$0xC], $0x2000, $0x38;
	[tilespmem:$0x15C00] =	vst v63  }
0xd9: {  	_ =	swait.ge [sflag:s30], $0x2000  }
0xda: {  	[sflag:s30] =	ssyncset.done $0x0;
	s18 =	rddreg [dreg:$0x6]  }
0xdb: {  	s28 =	simm.s32 $0x4;
	[sflag:s30] =	ssyncadd.s32 $0xFFFFE000;
	s25 =	sadd.s32 s4, s18  }
0xdc: {  	[hbm4b:s25+s3] =	stream.linear.scatter [tilespmem:s20], [sflag:$0xD], $0x2000, $0x38;
	[tilespmem:$0x15C00] =	vst v63  }
0xdd: {  	_ =	swait.ge [sflag:s28], $0x2000  }
0xde: {  	[sflag:s28] =	ssyncset.done $0x0  }
0xdf: {  	s30 =	sadd.s32 s6, s18;
	s18 =	simm.s32 $0x5;
	[sflag:s28] =	ssyncadd.s32 $0xFFFFE000  }
0xe0: {  	[hbm4b:s30+s3] =	stream.linear.scatter [tilespmem:s22], [sflag:$0xE], $0x2000, $0x38;
	[tilespmem:$0x15C00] =	vst v63  }
0xe1: {  	_ =	swait.ge [sflag:s18], $0x2000  }
0xe2: {  	[sflag:s18] =	ssyncset.done $0x0;
	s20 =	rddreg [dreg:$0x7]  }
0xe3: {  	s25 =	simm.s32 $0x6;
	[sflag:s18] =	ssyncadd.s32 $0xFFFFE000;
	s22 =	sadd.s32 s4, s20  }
0xe4: {  	[hbm4b:s22+s3] =	stream.linear.scatter [tilespmem:s24], [sflag:$0xF], $0x2000, $0x38;
	[tilespmem:$0x15C00] =	vst v63  }
0xe5: {  	_ =	swait.ge [sflag:s25], $0x2000  }
0xe6: {  	[sflag:s25] =	ssyncset.done $0x0  }
0xe7: {  	s30 =	simm.s32 $0x7;
	s28 =	sadd.s32 s6, s20;
	[sflag:s25] =	ssyncadd.s32 $0xFFFFE000  }
0xe8: {  	[hbm4b:s28+s3] =	stream.linear.scatter [tilespmem:s26], [sflag:$0x10], $0x2000, $0x38;
	[tilespmem:$0x15C00] =	vst v63  }
0xe9: {  	_ =	swait.ge [sflag:s30], $0x2000  }
0xea: {  	[sflag:s30] =	ssyncset.done $0x0;
	s18 =	rddreg [dreg:$0x8]  }
0xeb: {  	s22 =	simm.s32 $0x8;
	[sflag:s30] =	ssyncadd.s32 $0xFFFFE000;
	s20 =	sadd.s32 s4, s18  }
0xec: {  	[hbm4b:s20+s3] =	stream.linear.scatter [tilespmem:s29], [sflag:$0x11], $0x2000, $0x38;
	[tilespmem:$0x15C00] =	vst v63  }
0xed: {  	_ =	swait.ge [sflag:s22], $0x2000  }
0xee: {  	[sflag:s22] =	ssyncset.done $0x0  }
0xef: {  	s25 =	simm.s32 $0x9;
	s24 =	sadd.s32 s6, s18;
	[sflag:s22] =	ssyncadd.s32 $0xFFFFE000  }
0xf0: {  	[hbm4b:s24+s3] =	stream.linear.scatter [tilespmem:s31], [sflag:$0x12], $0x2000, $0x38;
	[tilespmem:$0x15C00] =	vst v63  }
0xf1: {  	_ =	swait.ge [sflag:s25], $0x2000  }
0xf2: {  	[sflag:s25] =	ssyncset.done $0x0;
	s26 =	rddreg [dreg:$0x9]  }
0xf3: {  	[sflag:s25] =	ssyncadd.s32 $0xFFFFE000;
	s28 =	sadd.s32 s4, s26  }
0xf4: {  	[hbm4b:s28+s3] =	stream.linear.scatter [tilespmem:s0], [sflag:$0x13], $0x2000, $0x38;
	[tilespmem:$0x15C00] =	vst v63  }
0xf5: {  	_ =	swait.ge [sflag:s14], $0x2000  }
0xf6: {  	[sflag:s14] =	ssyncset.done $0x0  }
0xf7: {  	s29 =	sadd.s32 s6, s26;
	[sflag:s14] =	ssyncadd.s32 $0xFFFFE000  }
0xf8: {  	[hbm4b:s29+s3] =	stream.linear.scatter [tilespmem:s5], [sflag:$0x14], $0x2000, $0x38;
	[tilespmem:$0x15C00] =	vst v63  }
0xf9: {  	_ =	swait.ge [sflag:s7], $0x2000  }
0xfa: {  	[sflag:s7] =	ssyncset.done $0x0  }
0xfb: {  	[sflag:s7] =	ssyncadd.s32 $0xFFFFE000  }
0xfc: {  	_ =	swait.ge [sflag:s8], $0x2000  }
0xfd: {  	[sflag:s8] =	ssyncset.done $0x0  }
0xfe: {  	[sflag:s8] =	ssyncadd.s32 $0xFFFFE000  }
0xff: {  	_ =	swait.ge [sflag:s9], $0x2000  }
0x100: {  	[sflag:s9] =	ssyncset.done $0x0  }
0x101: {  	[sflag:s9] =	ssyncadd.s32 $0xFFFFE000  }
0x102: {  	_ =	swait.ge [sflag:s10], $0x2000  }
0x103: {  	[sflag:s10] =	ssyncset.done $0x0  }
0x104: {  	[sflag:s10] =	ssyncadd.s32 $0xFFFFE000  }
0x105: {  	_ =	swait.ge [sflag:s11], $0x2000  }
0x106: {  	[sflag:s11] =	ssyncset.done $0x0  }
0x107: {  	[sflag:s11] =	ssyncadd.s32 $0xFFFFE000  }
0x108: {  	_ =	swait.ge [sflag:s13], $0x2000  }
0x109: {  	[sflag:s13] =	ssyncset.done $0x0  }
0x10a: {  	[sflag:s13] =	ssyncadd.s32 $0xFFFFE000  }
0x10b: {  	_ =	swait.ge [sflag:s16], $0x2000  }
0x10c: {  	[sflag:s16] =	ssyncset.done $0x0  }
0x10d: {  	[sflag:s16] =	ssyncadd.s32 $0xFFFFE000  }
0x10e: {  	_ =	swait.ge [sflag:s17], $0x2000  }
0x10f: {  	[sflag:s17] =	ssyncset.done $0x0  }
0x110: {  	[sflag:s17] =	ssyncadd.s32 $0xFFFFE000  }
0x111: {  	_ =	swait.ge [sflag:s19], $0x2000  }
0x112: {  	[sflag:s19] =	ssyncset.done $0x0  }
0x113: {  	[sflag:s19] =	ssyncadd.s32 $0xFFFFE000  }
0x114: {  	_ =	swait.ge [sflag:s21], $0x2000  }
0x115: {  	s30 =	rddreg [dreg:$0xc]  }
0x116: {  	s31 =	rddreg [dreg:$0xa];
	s0 =	sadd.s32 $0x1, s30  }
0x117: {  	p0 =	sne.s32 s0, s31  }
.Ltmp1:
0x118: {  	_ = 	snop;
	(pc) =	sbr.rel @p0 .LBB2_1-.Ltmp1, $3  }
0x119: {  	_ =	sdelay $0x1  }
0x11a: {  	[sflag:s21] =	ssyncset.done $0x0  }
0x11b: {  	[sflag:s21] =	ssyncadd.s32 $0xFFFFE000  }
0x11c: {  	_ =	sfence.sel $0x180000  }
0x11d: {  	[bflag:$0x0] =	sbarrier.arrive $0xFFFF  }
0x11e: {  	_ =	strace $0x90000047  }
0x11f: {  	s0 =	stileid.u32;
	[bflag:$0x2] =	sbarrier.arrive $0xFFFF  }
0x120: {  	p0 =	sne.s32 s0, $0x0;
	s0 =	rddreg [dreg:$0x3]  }
0x121: {  	s0 =	sadd.s32 @!p0 $0x100000, s0  }
0x122: {  	[sflag:s0] =	ssyncadd.tile.s32 @!p0 $0x1;
	_ =	shalt  }
.Lfunc_end2:
_tile_overlayer_lowered:
.L_overlay_start_2:
0x123: {  	(tag) =	ssettag $0x2  }
0x124: {  	s0 =	rddreg [dreg:$0x0];
	s2 =	stileid.u32  }
0x125: {  	s1 =	rddreg [dreg:$0x1];
	p0 =	sne.s32 s2, $0x0  }
0x126: {  	s3 =	rddreg [dreg:$0x2];
	[bflag:$0x3] =	sbarrier.arrive $0xFFFF;
	s2 =	simm.s32 @!p0 $0x1C15  }
0x127: {  	[timem:s3], [sflag:s2] =	dma.local @!p0 [hbm:s0], s1  }
0x128: {  	s0 =	simm.s32 @!p0 $0x15  }
0x129: {  	_ =	swait.ge @!p0 [sflag:s0], s1  }
0x12a: {  	s1 =	ssub.s32 @!p0 $0x0, s1;
	[sflag:s0] =	ssyncset.done @!p0 $0x0  }
0x12b: {  	[sflag:s0] =	ssyncadd.s32 @!p0 s1  }
0x12c: {  	[bflag:$0x3] =	sbarrier.arrive $0xFFFF  }
0x12d: {  	_ =	shalt  }

</sc_bundles>
